<compile_context>
chip_gen: v7x
topology: tpu7x:2x2x1
jax: 0.10.2.dev20260603
libtpu: 0.0.44.dev20260713+nightly
codegen_flags: <defaults>
</compile_context>

<pallas_src>
import functools

import jax
import jax.numpy as jnp
from jax import lax
from jax.experimental import pallas as pl
from jax.experimental.pallas import tpu as pltpu
from jax.experimental.pallas import tpu_sc as plsc

N = 10000
E = 320000
D = 128
NC = 2
NS = 16
NW = NC * NS
RPW = 80
EROWS = NW * RPW
ACC_N = 10240
NPT = 624
NPT1 = ACC_N // NS
CH = 8


def _sc_segsum_body(with_counts, *refs):
    if with_counts:
        (u_hbm, srcr, dstr,
         s_out, c_out,
         s_sh, c_sh, src_v, dst_v, rows_v, ones_v, zc_v, sem, isem,
         ssem) = refs
    else:
        (u_hbm, srcr, dstr,
         s_out,
         s_sh, src_v, dst_v, rows_v, sem, isem, ssem) = refs

    cid = lax.axis_index("c")
    sid = lax.axis_index("s")
    wid = cid * NS + sid

    zero16 = jnp.zeros((16,), jnp.float32)

    def zrow(i, carry):
        for k in range(D // 16):
            rows_v[0, i, pl.ds(k * 16, 16)] = zero16
        return carry

    lax.fori_loop(0, D, zrow, 0)
    for b in range(NPT // D):
        pltpu.sync_copy(rows_v.at[0],
                        s_sh.at[pl.ds(sid * NPT + b * D, D)])
    rem = NPT - (NPT // D) * D
    pltpu.sync_copy(rows_v.at[0].at[pl.ds(0, rem)],
                    s_sh.at[pl.ds(sid * NPT + (NPT // D) * D, rem)])
    if with_counts:
        for k in range(NPT1 // 16):
            zc_v[pl.ds(k * 16, 16)] = zero16
        pltpu.sync_copy(zc_v, c_sh.at[pl.ds(sid * NPT1, NPT1)])
        for k in range(D // 16):
            ones_v[pl.ds(k * 16, 16)] = jnp.ones((16,), jnp.float32)

    @pl.when(sid == NS - 1)
    def _():
        tail = ACC_N - NS * NPT
        for b in range(tail // D):
            pltpu.sync_copy(rows_v.at[0],
                            s_sh.at[pl.ds(NS * NPT + b * D, D)])

    base = wid * RPW
    pltpu.sync_copy(srcr.at[pl.ds(base, CH)], src_v.at[0])
    pltpu.sync_copy(dstr.at[pl.ds(base, CH)], dst_v.at[0])

    plsc.subcore_barrier()

    pltpu.async_copy(u_hbm.at[src_v.at[0].at[0]], rows_v.at[0], sem)

    def step(j, carry):
        c = j // CH
        r = j - c * CH

        @pl.when((r == 0) & ((c + 1) * CH < RPW))
        def _():
            pltpu.async_copy(srcr.at[pl.ds(base + (c + 1) * CH, CH)],
                             src_v.at[(c + 1) % 2], isem)
            pltpu.async_copy(dstr.at[pl.ds(base + (c + 1) * CH, CH)],
                             dst_v.at[(c + 1) % 2], isem)

        @pl.when((r == CH - 1) & ((c + 1) * CH < RPW))
        def _():
            pltpu.make_async_copy(srcr.at[pl.ds(base, CH)],
                                  src_v.at[(c + 1) % 2], isem).wait()
            pltpu.make_async_copy(dstr.at[pl.ds(base, CH)],
                                  dst_v.at[(c + 1) % 2], isem).wait()

        @pl.when(j >= 1)
        def _():
            pltpu.make_async_copy(rows_v.at[(j + 1) % 2],
                                  s_sh.at[dst_v.at[c % 2].at[r]], ssem).wait()

        nxt = j + 1

        @pl.when(nxt < RPW)
        def _():
            c2 = nxt // CH
            r2 = nxt - c2 * CH
            pltpu.async_copy(u_hbm.at[src_v.at[c2 % 2].at[r2]],
                             rows_v.at[nxt % 2], sem)

        pltpu.make_async_copy(u_hbm.at[src_v.at[c % 2].at[r]],
                              rows_v.at[j % 2], sem).wait()
        pltpu.async_copy(rows_v.at[j % 2], s_sh.at[dst_v.at[c % 2].at[r]],
                         ssem, add=True)
        if with_counts:
            pltpu.sync_copy(ones_v, c_sh.at[dst_v.at[c % 2].at[r]], add=True)
        return carry

    lax.fori_loop(0, RPW, step, 0)
    pltpu.make_async_copy(rows_v.at[0], s_sh.at[dst_v.at[0].at[0]],
                          ssem).wait()

    plsc.subcore_barrier()

    pltpu.sync_copy(s_sh.at[pl.ds(sid * NPT, NPT)],
                    s_out.at[cid].at[pl.ds(sid * NPT, NPT)])
    if with_counts:
        pltpu.sync_copy(c_sh.at[pl.ds(sid * NPT1, NPT1)],
                        c_out.at[cid].at[pl.ds(sid * NPT1, NPT1)])

    @pl.when(sid == NS - 1)
    def _():
        tail = N - NS * NPT
        pltpu.sync_copy(s_sh.at[pl.ds(NS * NPT, tail)],
                        s_out.at[cid].at[pl.ds(NS * NPT, tail)])


@functools.cache
def _sc_kernels():
    mesh = plsc.VectorSubcoreMesh(
        core_axis_name="c", subcore_axis_name="s",
        num_cores=NC, num_subcores=NS,
    )
    layer1 = functools.partial(
        pl.kernel,
        functools.partial(_sc_segsum_body, True),
        out_type=(
            jax.ShapeDtypeStruct((NC, N, D), jnp.float32),
            jax.ShapeDtypeStruct((NC, ACC_N), jnp.float32),
        ),
        mesh=mesh,
        scratch_types=[
            pltpu.VMEM_SHARED((ACC_N, D), jnp.float32),
            pltpu.VMEM_SHARED((ACC_N,), jnp.float32),
            pltpu.VMEM((2, CH, D), jnp.int32),
            pltpu.VMEM((2, CH, D), jnp.int32),
            pltpu.VMEM((2, D, D), jnp.float32),
            pltpu.VMEM((D,), jnp.float32),
            pltpu.VMEM((NPT1,), jnp.float32),
            pltpu.SemaphoreType.DMA,
            pltpu.SemaphoreType.DMA,
            pltpu.SemaphoreType.DMA,
        ],
    )()
    layer2 = functools.partial(
        pl.kernel,
        functools.partial(_sc_segsum_body, False),
        out_type=jax.ShapeDtypeStruct((NC, N, D), jnp.float32),
        mesh=mesh,
        scratch_types=[
            pltpu.VMEM_SHARED((ACC_N, D), jnp.float32),
            pltpu.VMEM((2, CH, D), jnp.int32),
            pltpu.VMEM((2, CH, D), jnp.int32),
            pltpu.VMEM((2, D, D), jnp.float32),
            pltpu.SemaphoreType.DMA,
            pltpu.SemaphoreType.DMA,
            pltpu.SemaphoreType.DMA,
        ],
    )()
    return layer1, layer2



_RB = 1000


def _tc_pre_u_body(x_ref, wl_ref, u_ref):
    u_ref[...] = jnp.dot(x_ref[...], wl_ref[...].T,
                         preferred_element_type=jnp.float32)


def _tc_pre_v_body(x_ref, wr_ref, b_ref, v_ref):
    v_ref[...] = (jnp.dot(x_ref[...], wr_ref[...].T,
                          preferred_element_type=jnp.float32) + b_ref[...])


def _mid_h(s_ref, c_ref, v1_ref):
    inv = 1.0 / jnp.maximum(c_ref[...], 1.0)
    return jnp.maximum((s_ref[0] + s_ref[1]) * inv + v1_ref[...], 0.0)


def _tc_mid_u_body(s_ref, c_ref, v1_ref, wl_ref, u2_ref):
    h = _mid_h(s_ref, c_ref, v1_ref)
    u2_ref[...] = jnp.dot(h, wl_ref[...].T, preferred_element_type=jnp.float32)


def _tc_mid_v_body(s_ref, c_ref, v1_ref, wr_ref, b_ref, v2_ref):
    h = _mid_h(s_ref, c_ref, v1_ref)
    v2_ref[...] = (jnp.dot(h, wr_ref[...].T,
                           preferred_element_type=jnp.float32) + b_ref[...])


def _tc_post_body(s_ref, c_ref, v2_ref, out_ref):
    inv = 1.0 / jnp.maximum(c_ref[...], 1.0)
    out_ref[...] = (s_ref[0] + s_ref[1]) * inv + v2_ref[...]


def _full(shape):
    return pl.BlockSpec(shape, lambda i: (0,) * len(shape))


def _rows(shape):
    if len(shape) == 3:
        return pl.BlockSpec(shape, lambda i: (0, i, 0))
    return pl.BlockSpec(shape, lambda i: (i, 0))


_nd = jax.ShapeDtypeStruct((N, D), jnp.float32)

_tc_pre_u = pl.pallas_call(
    _tc_pre_u_body, grid=(N // _RB,),
    in_specs=[_rows((_RB, D)), _full((D, D))],
    out_specs=_rows((_RB, D)), out_shape=_nd,
)

_tc_pre_v = pl.pallas_call(
    _tc_pre_v_body, grid=(N // _RB,),
    in_specs=[_rows((_RB, D)), _full((D, D)), _full((1, D))],
    out_specs=_rows((_RB, D)), out_shape=_nd,
)

_tc_mid_u = pl.pallas_call(
    _tc_mid_u_body, grid=(N // _RB,),
    in_specs=[_rows((NC, _RB, D)), _rows((_RB, 1)), _rows((_RB, D)),
              _full((D, D))],
    out_specs=_rows((_RB, D)), out_shape=_nd,
)

_tc_mid_v = pl.pallas_call(
    _tc_mid_v_body, grid=(N // _RB,),
    in_specs=[_rows((NC, _RB, D)), _rows((_RB, 1)), _rows((_RB, D)),
              _full((D, D)), _full((1, D))],
    out_specs=_rows((_RB, D)), out_shape=_nd,
)

_tc_post = pl.pallas_call(
    _tc_post_body,
    grid=(N // _RB,),
    in_specs=[_rows((NC, _RB, D)), _rows((_RB, 1)), _rows((_RB, D))],
    out_specs=_rows((_RB, D)),
    out_shape=jax.ShapeDtypeStruct((N, D), jnp.float32),
)


@jax.jit
def kernel(x, edge_index, W_l1, b_l1, W_r1, W_l2, b_l2, W_r2):
    pad = EROWS * D - E
    pidx = jnp.arange(pad, dtype=jnp.int32)
    srcr = jnp.concatenate(
        [edge_index[0].astype(jnp.int32), pidx]
    ).reshape(EROWS, D)
    dstr = jnp.concatenate(
        [edge_index[1].astype(jnp.int32), N + (pidx & 127)]
    ).reshape(EROWS, D)
    sc_layer1, sc_layer2 = _sc_kernels()
    u1 = _tc_pre_u(x, W_l1)
    s1, cpart = sc_layer1(u1, srcr, dstr)
    v1 = _tc_pre_v(x, W_r1, b_l1.reshape(1, D))
    cnt_t = (cpart[0, :N] + cpart[1, :N]).reshape(N, 1)
    u2 = _tc_mid_u(s1, cnt_t, v1, W_l2)
    s2 = sc_layer2(u2, srcr, dstr)
    v2 = _tc_mid_v(s1, cnt_t, v1, W_r2, b_l2.reshape(1, D))
    return _tc_post(s2, cnt_t, v2)

# --- scband reference (transcript-rebuilt; emitter-appended) ---
"""Pipeline reference for scband-sage-2405181685958 (READ-ONLY COPY).

The authoritative reference and input builder live on the scoring server;
editing this copy changes nothing except your own understanding.
"""

import jax, jax.numpy as jnp
import numpy as np

N_NODES = 10000
N_EDGES = 320000
D_IN = 128
D_HID = 128
D_OUT = 128


def _glorot(key, shape):
    fan_in = shape[1]
    bound = 1.0 / np.sqrt(fan_in)
    return jax.random.uniform(key, shape, dtype=jnp.float32, minval=-bound, maxval=bound)


def setup_inputs(seed: int = 0) -> dict:
    key = jax.random.key(seed)
    ks = jax.random.split(key, 8)
    x = jax.random.normal(ks[0], (N_NODES, D_IN), dtype=jnp.float32)
    edge_index = jax.random.randint(ks[1], (2, N_EDGES), 0, N_NODES, dtype=jnp.int32)
    # Layer 1 params (SAGEConv: lin_l applied to aggregated neighbors with bias,
    # lin_r applied to root features without bias)
    W_l1 = _glorot(ks[2], (D_HID, D_IN))
    b_l1 = jnp.zeros((D_HID,), dtype=jnp.float32)
    W_r1 = _glorot(ks[3], (D_HID, D_IN))
    # Layer 2 params
    W_l2 = _glorot(ks[4], (D_OUT, D_HID))
    b_l2 = jnp.zeros((D_OUT,), dtype=jnp.float32)
    W_r2 = _glorot(ks[5], (D_OUT, D_HID))
    return {
        "x": x,
        "edge_index": edge_index,
        "W_l1": W_l1,
        "b_l1": b_l1,
        "W_r1": W_r1,
        "W_l2": W_l2,
        "b_l2": b_l2,
        "W_r2": W_r2,
    }


def _sage_conv(x, src, dst, W_l, b_l, W_r, n_nodes):
    # message: gather source node features along edges
    msg = jnp.take(x, src, axis=0)                                   # [E, d]
    # mean aggregation at destination nodes
    agg = jax.ops.segment_sum(msg, dst, num_segments=n_nodes)        # [N, d]
    cnt = jax.ops.segment_sum(jnp.ones((src.shape[0], 1), x.dtype), dst,
                              num_segments=n_nodes)                  # [N, 1]
    agg = agg / jnp.maximum(cnt, 1.0)
    # out = lin_l(agg) + lin_r(x)
    return agg @ W_l.T + b_l + x @ W_r.T


def reference(x, edge_index, W_l1, b_l1, W_r1, W_l2, b_l2, W_r2):
    src = edge_index[0]
    dst = edge_index[1]
    h = _sage_conv(x, src, dst, W_l1, b_l1, W_r1, N_NODES)
    h = jax.nn.relu(h)
    # dropout is identity in eval mode
    out = _sage_conv(h, src, dst, W_l2, b_l2, W_r2, N_NODES)
    return out

if __name__ == "__main__":
    import jax
    _d = setup_inputs()
    print(jax.jit(kernel)(*tuple(_d.values())))

</pallas_src>

<mosaic_0001>
#map = affine_map<(d0, d1) -> (0, 0)>
#map1 = affine_map<(d0, d1) -> (0, 0, 0)>
module attributes {stable_mosaic.version = 14 : i64} {
  func.func @_sc_segsum_body(%arg0: i32, %arg1: i32, %arg2: memref<10000x128xf32, #tpu.memory_space<hbm>>, %arg3: memref<2560x128xi32, #tpu.memory_space<hbm>>, %arg4: memref<2560x128xi32, #tpu.memory_space<hbm>>, %arg5: memref<2x10000x128xf32, #tpu.memory_space<hbm>>, %arg6: memref<10240x128xf32, #tpu.memory_space<vmem_shared>>, %arg7: memref<2x8x128xi32, #tpu.memory_space<vmem>>, %arg8: memref<2x8x128xi32, #tpu.memory_space<vmem>>, %arg9: memref<2x128x128xf32, #tpu.memory_space<vmem>>, %arg10: memref<!tpu.dma_semaphore, #tpu.memory_space<semaphore_mem>>, %arg11: memref<!tpu.dma_semaphore, #tpu.memory_space<semaphore_mem>>, %arg12: memref<!tpu.dma_semaphore, #tpu.memory_space<semaphore_mem>>) attributes {dimension_semantics = [#tpu.dimension_semantics<core_parallel>, #tpu.dimension_semantics<subcore_parallel>], iteration_bounds = array<i64: 2, 16>, scalar_prefetch = 0 : i64, scratch_operands = 7 : i64, tpu.core_type = #tpu.core_type<sc_vector_subcore>, window_params = [{transform_indices = #map}, {transform_indices = #map}, {transform_indices = #map}, {transform_indices = #map1}]} {
    %mul3A = arith.constant 16 : i32
    %mul3A_0 = arith.muli %arg0, %mul3A : i32
    %add3A = arith.addi %mul3A_0, %arg1 : i32
    %broadcast_in_dim3A = arith.constant 0.000000e+00 : f32
    %broadcast_in_dim3A_1 = vector.broadcast %broadcast_in_dim3A : f32 to vector<16xf32>
    %scan3A = arith.constant 0 : i32
    %scan3A_2 = arith.constant 0 : i32
    %scan3A_3 = arith.constant 128 : i32
    %scan3A_4 = arith.addi %scan3A_2, %scan3A_3 : i32
    %scan3A_5 = arith.constant 1 : i32
    scf.for %scan3A_85 = %scan3A_2 to %scan3A_4 step %scan3A_5  : i32 {
      %swap3A = arith.constant 0 : i32
      %swap3A_86 = arith.index_cast %swap3A : i32 to index
      %swap3A_87 = arith.index_cast %scan3A_85 : i32 to index
      %swap3A_88 = arith.constant 0 : index
      %swap3A_89 = tpu.vector_load %arg9[%swap3A_86, %swap3A_87, %swap3A_88] {strides = array<i32>} : memref<2x128x128xf32, #tpu.memory_space<vmem>>, vector<1x1x16xf32>,
      %swap3A_90 = vector.shape_cast %swap3A_89 : vector<1x1x16xf32> to vector<16xf32>
      %swap3A_91 = vector.shape_cast %broadcast_in_dim3A_1 : vector<16xf32> to vector<1x1x16xf32>
      tpu.vector_store %arg9[%swap3A_86, %swap3A_87, %swap3A_88], %swap3A_91 {strides = array<i32>} : memref<2x128x128xf32, #tpu.memory_space<vmem>>, vector<1x1x16xf32>,
      %swap3A_92 = arith.constant 0 : i32
      %swap3A_93 = arith.index_cast %swap3A_92 : i32 to index
      %swap3A_94 = arith.index_cast %scan3A_85 : i32 to index
      %swap3A_95 = arith.constant 16 : index
      %swap3A_96 = tpu.vector_load %arg9[%swap3A_93, %swap3A_94, %swap3A_95] {strides = array<i32>} : memref<2x128x128xf32, #tpu.memory_space<vmem>>, vector<1x1x16xf32>,
      %swap3A_97 = vector.shape_cast %swap3A_96 : vector<1x1x16xf32> to vector<16xf32>
      %swap3A_98 = vector.shape_cast %broadcast_in_dim3A_1 : vector<16xf32> to vector<1x1x16xf32>
      tpu.vector_store %arg9[%swap3A_93, %swap3A_94, %swap3A_95], %swap3A_98 {strides = array<i32>} : memref<2x128x128xf32, #tpu.memory_space<vmem>>, vector<1x1x16xf32>,
      %swap3A_99 = arith.constant 0 : i32
      %swap3A_100 = arith.index_cast %swap3A_99 : i32 to index
      %swap3A_101 = arith.index_cast %scan3A_85 : i32 to index
      %swap3A_102 = arith.constant 32 : index
      %swap3A_103 = tpu.vector_load %arg9[%swap3A_100, %swap3A_101, %swap3A_102] {strides = array<i32>} : memref<2x128x128xf32, #tpu.memory_space<vmem>>, vector<1x1x16xf32>,
      %swap3A_104 = vector.shape_cast %swap3A_103 : vector<1x1x16xf32> to vector<16xf32>
      %swap3A_105 = vector.shape_cast %broadcast_in_dim3A_1 : vector<16xf32> to vector<1x1x16xf32>
      tpu.vector_store %arg9[%swap3A_100, %swap3A_101, %swap3A_102], %swap3A_105 {strides = array<i32>} : memref<2x128x128xf32, #tpu.memory_space<vmem>>, vector<1x1x16xf32>,
      %swap3A_106 = arith.constant 0 : i32
      %swap3A_107 = arith.index_cast %swap3A_106 : i32 to index
      %swap3A_108 = arith.index_cast %scan3A_85 : i32 to index
      %swap3A_109 = arith.constant 48 : index
      %swap3A_110 = tpu.vector_load %arg9[%swap3A_107, %swap3A_108, %swap3A_109] {strides = array<i32>} : memref<2x128x128xf32, #tpu.memory_space<vmem>>, vector<1x1x16xf32>,
      %swap3A_111 = vector.shape_cast %swap3A_110 : vector<1x1x16xf32> to vector<16xf32>
      %swap3A_112 = vector.shape_cast %broadcast_in_dim3A_1 : vector<16xf32> to vector<1x1x16xf32>
      tpu.vector_store %arg9[%swap3A_107, %swap3A_108, %swap3A_109], %swap3A_112 {strides = array<i32>} : memref<2x128x128xf32, #tpu.memory_space<vmem>>, vector<1x1x16xf32>,
      %swap3A_113 = arith.constant 0 : i32
      %swap3A_114 = arith.index_cast %swap3A_113 : i32 to index
      %swap3A_115 = arith.index_cast %scan3A_85 : i32 to index
      %swap3A_116 = arith.constant 64 : index
      %swap3A_117 = tpu.vector_load %arg9[%swap3A_114, %swap3A_115, %swap3A_116] {strides = array<i32>} : memref<2x128x128xf32, #tpu.memory_space<vmem>>, vector<1x1x16xf32>,
      %swap3A_118 = vector.shape_cast %swap3A_117 : vector<1x1x16xf32> to vector<16xf32>
      %swap3A_119 = vector.shape_cast %broadcast_in_dim3A_1 : vector<16xf32> to vector<1x1x16xf32>
      tpu.vector_store %arg9[%swap3A_114, %swap3A_115, %swap3A_116], %swap3A_119 {strides = array<i32>} : memref<2x128x128xf32, #tpu.memory_space<vmem>>, vector<1x1x16xf32>,
      %swap3A_120 = arith.constant 0 : i32
      %swap3A_121 = arith.index_cast %swap3A_120 : i32 to index
      %swap3A_122 = arith.index_cast %scan3A_85 : i32 to index
      %swap3A_123 = arith.constant 80 : index
      %swap3A_124 = tpu.vector_load %arg9[%swap3A_121, %swap3A_122, %swap3A_123] {strides = array<i32>} : memref<2x128x128xf32, #tpu.memory_space<vmem>>, vector<1x1x16xf32>,
      %swap3A_125 = vector.shape_cast %swap3A_124 : vector<1x1x16xf32> to vector<16xf32>
      %swap3A_126 = vector.shape_cast %broadcast_in_dim3A_1 : vector<16xf32> to vector<1x1x16xf32>
      tpu.vector_store %arg9[%swap3A_121, %swap3A_122, %swap3A_123], %swap3A_126 {strides = array<i32>} : memref<2x128x128xf32, #tpu.memory_space<vmem>>, vector<1x1x16xf32>,
      %swap3A_127 = arith.constant 0 : i32
      %swap3A_128 = arith.index_cast %swap3A_127 : i32 to index
      %swap3A_129 = arith.index_cast %scan3A_85 : i32 to index
      %swap3A_130 = arith.constant 96 : index
      %swap3A_131 = tpu.vector_load %arg9[%swap3A_128, %swap3A_129, %swap3A_130] {strides = array<i32>} : memref<2x128x128xf32, #tpu.memory_space<vmem>>, vector<1x1x16xf32>,
      %swap3A_132 = vector.shape_cast %swap3A_131 : vector<1x1x16xf32> to vector<16xf32>
      %swap3A_133 = vector.shape_cast %broadcast_in_dim3A_1 : vector<16xf32> to vector<1x1x16xf32>
      tpu.vector_store %arg9[%swap3A_128, %swap3A_129, %swap3A_130], %swap3A_133 {strides = array<i32>} : memref<2x128x128xf32, #tpu.memory_space<vmem>>, vector<1x1x16xf32>,
      %swap3A_134 = arith.constant 0 : i32
      %swap3A_135 = arith.index_cast %swap3A_134 : i32 to index
      %swap3A_136 = arith.index_cast %scan3A_85 : i32 to index
      %swap3A_137 = arith.constant 112 : index
      %swap3A_138 = tpu.vector_load %arg9[%swap3A_135, %swap3A_136, %swap3A_137] {strides = array<i32>} : memref<2x128x128xf32, #tpu.memory_space<vmem>>, vector<1x1x16xf32>,
      %swap3A_139 = vector.shape_cast %swap3A_138 : vector<1x1x16xf32> to vector<16xf32>
      %swap3A_140 = vector.shape_cast %broadcast_in_dim3A_1 : vector<16xf32> to vector<1x1x16xf32>
      tpu.vector_store %arg9[%swap3A_135, %swap3A_136, %swap3A_137], %swap3A_140 {strides = array<i32>} : memref<2x128x128xf32, #tpu.memory_space<vmem>>, vector<1x1x16xf32>,
    }
    %scan3A_6 = arith.constant 128 : i32
    %mul3A_7 = arith.constant 624 : i32
    %mul3A_8 = arith.muli %arg1, %mul3A_7 : i32
    %add3A_9 = arith.constant 0 : i32
    %add3A_10 = arith.addi %mul3A_8, %add3A_9 : i32
    %run_scoped3A = arith.constant 0 : i32
    "tpu.region"() ({
      %run_scoped3A_85 = tpu.sem_alloc : memref<!tpu.dma_semaphore, #tpu.memory_space<semaphore_mem>>
      %dma_start3A_86 = arith.constant 0 : i32
      %dma_start3A_87 = arith.constant 0 : i32
      %dma_start3A_88 = tpu.memref_slice %arg9[%run_scoped3A, %dma_start3A_86, %dma_start3A_87] : memref<2x128x128xf32, #tpu.memory_space<vmem>> -> memref<1x128x128xf32, #tpu.memory_space<vmem>>
      %dma_start3A_89 = tpu.memref_squeeze %dma_start3A_88 : memref<1x128x128xf32, #tpu.memory_space<vmem>> -> memref<128x128xf32, #tpu.memory_space<vmem>>
      %dma_start3A_90 = arith.constant 0 : i32
      %dma_start3A_91 = tpu.memref_slice %arg6[%add3A_10, %dma_start3A_90] : memref<10240x128xf32, #tpu.memory_space<vmem_shared>> -> memref<128x128xf32, #tpu.memory_space<vmem_shared>>
      %dma_start3A_92 = arith.constant 0 : i32
      %dma_start3A_93 = tpu.memref_slice %arg6[%add3A_10, %dma_start3A_92] : memref<10240x128xf32, #tpu.memory_space<vmem_shared>> -> memref<128x128xf32, #tpu.memory_space<vmem_shared>>
      %dma_start3A_94 = arith.constant 0 : i32
      %dma_start3A_95 = arith.constant 0 : i32
      %dma_start3A_96 = tpu.memref_slice %arg9[%run_scoped3A, %dma_start3A_94, %dma_start3A_95] : memref<2x128x128xf32, #tpu.memory_space<vmem>> -> memref<1x128x128xf32, #tpu.memory_space<vmem>>
      %dma_start3A_97 = tpu.memref_squeeze %dma_start3A_96 : memref<1x128x128xf32, #tpu.memory_space<vmem>> -> memref<128x128xf32, #tpu.memory_space<vmem>>
      tpu.enqueue_dma source(%dma_start3A_97 : memref<128x128xf32, #tpu.memory_space<vmem>>) target(%dma_start3A_93 : memref<128x128xf32, #tpu.memory_space<vmem_shared>>) target_semaphore(%run_scoped3A_85 : memref<!tpu.dma_semaphore, #tpu.memory_space<semaphore_mem>>)
      %dma_wait3A_98 = arith.constant 0 : i32
      %dma_wait3A_99 = arith.constant 0 : i32
      %dma_wait3A_100 = tpu.memref_slice %arg9[%run_scoped3A, %dma_wait3A_98, %dma_wait3A_99] : memref<2x128x128xf32, #tpu.memory_space<vmem>> -> memref<1x128x128xf32, #tpu.memory_space<vmem>>
      %dma_wait3A_101 = tpu.memref_squeeze %dma_wait3A_100 : memref<1x128x128xf32, #tpu.memory_space<vmem>> -> memref<128x128xf32, #tpu.memory_space<vmem>>
      %dma_wait3A_102 = arith.constant 0 : i32
      %dma_wait3A_103 = tpu.memref_slice %arg6[%add3A_10, %dma_wait3A_102] : memref<10240x128xf32, #tpu.memory_space<vmem_shared>> -> memref<128x128xf32, #tpu.memory_space<vmem_shared>>
      %dma_wait3A_104 = arith.constant 0 : i32
      %dma_wait3A_105 = tpu.memref_slice %arg6[%add3A_10, %dma_wait3A_104] : memref<10240x128xf32, #tpu.memory_space<vmem_shared>> -> memref<128x128xf32, #tpu.memory_space<vmem_shared>>
      %dma_wait3A_106 = arith.constant 0 : i32
      %dma_wait3A_107 = arith.constant 0 : i32
      %dma_wait3A_108 = tpu.memref_slice %arg9[%run_scoped3A, %dma_wait3A_106, %dma_wait3A_107] : memref<2x128x128xf32, #tpu.memory_space<vmem>> -> memref<1x128x128xf32, #tpu.memory_space<vmem>>
      %dma_wait3A_109 = tpu.memref_squeeze %dma_wait3A_108 : memref<1x128x128xf32, #tpu.memory_space<vmem>> -> memref<128x128xf32, #tpu.memory_space<vmem>>
      tpu.wait_dma2 semaphore(%run_scoped3A_85 : memref<!tpu.dma_semaphore, #tpu.memory_space<semaphore_mem>>) src(%dma_wait3A_109 : memref<128x128xf32, #tpu.memory_space<vmem>>) dst(%dma_wait3A_105 : memref<128x128xf32, #tpu.memory_space<vmem_shared>>)
      tpu.yield
    }) : () -> ()
    %mul3A_11 = arith.constant 624 : i32
    %mul3A_12 = arith.muli %arg1, %mul3A_11 : i32
    %add3A_13 = arith.constant 128 : i32
    %add3A_14 = arith.addi %mul3A_12, %add3A_13 : i32
    %run_scoped3A_15 = arith.constant 0 : i32
    "tpu.region"() ({
      %run_scoped3A_85 = tpu.sem_alloc : memref<!tpu.dma_semaphore, #tpu.memory_space<semaphore_mem>>
      %dma_start3A_86 = arith.constant 0 : i32
      %dma_start3A_87 = arith.constant 0 : i32
      %dma_start3A_88 = tpu.memref_slice %arg9[%run_scoped3A_15, %dma_start3A_86, %dma_start3A_87] : memref<2x128x128xf32, #tpu.memory_space<vmem>> -> memref<1x128x128xf32, #tpu.memory_space<vmem>>
      %dma_start3A_89 = tpu.memref_squeeze %dma_start3A_88 : memref<1x128x128xf32, #tpu.memory_space<vmem>> -> memref<128x128xf32, #tpu.memory_space<vmem>>
      %dma_start3A_90 = arith.constant 0 : i32
      %dma_start3A_91 = tpu.memref_slice %arg6[%add3A_14, %dma_start3A_90] : memref<10240x128xf32, #tpu.memory_space<vmem_shared>> -> memref<128x128xf32, #tpu.memory_space<vmem_shared>>
      %dma_start3A_92 = arith.constant 0 : i32
      %dma_start3A_93 = tpu.memref_slice %arg6[%add3A_14, %dma_start3A_92] : memref<10240x128xf32, #tpu.memory_space<vmem_shared>> -> memref<128x128xf32, #tpu.memory_space<vmem_shared>>
      %dma_start3A_94 = arith.constant 0 : i32
      %dma_start3A_95 = arith.constant 0 : i32
      %dma_start3A_96 = tpu.memref_slice %arg9[%run_scoped3A_15, %dma_start3A_94, %dma_start3A_95] : memref<2x128x128xf32, #tpu.memory_space<vmem>> -> memref<1x128x128xf32, #tpu.memory_space<vmem>>
      %dma_start3A_97 = tpu.memref_squeeze %dma_start3A_96 : memref<1x128x128xf32, #tpu.memory_space<vmem>> -> memref<128x128xf32, #tpu.memory_space<vmem>>
      tpu.enqueue_dma source(%dma_start3A_97 : memref<128x128xf32, #tpu.memory_space<vmem>>) target(%dma_start3A_93 : memref<128x128xf32, #tpu.memory_space<vmem_shared>>) target_semaphore(%run_scoped3A_85 : memref<!tpu.dma_semaphore, #tpu.memory_space<semaphore_mem>>)
      %dma_wait3A_98 = arith.constant 0 : i32
      %dma_wait3A_99 = arith.constant 0 : i32
      %dma_wait3A_100 = tpu.memref_slice %arg9[%run_scoped3A_15, %dma_wait3A_98, %dma_wait3A_99] : memref<2x128x128xf32, #tpu.memory_space<vmem>> -> memref<1x128x128xf32, #tpu.memory_space<vmem>>
      %dma_wait3A_101 = tpu.memref_squeeze %dma_wait3A_100 : memref<1x128x128xf32, #tpu.memory_space<vmem>> -> memref<128x128xf32, #tpu.memory_space<vmem>>
      %dma_wait3A_102 = arith.constant 0 : i32
      %dma_wait3A_103 = tpu.memref_slice %arg6[%add3A_14, %dma_wait3A_102] : memref<10240x128xf32, #tpu.memory_space<vmem_shared>> -> memref<128x128xf32, #tpu.memory_space<vmem_shared>>
      %dma_wait3A_104 = arith.constant 0 : i32
      %dma_wait3A_105 = tpu.memref_slice %arg6[%add3A_14, %dma_wait3A_104] : memref<10240x128xf32, #tpu.memory_space<vmem_shared>> -> memref<128x128xf32, #tpu.memory_space<vmem_shared>>
      %dma_wait3A_106 = arith.constant 0 : i32
      %dma_wait3A_107 = arith.constant 0 : i32
      %dma_wait3A_108 = tpu.memref_slice %arg9[%run_scoped3A_15, %dma_wait3A_106, %dma_wait3A_107] : memref<2x128x128xf32, #tpu.memory_space<vmem>> -> memref<1x128x128xf32, #tpu.memory_space<vmem>>
      %dma_wait3A_109 = tpu.memref_squeeze %dma_wait3A_108 : memref<1x128x128xf32, #tpu.memory_space<vmem>> -> memref<128x128xf32, #tpu.memory_space<vmem>>
      tpu.wait_dma2 semaphore(%run_scoped3A_85 : memref<!tpu.dma_semaphore, #tpu.memory_space<semaphore_mem>>) src(%dma_wait3A_109 : memref<128x128xf32, #tpu.memory_space<vmem>>) dst(%dma_wait3A_105 : memref<128x128xf32, #tpu.memory_space<vmem_shared>>)
      tpu.yield
    }) : () -> ()
    %mul3A_16 = arith.constant 624 : i32
    %mul3A_17 = arith.muli %arg1, %mul3A_16 : i32
    %add3A_18 = arith.constant 256 : i32
    %add3A_19 = arith.addi %mul3A_17, %add3A_18 : i32
    %run_scoped3A_20 = arith.constant 0 : i32
    "tpu.region"() ({
      %run_scoped3A_85 = tpu.sem_alloc : memref<!tpu.dma_semaphore, #tpu.memory_space<semaphore_mem>>
      %dma_start3A_86 = arith.constant 0 : i32
      %dma_start3A_87 = arith.constant 0 : i32
      %dma_start3A_88 = tpu.memref_slice %arg9[%run_scoped3A_20, %dma_start3A_86, %dma_start3A_87] : memref<2x128x128xf32, #tpu.memory_space<vmem>> -> memref<1x128x128xf32, #tpu.memory_space<vmem>>
      %dma_start3A_89 = tpu.memref_squeeze %dma_start3A_88 : memref<1x128x128xf32, #tpu.memory_space<vmem>> -> memref<128x128xf32, #tpu.memory_space<vmem>>
      %dma_start3A_90 = arith.constant 0 : i32
      %dma_start3A_91 = tpu.memref_slice %arg6[%add3A_19, %dma_start3A_90] : memref<10240x128xf32, #tpu.memory_space<vmem_shared>> -> memref<128x128xf32, #tpu.memory_space<vmem_shared>>
      %dma_start3A_92 = arith.constant 0 : i32
      %dma_start3A_93 = tpu.memref_slice %arg6[%add3A_19, %dma_start3A_92] : memref<10240x128xf32, #tpu.memory_space<vmem_shared>> -> memref<128x128xf32, #tpu.memory_space<vmem_shared>>
      %dma_start3A_94 = arith.constant 0 : i32
      %dma_start3A_95 = arith.constant 0 : i32
      %dma_start3A_96 = tpu.memref_slice %arg9[%run_scoped3A_20, %dma_start3A_94, %dma_start3A_95] : memref<2x128x128xf32, #tpu.memory_space<vmem>> -> memref<1x128x128xf32, #tpu.memory_space<vmem>>
      %dma_start3A_97 = tpu.memref_squeeze %dma_start3A_96 : memref<1x128x128xf32, #tpu.memory_space<vmem>> -> memref<128x128xf32, #tpu.memory_space<vmem>>
      tpu.enqueue_dma source(%dma_start3A_97 : memref<128x128xf32, #tpu.memory_space<vmem>>) target(%dma_start3A_93 : memref<128x128xf32, #tpu.memory_space<vmem_shared>>) target_semaphore(%run_scoped3A_85 : memref<!tpu.dma_semaphore, #tpu.memory_space<semaphore_mem>>)
      %dma_wait3A_98 = arith.constant 0 : i32
      %dma_wait3A_99 = arith.constant 0 : i32
      %dma_wait3A_100 = tpu.memref_slice %arg9[%run_scoped3A_20, %dma_wait3A_98, %dma_wait3A_99] : memref<2x128x128xf32, #tpu.memory_space<vmem>> -> memref<1x128x128xf32, #tpu.memory_space<vmem>>
      %dma_wait3A_101 = tpu.memref_squeeze %dma_wait3A_100 : memref<1x128x128xf32, #tpu.memory_space<vmem>> -> memref<128x128xf32, #tpu.memory_space<vmem>>
      %dma_wait3A_102 = arith.constant 0 : i32
      %dma_wait3A_103 = tpu.memref_slice %arg6[%add3A_19, %dma_wait3A_102] : memref<10240x128xf32, #tpu.memory_space<vmem_shared>> -> memref<128x128xf32, #tpu.memory_space<vmem_shared>>
      %dma_wait3A_104 = arith.constant 0 : i32
      %dma_wait3A_105 = tpu.memref_slice %arg6[%add3A_19, %dma_wait3A_104] : memref<10240x128xf32, #tpu.memory_space<vmem_shared>> -> memref<128x128xf32, #tpu.memory_space<vmem_shared>>
      %dma_wait3A_106 = arith.constant 0 : i32
      %dma_wait3A_107 = arith.constant 0 : i32
      %dma_wait3A_108 = tpu.memref_slice %arg9[%run_scoped3A_20, %dma_wait3A_106, %dma_wait3A_107] : memref<2x128x128xf32, #tpu.memory_space<vmem>> -> memref<1x128x128xf32, #tpu.memory_space<vmem>>
      %dma_wait3A_109 = tpu.memref_squeeze %dma_wait3A_108 : memref<1x128x128xf32, #tpu.memory_space<vmem>> -> memref<128x128xf32, #tpu.memory_space<vmem>>
      tpu.wait_dma2 semaphore(%run_scoped3A_85 : memref<!tpu.dma_semaphore, #tpu.memory_space<semaphore_mem>>) src(%dma_wait3A_109 : memref<128x128xf32, #tpu.memory_space<vmem>>) dst(%dma_wait3A_105 : memref<128x128xf32, #tpu.memory_space<vmem_shared>>)
      tpu.yield
    }) : () -> ()
    %mul3A_21 = arith.constant 624 : i32
    %mul3A_22 = arith.muli %arg1, %mul3A_21 : i32
    %add3A_23 = arith.constant 384 : i32
    %add3A_24 = arith.addi %mul3A_22, %add3A_23 : i32
    %run_scoped3A_25 = arith.constant 0 : i32
    "tpu.region"() ({
      %run_scoped3A_85 = tpu.sem_alloc : memref<!tpu.dma_semaphore, #tpu.memory_space<semaphore_mem>>
      %dma_start3A_86 = arith.constant 0 : i32
      %dma_start3A_87 = arith.constant 0 : i32
      %dma_start3A_88 = tpu.memref_slice %arg9[%run_scoped3A_25, %dma_start3A_86, %dma_start3A_87] : memref<2x128x128xf32, #tpu.memory_space<vmem>> -> memref<1x128x128xf32, #tpu.memory_space<vmem>>
      %dma_start3A_89 = tpu.memref_squeeze %dma_start3A_88 : memref<1x128x128xf32, #tpu.memory_space<vmem>> -> memref<128x128xf32, #tpu.memory_space<vmem>>
      %dma_start3A_90 = arith.constant 0 : i32
      %dma_start3A_91 = tpu.memref_slice %arg6[%add3A_24, %dma_start3A_90] : memref<10240x128xf32, #tpu.memory_space<vmem_shared>> -> memref<128x128xf32, #tpu.memory_space<vmem_shared>>
      %dma_start3A_92 = arith.constant 0 : i32
      %dma_start3A_93 = tpu.memref_slice %arg6[%add3A_24, %dma_start3A_92] : memref<10240x128xf32, #tpu.memory_space<vmem_shared>> -> memref<128x128xf32, #tpu.memory_space<vmem_shared>>
      %dma_start3A_94 = arith.constant 0 : i32
      %dma_start3A_95 = arith.constant 0 : i32
      %dma_start3A_96 = tpu.memref_slice %arg9[%run_scoped3A_25, %dma_start3A_94, %dma_start3A_95] : memref<2x128x128xf32, #tpu.memory_space<vmem>> -> memref<1x128x128xf32, #tpu.memory_space<vmem>>
      %dma_start3A_97 = tpu.memref_squeeze %dma_start3A_96 : memref<1x128x128xf32, #tpu.memory_space<vmem>> -> memref<128x128xf32, #tpu.memory_space<vmem>>
      tpu.enqueue_dma source(%dma_start3A_97 : memref<128x128xf32, #tpu.memory_space<vmem>>) target(%dma_start3A_93 : memref<128x128xf32, #tpu.memory_space<vmem_shared>>) target_semaphore(%run_scoped3A_85 : memref<!tpu.dma_semaphore, #tpu.memory_space<semaphore_mem>>)
      %dma_wait3A_98 = arith.constant 0 : i32
      %dma_wait3A_99 = arith.constant 0 : i32
      %dma_wait3A_100 = tpu.memref_slice %arg9[%run_scoped3A_25, %dma_wait3A_98, %dma_wait3A_99] : memref<2x128x128xf32, #tpu.memory_space<vmem>> -> memref<1x128x128xf32, #tpu.memory_space<vmem>>
      %dma_wait3A_101 = tpu.memref_squeeze %dma_wait3A_100 : memref<1x128x128xf32, #tpu.memory_space<vmem>> -> memref<128x128xf32, #tpu.memory_space<vmem>>
      %dma_wait3A_102 = arith.constant 0 : i32
      %dma_wait3A_103 = tpu.memref_slice %arg6[%add3A_24, %dma_wait3A_102] : memref<10240x128xf32, #tpu.memory_space<vmem_shared>> -> memref<128x128xf32, #tpu.memory_space<vmem_shared>>
      %dma_wait3A_104 = arith.constant 0 : i32
      %dma_wait3A_105 = tpu.memref_slice %arg6[%add3A_24, %dma_wait3A_104] : memref<10240x128xf32, #tpu.memory_space<vmem_shared>> -> memref<128x128xf32, #tpu.memory_space<vmem_shared>>
      %dma_wait3A_106 = arith.constant 0 : i32
      %dma_wait3A_107 = arith.constant 0 : i32
      %dma_wait3A_108 = tpu.memref_slice %arg9[%run_scoped3A_25, %dma_wait3A_106, %dma_wait3A_107] : memref<2x128x128xf32, #tpu.memory_space<vmem>> -> memref<1x128x128xf32, #tpu.memory_space<vmem>>
      %dma_wait3A_109 = tpu.memref_squeeze %dma_wait3A_108 : memref<1x128x128xf32, #tpu.memory_space<vmem>> -> memref<128x128xf32, #tpu.memory_space<vmem>>
      tpu.wait_dma2 semaphore(%run_scoped3A_85 : memref<!tpu.dma_semaphore, #tpu.memory_space<semaphore_mem>>) src(%dma_wait3A_109 : memref<128x128xf32, #tpu.memory_space<vmem>>) dst(%dma_wait3A_105 : memref<128x128xf32, #tpu.memory_space<vmem_shared>>)
      tpu.yield
    }) : () -> ()
    %mul3A_26 = arith.constant 624 : i32
    %mul3A_27 = arith.muli %arg1, %mul3A_26 : i32
    %add3A_28 = arith.constant 512 : i32
    %add3A_29 = arith.addi %mul3A_27, %add3A_28 : i32
    %run_scoped3A_30 = arith.constant 0 : i32
    "tpu.region"() ({
      %run_scoped3A_85 = tpu.sem_alloc : memref<!tpu.dma_semaphore, #tpu.memory_space<semaphore_mem>>
      %dma_start3A_86 = arith.constant 0 : i32
      %dma_start3A_87 = arith.constant 0 : i32
      %dma_start3A_88 = tpu.memref_slice %arg9[%run_scoped3A_30, %dma_start3A_86, %dma_start3A_87] : memref<2x128x128xf32, #tpu.memory_space<vmem>> -> memref<1x128x128xf32, #tpu.memory_space<vmem>>
      %dma_start3A_89 = tpu.memref_squeeze %dma_start3A_88 : memref<1x128x128xf32, #tpu.memory_space<vmem>> -> memref<128x128xf32, #tpu.memory_space<vmem>>
      %dma_start3A_90 = arith.constant 0 : i32
      %dma_start3A_91 = arith.constant 0 : i32
      %dma_start3A_92 = tpu.memref_slice %dma_start3A_89[%dma_start3A_90, %dma_start3A_91] : memref<128x128xf32, #tpu.memory_space<vmem>> -> memref<112x128xf32, #tpu.memory_space<vmem>>
      %dma_start3A_93 = arith.constant 0 : i32
      %dma_start3A_94 = tpu.memref_slice %arg6[%add3A_29, %dma_start3A_93] : memref<10240x128xf32, #tpu.memory_space<vmem_shared>> -> memref<112x128xf32, #tpu.memory_space<vmem_shared>>
      %dma_start3A_95 = arith.constant 0 : i32
      %dma_start3A_96 = tpu.memref_slice %arg6[%add3A_29, %dma_start3A_95] : memref<10240x128xf32, #tpu.memory_space<vmem_shared>> -> memref<112x128xf32, #tpu.memory_space<vmem_shared>>
      %dma_start3A_97 = arith.constant 0 : i32
      %dma_start3A_98 = arith.constant 0 : i32
      %dma_start3A_99 = tpu.memref_slice %arg9[%run_scoped3A_30, %dma_start3A_97, %dma_start3A_98] : memref<2x128x128xf32, #tpu.memory_space<vmem>> -> memref<1x128x128xf32, #tpu.memory_space<vmem>>
      %dma_start3A_100 = tpu.memref_squeeze %dma_start3A_99 : memref<1x128x128xf32, #tpu.memory_space<vmem>> -> memref<128x128xf32, #tpu.memory_space<vmem>>
      %dma_start3A_101 = arith.constant 0 : i32
      %dma_start3A_102 = arith.constant 0 : i32
      %dma_start3A_103 = tpu.memref_slice %dma_start3A_100[%dma_start3A_101, %dma_start3A_102] : memref<128x128xf32, #tpu.memory_space<vmem>> -> memref<112x128xf32, #tpu.memory_space<vmem>>
      tpu.enqueue_dma source(%dma_start3A_103 : memref<112x128xf32, #tpu.memory_space<vmem>>) target(%dma_start3A_96 : memref<112x128xf32, #tpu.memory_space<vmem_shared>>) target_semaphore(%run_scoped3A_85 : memref<!tpu.dma_semaphore, #tpu.memory_space<semaphore_mem>>)
      %dma_wait3A_104 = arith.constant 0 : i32
      %dma_wait3A_105 = arith.constant 0 : i32
      %dma_wait3A_106 = tpu.memref_slice %arg9[%run_scoped3A_30, %dma_wait3A_104, %dma_wait3A_105] : memref<2x128x128xf32, #tpu.memory_space<vmem>> -> memref<1x128x128xf32, #tpu.memory_space<vmem>>
      %dma_wait3A_107 = tpu.memref_squeeze %dma_wait3A_106 : memref<1x128x128xf32, #tpu.memory_space<vmem>> -> memref<128x128xf32, #tpu.memory_space<vmem>>
      %dma_wait3A_108 = arith.constant 0 : i32
      %dma_wait3A_109 = arith.constant 0 : i32
      %dma_wait3A_110 = tpu.memref_slice %dma_wait3A_107[%dma_wait3A_108, %dma_wait3A_109] : memref<128x128xf32, #tpu.memory_space<vmem>> -> memref<112x128xf32, #tpu.memory_space<vmem>>
      %dma_wait3A_111 = arith.constant 0 : i32
      %dma_wait3A_112 = tpu.memref_slice %arg6[%add3A_29, %dma_wait3A_111] : memref<10240x128xf32, #tpu.memory_space<vmem_shared>> -> memref<112x128xf32, #tpu.memory_space<vmem_shared>>
      %dma_wait3A_113 = arith.constant 0 : i32
      %dma_wait3A_114 = tpu.memref_slice %arg6[%add3A_29, %dma_wait3A_113] : memref<10240x128xf32, #tpu.memory_space<vmem_shared>> -> memref<112x128xf32, #tpu.memory_space<vmem_shared>>
      %dma_wait3A_115 = arith.constant 0 : i32
      %dma_wait3A_116 = arith.constant 0 : i32
      %dma_wait3A_117 = tpu.memref_slice %arg9[%run_scoped3A_30, %dma_wait3A_115, %dma_wait3A_116] : memref<2x128x128xf32, #tpu.memory_space<vmem>> -> memref<1x128x128xf32, #tpu.memory_space<vmem>>
      %dma_wait3A_118 = tpu.memref_squeeze %dma_wait3A_117 : memref<1x128x128xf32, #tpu.memory_space<vmem>> -> memref<128x128xf32, #tpu.memory_space<vmem>>
      %dma_wait3A_119 = arith.constant 0 : i32
      %dma_wait3A_120 = arith.constant 0 : i32
      %dma_wait3A_121 = tpu.memref_slice %dma_wait3A_118[%dma_wait3A_119, %dma_wait3A_120] : memref<128x128xf32, #tpu.memory_space<vmem>> -> memref<112x128xf32, #tpu.memory_space<vmem>>
      tpu.wait_dma2 semaphore(%run_scoped3A_85 : memref<!tpu.dma_semaphore, #tpu.memory_space<semaphore_mem>>) src(%dma_wait3A_121 : memref<112x128xf32, #tpu.memory_space<vmem>>) dst(%dma_wait3A_114 : memref<112x128xf32, #tpu.memory_space<vmem_shared>>)
      tpu.yield
    }) : () -> ()
    %eq3A = arith.constant 15 : i32
    %eq3A_31 = arith.cmpi eq, %arg1, %eq3A : i32
    %convert_element_type3A = arith.extui %eq3A_31 : i1 to i32
    %cond3A = arith.constant 0 : i32
    %cond3A_32 = arith.cmpi ne, %convert_element_type3A, %cond3A : i32
    scf.if %cond3A_32 {
      %run_scoped3A_85 = arith.constant 0 : i32
      "tpu.region"() ({
        %run_scoped3A_87 = tpu.sem_alloc : memref<!tpu.dma_semaphore, #tpu.memory_space<semaphore_mem>>
        %dma_start3A_88 = arith.constant 0 : i32
        %dma_start3A_89 = arith.constant 0 : i32
        %dma_start3A_90 = tpu.memref_slice %arg9[%run_scoped3A_85, %dma_start3A_88, %dma_start3A_89] : memref<2x128x128xf32, #tpu.memory_space<vmem>> -> memref<1x128x128xf32, #tpu.memory_space<vmem>>
        %dma_start3A_91 = tpu.memref_squeeze %dma_start3A_90 : memref<1x128x128xf32, #tpu.memory_space<vmem>> -> memref<128x128xf32, #tpu.memory_space<vmem>>
        %dma_start3A_92 = arith.constant 9984 : i32
        %dma_start3A_93 = arith.constant 0 : i32
        %dma_start3A_94 = tpu.memref_slice %arg6[%dma_start3A_92, %dma_start3A_93] : memref<10240x128xf32, #tpu.memory_space<vmem_shared>> -> memref<128x128xf32, #tpu.memory_space<vmem_shared>>
        %dma_start3A_95 = arith.constant 9984 : i32
        %dma_start3A_96 = arith.constant 0 : i32
        %dma_start3A_97 = tpu.memref_slice %arg6[%dma_start3A_95, %dma_start3A_96] : memref<10240x128xf32, #tpu.memory_space<vmem_shared>> -> memref<128x128xf32, #tpu.memory_space<vmem_shared>>
        %dma_start3A_98 = arith.constant 0 : i32
        %dma_start3A_99 = arith.constant 0 : i32
        %dma_start3A_100 = tpu.memref_slice %arg9[%run_scoped3A_85, %dma_start3A_98, %dma_start3A_99] : memref<2x128x128xf32, #tpu.memory_space<vmem>> -> memref<1x128x128xf32, #tpu.memory_space<vmem>>
        %dma_start3A_101 = tpu.memref_squeeze %dma_start3A_100 : memref<1x128x128xf32, #tpu.memory_space<vmem>> -> memref<128x128xf32, #tpu.memory_space<vmem>>
        tpu.enqueue_dma source(%dma_start3A_101 : memref<128x128xf32, #tpu.memory_space<vmem>>) target(%dma_start3A_97 : memref<128x128xf32, #tpu.memory_space<vmem_shared>>) target_semaphore(%run_scoped3A_87 : memref<!tpu.dma_semaphore, #tpu.memory_space<semaphore_mem>>)
        %dma_wait3A_102 = arith.constant 0 : i32
        %dma_wait3A_103 = arith.constant 0 : i32
        %dma_wait3A_104 = tpu.memref_slice %arg9[%run_scoped3A_85, %dma_wait3A_102, %dma_wait3A_103] : memref<2x128x128xf32, #tpu.memory_space<vmem>> -> memref<1x128x128xf32, #tpu.memory_space<vmem>>
        %dma_wait3A_105 = tpu.memref_squeeze %dma_wait3A_104 : memref<1x128x128xf32, #tpu.memory_space<vmem>> -> memref<128x128xf32, #tpu.memory_space<vmem>>
        %dma_wait3A_106 = arith.constant 9984 : i32
        %dma_wait3A_107 = arith.constant 0 : i32
        %dma_wait3A_108 = tpu.memref_slice %arg6[%dma_wait3A_106, %dma_wait3A_107] : memref<10240x128xf32, #tpu.memory_space<vmem_shared>> -> memref<128x128xf32, #tpu.memory_space<vmem_shared>>
        %dma_wait3A_109 = arith.constant 9984 : i32
        %dma_wait3A_110 = arith.constant 0 : i32
        %dma_wait3A_111 = tpu.memref_slice %arg6[%dma_wait3A_109, %dma_wait3A_110] : memref<10240x128xf32, #tpu.memory_space<vmem_shared>> -> memref<128x128xf32, #tpu.memory_space<vmem_shared>>
        %dma_wait3A_112 = arith.constant 0 : i32
        %dma_wait3A_113 = arith.constant 0 : i32
        %dma_wait3A_114 = tpu.memref_slice %arg9[%run_scoped3A_85, %dma_wait3A_112, %dma_wait3A_113] : memref<2x128x128xf32, #tpu.memory_space<vmem>> -> memref<1x128x128xf32, #tpu.memory_space<vmem>>
        %dma_wait3A_115 = tpu.memref_squeeze %dma_wait3A_114 : memref<1x128x128xf32, #tpu.memory_space<vmem>> -> memref<128x128xf32, #tpu.memory_space<vmem>>
        tpu.wait_dma2 semaphore(%run_scoped3A_87 : memref<!tpu.dma_semaphore, #tpu.memory_space<semaphore_mem>>) src(%dma_wait3A_115 : memref<128x128xf32, #tpu.memory_space<vmem>>) dst(%dma_wait3A_111 : memref<128x128xf32, #tpu.memory_space<vmem_shared>>)
        tpu.yield
      }) : () -> ()
      %run_scoped3A_86 = arith.constant 0 : i32
      "tpu.region"() ({
        %run_scoped3A_87 = tpu.sem_alloc : memref<!tpu.dma_semaphore, #tpu.memory_space<semaphore_mem>>
        %dma_start3A_88 = arith.constant 0 : i32
        %dma_start3A_89 = arith.constant 0 : i32
        %dma_start3A_90 = tpu.memref_slice %arg9[%run_scoped3A_86, %dma_start3A_88, %dma_start3A_89] : memref<2x128x128xf32, #tpu.memory_space<vmem>> -> memref<1x128x128xf32, #tpu.memory_space<vmem>>
        %dma_start3A_91 = tpu.memref_squeeze %dma_start3A_90 : memref<1x128x128xf32, #tpu.memory_space<vmem>> -> memref<128x128xf32, #tpu.memory_space<vmem>>
        %dma_start3A_92 = arith.constant 10112 : i32
        %dma_start3A_93 = arith.constant 0 : i32
        %dma_start3A_94 = tpu.memref_slice %arg6[%dma_start3A_92, %dma_start3A_93] : memref<10240x128xf32, #tpu.memory_space<vmem_shared>> -> memref<128x128xf32, #tpu.memory_space<vmem_shared>>
        %dma_start3A_95 = arith.constant 10112 : i32
        %dma_start3A_96 = arith.constant 0 : i32
        %dma_start3A_97 = tpu.memref_slice %arg6[%dma_start3A_95, %dma_start3A_96] : memref<10240x128xf32, #tpu.memory_space<vmem_shared>> -> memref<128x128xf32, #tpu.memory_space<vmem_shared>>
        %dma_start3A_98 = arith.constant 0 : i32
        %dma_start3A_99 = arith.constant 0 : i32
        %dma_start3A_100 = tpu.memref_slice %arg9[%run_scoped3A_86, %dma_start3A_98, %dma_start3A_99] : memref<2x128x128xf32, #tpu.memory_space<vmem>> -> memref<1x128x128xf32, #tpu.memory_space<vmem>>
        %dma_start3A_101 = tpu.memref_squeeze %dma_start3A_100 : memref<1x128x128xf32, #tpu.memory_space<vmem>> -> memref<128x128xf32, #tpu.memory_space<vmem>>
        tpu.enqueue_dma source(%dma_start3A_101 : memref<128x128xf32, #tpu.memory_space<vmem>>) target(%dma_start3A_97 : memref<128x128xf32, #tpu.memory_space<vmem_shared>>) target_semaphore(%run_scoped3A_87 : memref<!tpu.dma_semaphore, #tpu.memory_space<semaphore_mem>>)
        %dma_wait3A_102 = arith.constant 0 : i32
        %dma_wait3A_103 = arith.constant 0 : i32
        %dma_wait3A_104 = tpu.memref_slice %arg9[%run_scoped3A_86, %dma_wait3A_102, %dma_wait3A_103] : memref<2x128x128xf32, #tpu.memory_space<vmem>> -> memref<1x128x128xf32, #tpu.memory_space<vmem>>
        %dma_wait3A_105 = tpu.memref_squeeze %dma_wait3A_104 : memref<1x128x128xf32, #tpu.memory_space<vmem>> -> memref<128x128xf32, #tpu.memory_space<vmem>>
        %dma_wait3A_106 = arith.constant 10112 : i32
        %dma_wait3A_107 = arith.constant 0 : i32
        %dma_wait3A_108 = tpu.memref_slice %arg6[%dma_wait3A_106, %dma_wait3A_107] : memref<10240x128xf32, #tpu.memory_space<vmem_shared>> -> memref<128x128xf32, #tpu.memory_space<vmem_shared>>
        %dma_wait3A_109 = arith.constant 10112 : i32
        %dma_wait3A_110 = arith.constant 0 : i32
        %dma_wait3A_111 = tpu.memref_slice %arg6[%dma_wait3A_109, %dma_wait3A_110] : memref<10240x128xf32, #tpu.memory_space<vmem_shared>> -> memref<128x128xf32, #tpu.memory_space<vmem_shared>>
        %dma_wait3A_112 = arith.constant 0 : i32
        %dma_wait3A_113 = arith.constant 0 : i32
        %dma_wait3A_114 = tpu.memref_slice %arg9[%run_scoped3A_86, %dma_wait3A_112, %dma_wait3A_113] : memref<2x128x128xf32, #tpu.memory_space<vmem>> -> memref<1x128x128xf32, #tpu.memory_space<vmem>>
        %dma_wait3A_115 = tpu.memref_squeeze %dma_wait3A_114 : memref<1x128x128xf32, #tpu.memory_space<vmem>> -> memref<128x128xf32, #tpu.memory_space<vmem>>
        tpu.wait_dma2 semaphore(%run_scoped3A_87 : memref<!tpu.dma_semaphore, #tpu.memory_space<semaphore_mem>>) src(%dma_wait3A_115 : memref<128x128xf32, #tpu.memory_space<vmem>>) dst(%dma_wait3A_111 : memref<128x128xf32, #tpu.memory_space<vmem_shared>>)
        tpu.yield
      }) : () -> ()
    } else {
    }
    %mul3A_33 = arith.constant 80 : i32
    %mul3A_34 = arith.muli %add3A, %mul3A_33 : i32
    %run_scoped3A_35 = arith.constant 0 : i32
    "tpu.region"() ({
      %run_scoped3A_85 = tpu.sem_alloc : memref<!tpu.dma_semaphore, #tpu.memory_space<semaphore_mem>>
      %dma_start3A_86 = arith.constant 0 : i32
      %dma_start3A_87 = arith.constant 0 : i32
      %dma_start3A_88 = tpu.memref_slice %arg7[%run_scoped3A_35, %dma_start3A_86, %dma_start3A_87] : memref<2x8x128xi32, #tpu.memory_space<vmem>> -> memref<1x8x128xi32, #tpu.memory_space<vmem>>
      %dma_start3A_89 = tpu.memref_squeeze %dma_start3A_88 : memref<1x8x128xi32, #tpu.memory_space<vmem>> -> memref<8x128xi32, #tpu.memory_space<vmem>>
      %dma_start3A_90 = arith.constant 0 : i32
      %dma_start3A_91 = tpu.memref_slice %arg3[%mul3A_34, %dma_start3A_90] : memref<2560x128xi32, #tpu.memory_space<hbm>> -> memref<8x128xi32, #tpu.memory_space<hbm>>
      %dma_start3A_92 = arith.constant 0 : i32
      %dma_start3A_93 = arith.constant 0 : i32
      %dma_start3A_94 = tpu.memref_slice %arg7[%run_scoped3A_35, %dma_start3A_92, %dma_start3A_93] : memref<2x8x128xi32, #tpu.memory_space<vmem>> -> memref<1x8x128xi32, #tpu.memory_space<vmem>>
      %dma_start3A_95 = tpu.memref_squeeze %dma_start3A_94 : memref<1x8x128xi32, #tpu.memory_space<vmem>> -> memref<8x128xi32, #tpu.memory_space<vmem>>
      %dma_start3A_96 = arith.constant 0 : i32
      %dma_start3A_97 = tpu.memref_slice %arg3[%mul3A_34, %dma_start3A_96] : memref<2560x128xi32, #tpu.memory_space<hbm>> -> memref<8x128xi32, #tpu.memory_space<hbm>>
      tpu.enqueue_dma source(%dma_start3A_97 : memref<8x128xi32, #tpu.memory_space<hbm>>) target(%dma_start3A_95 : memref<8x128xi32, #tpu.memory_space<vmem>>) target_semaphore(%run_scoped3A_85 : memref<!tpu.dma_semaphore, #tpu.memory_space<semaphore_mem>>)
      %dma_wait3A_98 = arith.constant 0 : i32
      %dma_wait3A_99 = arith.constant 0 : i32
      %dma_wait3A_100 = tpu.memref_slice %arg7[%run_scoped3A_35, %dma_wait3A_98, %dma_wait3A_99] : memref<2x8x128xi32, #tpu.memory_space<vmem>> -> memref<1x8x128xi32, #tpu.memory_space<vmem>>
      %dma_wait3A_101 = tpu.memref_squeeze %dma_wait3A_100 : memref<1x8x128xi32, #tpu.memory_space<vmem>> -> memref<8x128xi32, #tpu.memory_space<vmem>>
      %dma_wait3A_102 = arith.constant 0 : i32
      %dma_wait3A_103 = tpu.memref_slice %arg3[%mul3A_34, %dma_wait3A_102] : memref<2560x128xi32, #tpu.memory_space<hbm>> -> memref<8x128xi32, #tpu.memory_space<hbm>>
      %dma_wait3A_104 = arith.constant 0 : i32
      %dma_wait3A_105 = arith.constant 0 : i32
      %dma_wait3A_106 = tpu.memref_slice %arg7[%run_scoped3A_35, %dma_wait3A_104, %dma_wait3A_105] : memref<2x8x128xi32, #tpu.memory_space<vmem>> -> memref<1x8x128xi32, #tpu.memory_space<vmem>>
      %dma_wait3A_107 = tpu.memref_squeeze %dma_wait3A_106 : memref<1x8x128xi32, #tpu.memory_space<vmem>> -> memref<8x128xi32, #tpu.memory_space<vmem>>
      %dma_wait3A_108 = arith.constant 0 : i32
      %dma_wait3A_109 = tpu.memref_slice %arg3[%mul3A_34, %dma_wait3A_108] : memref<2560x128xi32, #tpu.memory_space<hbm>> -> memref<8x128xi32, #tpu.memory_space<hbm>>
      tpu.wait_dma2 semaphore(%run_scoped3A_85 : memref<!tpu.dma_semaphore, #tpu.memory_space<semaphore_mem>>) src(%dma_wait3A_109 : memref<8x128xi32, #tpu.memory_space<hbm>>) dst(%dma_wait3A_107 : memref<8x128xi32, #tpu.memory_space<vmem>>)
      tpu.yield
    }) : () -> ()
    %run_scoped3A_36 = arith.constant 0 : i32
    "tpu.region"() ({
      %run_scoped3A_85 = tpu.sem_alloc : memref<!tpu.dma_semaphore, #tpu.memory_space<semaphore_mem>>
      %dma_start3A_86 = arith.constant 0 : i32
      %dma_start3A_87 = arith.constant 0 : i32
      %dma_start3A_88 = tpu.memref_slice %arg8[%run_scoped3A_36, %dma_start3A_86, %dma_start3A_87] : memref<2x8x128xi32, #tpu.memory_space<vmem>> -> memref<1x8x128xi32, #tpu.memory_space<vmem>>
      %dma_start3A_89 = tpu.memref_squeeze %dma_start3A_88 : memref<1x8x128xi32, #tpu.memory_space<vmem>> -> memref<8x128xi32, #tpu.memory_space<vmem>>
      %dma_start3A_90 = arith.constant 0 : i32
      %dma_start3A_91 = tpu.memref_slice %arg4[%mul3A_34, %dma_start3A_90] : memref<2560x128xi32, #tpu.memory_space<hbm>> -> memref<8x128xi32, #tpu.memory_space<hbm>>
      %dma_start3A_92 = arith.constant 0 : i32
      %dma_start3A_93 = arith.constant 0 : i32
      %dma_start3A_94 = tpu.memref_slice %arg8[%run_scoped3A_36, %dma_start3A_92, %dma_start3A_93] : memref<2x8x128xi32, #tpu.memory_space<vmem>> -> memref<1x8x128xi32, #tpu.memory_space<vmem>>
      %dma_start3A_95 = tpu.memref_squeeze %dma_start3A_94 : memref<1x8x128xi32, #tpu.memory_space<vmem>> -> memref<8x128xi32, #tpu.memory_space<vmem>>
      %dma_start3A_96 = arith.constant 0 : i32
      %dma_start3A_97 = tpu.memref_slice %arg4[%mul3A_34, %dma_start3A_96] : memref<2560x128xi32, #tpu.memory_space<hbm>> -> memref<8x128xi32, #tpu.memory_space<hbm>>
      tpu.enqueue_dma source(%dma_start3A_97 : memref<8x128xi32, #tpu.memory_space<hbm>>) target(%dma_start3A_95 : memref<8x128xi32, #tpu.memory_space<vmem>>) target_semaphore(%run_scoped3A_85 : memref<!tpu.dma_semaphore, #tpu.memory_space<semaphore_mem>>)
      %dma_wait3A_98 = arith.constant 0 : i32
      %dma_wait3A_99 = arith.constant 0 : i32
      %dma_wait3A_100 = tpu.memref_slice %arg8[%run_scoped3A_36, %dma_wait3A_98, %dma_wait3A_99] : memref<2x8x128xi32, #tpu.memory_space<vmem>> -> memref<1x8x128xi32, #tpu.memory_space<vmem>>
      %dma_wait3A_101 = tpu.memref_squeeze %dma_wait3A_100 : memref<1x8x128xi32, #tpu.memory_space<vmem>> -> memref<8x128xi32, #tpu.memory_space<vmem>>
      %dma_wait3A_102 = arith.constant 0 : i32
      %dma_wait3A_103 = tpu.memref_slice %arg4[%mul3A_34, %dma_wait3A_102] : memref<2560x128xi32, #tpu.memory_space<hbm>> -> memref<8x128xi32, #tpu.memory_space<hbm>>
      %dma_wait3A_104 = arith.constant 0 : i32
      %dma_wait3A_105 = arith.constant 0 : i32
      %dma_wait3A_106 = tpu.memref_slice %arg8[%run_scoped3A_36, %dma_wait3A_104, %dma_wait3A_105] : memref<2x8x128xi32, #tpu.memory_space<vmem>> -> memref<1x8x128xi32, #tpu.memory_space<vmem>>
      %dma_wait3A_107 = tpu.memref_squeeze %dma_wait3A_106 : memref<1x8x128xi32, #tpu.memory_space<vmem>> -> memref<8x128xi32, #tpu.memory_space<vmem>>
      %dma_wait3A_108 = arith.constant 0 : i32
      %dma_wait3A_109 = tpu.memref_slice %arg4[%mul3A_34, %dma_wait3A_108] : memref<2560x128xi32, #tpu.memory_space<hbm>> -> memref<8x128xi32, #tpu.memory_space<hbm>>
      tpu.wait_dma2 semaphore(%run_scoped3A_85 : memref<!tpu.dma_semaphore, #tpu.memory_space<semaphore_mem>>) src(%dma_wait3A_109 : memref<8x128xi32, #tpu.memory_space<hbm>>) dst(%dma_wait3A_107 : memref<8x128xi32, #tpu.memory_space<vmem>>)
      tpu.yield
    }) : () -> ()
    %barrier3A = arith.constant 0 : index
    tpu.barrier barrier_id(%barrier3A)
    %dma_start3A = arith.constant 0 : i32
    %dma_start3A_37 = arith.constant 0 : i32
    %dma_start3A_38 = arith.constant 0 : i32
    %dma_start3A_39 = arith.constant 0 : i32
    %dma_start3A_40 = arith.constant 0 : i32
    %dma_start3A_41 = tpu.memref_slice %arg9[%dma_start3A_38, %dma_start3A_39, %dma_start3A_40] : memref<2x128x128xf32, #tpu.memory_space<vmem>> -> memref<1x128x128xf32, #tpu.memory_space<vmem>>
    %dma_start3A_42 = tpu.memref_squeeze %dma_start3A_41 : memref<1x128x128xf32, #tpu.memory_space<vmem>> -> memref<128x128xf32, #tpu.memory_space<vmem>>
    %dma_start3A_43 = arith.constant 0 : i32
    %dma_start3A_44 = arith.constant 0 : i32
    %dma_start3A_45 = tpu.memref_slice %arg7[%dma_start3A, %dma_start3A_43, %dma_start3A_44] : memref<2x8x128xi32, #tpu.memory_space<vmem>> -> memref<1x8x128xi32, #tpu.memory_space<vmem>>
    %dma_start3A_46 = tpu.memref_squeeze %dma_start3A_45 : memref<1x8x128xi32, #tpu.memory_space<vmem>> -> memref<8x128xi32, #tpu.memory_space<vmem>>
    %dma_start3A_47 = arith.constant 0 : i32
    %dma_start3A_48 = tpu.memref_slice %dma_start3A_46[%dma_start3A_37, %dma_start3A_47] : memref<8x128xi32, #tpu.memory_space<vmem>> -> memref<1x128xi32, #tpu.memory_space<vmem>>
    %dma_start3A_49 = tpu.memref_squeeze %dma_start3A_48 : memref<1x128xi32, #tpu.memory_space<vmem>> -> memref<128xi32, #tpu.memory_space<vmem>>
    %dma_start3A_50 = arith.constant 0 : i32
    %dma_start3A_51 = arith.constant 0 : i32
    %dma_start3A_52 = tpu.memref_slice %arg2[%dma_start3A_50, %dma_start3A_51] : memref<10000x128xf32, #tpu.memory_space<hbm>> -> memref<10000x128xf32, #tpu.memory_space<hbm>>
    tpu.enqueue_indirect_dma source(%dma_start3A_52 : memref<10000x128xf32, #tpu.memory_space<hbm>>) target(%dma_start3A_42 : memref<128x128xf32, #tpu.memory_space<vmem>>) offsets(%dma_start3A_49 : memref<128xi32, #tpu.memory_space<vmem>>) semaphore(%arg10 : memref<!tpu.dma_semaphore, #tpu.memory_space<semaphore_mem>>)
    %scan3A_53 = arith.constant 0 : i32
    %scan3A_54 = arith.constant 0 : i32
    %scan3A_55 = arith.constant 80 : i32
    %scan3A_56 = arith.addi %scan3A_54, %scan3A_55 : i32
    %scan3A_57 = arith.constant 1 : i32
    scf.for %scan3A_85 = %scan3A_54 to %scan3A_56 step %scan3A_57  : i32 {
      %jit3A = arith.constant 8 : i32
      %div3A = arith.divsi %scan3A_85, %jit3A : i32
      %sign3A = arith.constant 0 : i32
      %sign3A_86 = arith.cmpi sgt, %scan3A_85, %sign3A : i32
      %sign3A_87 = arith.extui %sign3A_86 : i1 to i32
      %sign3A_88 = arith.constant 0 : i32
      %sign3A_89 = arith.cmpi slt, %scan3A_85, %sign3A_88 : i32
      %sign3A_90 = arith.extui %sign3A_89 : i1 to i32
      %sign3A_91 = arith.subi %sign3A_87, %sign3A_90 : i32
      %sign3A_92 = arith.constant 0 : i32
      %sign3A_93 = arith.cmpi sgt, %jit3A, %sign3A_92 : i32
      %sign3A_94 = arith.extui %sign3A_93 : i1 to i32
      %sign3A_95 = arith.constant 0 : i32
      %sign3A_96 = arith.cmpi slt, %jit3A, %sign3A_95 : i32
      %sign3A_97 = arith.extui %sign3A_96 : i1 to i32
      %sign3A_98 = arith.subi %sign3A_94, %sign3A_97 : i32
      %ne3A = arith.cmpi ne, %sign3A_91, %sign3A_98 : i32
      %rem3A = arith.remsi %scan3A_85, %jit3A : i32
      %ne3A_99 = arith.constant 0 : i32
      %ne3A_100 = arith.cmpi ne, %rem3A, %ne3A_99 : i32
      %and3A = arith.andi %ne3A, %ne3A_100 : i1
      %sub3A = arith.constant 1 : i32
      %sub3A_101 = arith.subi %div3A, %sub3A : i32
      %select_n3A = arith.select %and3A, %sub3A_101, %div3A : i32
      %mul3A_102 = arith.constant 8 : i32
      %mul3A_103 = arith.muli %select_n3A, %mul3A_102 : i32
      %sub3A_104 = arith.subi %scan3A_85, %mul3A_103 : i32
      %eq3A_105 = arith.constant 0 : i32
      %eq3A_106 = arith.cmpi eq, %sub3A_104, %eq3A_105 : i32
      %add3A_107 = arith.constant 1 : i32
      %add3A_108 = arith.addi %select_n3A, %add3A_107 : i32
      %mul3A_109 = arith.constant 8 : i32
      %mul3A_110 = arith.muli %add3A_108, %mul3A_109 : i32
      %lt3A = arith.constant 80 : i32
      %lt3A_111 = arith.cmpi slt, %mul3A_110, %lt3A : i32
      %and3A_112 = arith.andi %eq3A_106, %lt3A_111 : i1
      %convert_element_type3A_113 = arith.extui %and3A_112 : i1 to i32
      %cond3A_114 = arith.constant 0 : i32
      %cond3A_115 = arith.cmpi ne, %convert_element_type3A_113, %cond3A_114 : i32
      scf.if %cond3A_115 {
        %add3A_231 = arith.constant 1 : i32
        %add3A_232 = arith.addi %select_n3A, %add3A_231 : i32
        %mul3A_233 = arith.constant 8 : i32
        %mul3A_234 = arith.muli %add3A_232, %mul3A_233 : i32
        %add3A_235 = arith.addi %mul3A_34, %mul3A_234 : i32
        %add3A_236 = arith.constant 1 : i32
        %add3A_237 = arith.addi %select_n3A, %add3A_236 : i32
        %jit3A_238 = arith.constant 2 : i32
        %eq3A_239 = arith.constant 0 : i32
        %eq3A_240 = arith.cmpi eq, %jit3A_238, %eq3A_239 : i32
        %jit3A_241 = arith.constant 1 : i32
        %select_n3A_242 = arith.select %eq3A_240, %jit3A_241, %jit3A_238 : i32
        %rem3A_243 = arith.remsi %add3A_237, %select_n3A_242 : i32
        %ne3A_244 = arith.constant 0 : i32
        %ne3A_245 = arith.cmpi ne, %rem3A_243, %ne3A_244 : i32
        %lt3A_246 = arith.constant 0 : i32
        %lt3A_247 = arith.cmpi slt, %rem3A_243, %lt3A_246 : i32
        %lt3A_248 = arith.constant 0 : i32
        %lt3A_249 = arith.cmpi slt, %select_n3A_242, %lt3A_248 : i32
        %ne3A_250 = arith.xori %lt3A_247, %lt3A_249 : i1
        %and3A_251 = arith.andi %ne3A_250, %ne3A_245 : i1
        %add3A_252 = arith.addi %rem3A_243, %select_n3A_242 : i32
        %select_n3A_253 = arith.select %and3A_251, %add3A_252, %rem3A_243 : i32
        %dma_start3A_254 = arith.constant 0 : i32
        %dma_start3A_255 = arith.constant 0 : i32
        %dma_start3A_256 = tpu.memref_slice %arg7[%select_n3A_253, %dma_start3A_254, %dma_start3A_255] : memref<2x8x128xi32, #tpu.memory_space<vmem>> -> memref<1x8x128xi32, #tpu.memory_space<vmem>>
        %dma_start3A_257 = tpu.memref_squeeze %dma_start3A_256 : memref<1x8x128xi32, #tpu.memory_space<vmem>> -> memref<8x128xi32, #tpu.memory_space<vmem>>
        %dma_start3A_258 = arith.constant 0 : i32
        %dma_start3A_259 = tpu.memref_slice %arg3[%add3A_235, %dma_start3A_258] : memref<2560x128xi32, #tpu.memory_space<hbm>> -> memref<8x128xi32, #tpu.memory_space<hbm>>
        %dma_start3A_260 = arith.constant 0 : i32
        %dma_start3A_261 = arith.constant 0 : i32
        %dma_start3A_262 = tpu.memref_slice %arg7[%select_n3A_253, %dma_start3A_260, %dma_start3A_261] : memref<2x8x128xi32, #tpu.memory_space<vmem>> -> memref<1x8x128xi32, #tpu.memory_space<vmem>>
        %dma_start3A_263 = tpu.memref_squeeze %dma_start3A_262 : memref<1x8x128xi32, #tpu.memory_space<vmem>> -> memref<8x128xi32, #tpu.memory_space<vmem>>
        %dma_start3A_264 = arith.constant 0 : i32
        %dma_start3A_265 = tpu.memref_slice %arg3[%add3A_235, %dma_start3A_264] : memref<2560x128xi32, #tpu.memory_space<hbm>> -> memref<8x128xi32, #tpu.memory_space<hbm>>
        tpu.enqueue_dma source(%dma_start3A_265 : memref<8x128xi32, #tpu.memory_space<hbm>>) target(%dma_start3A_263 : memref<8x128xi32, #tpu.memory_space<vmem>>) target_semaphore(%arg11 : memref<!tpu.dma_semaphore, #tpu.memory_space<semaphore_mem>>)
        %add3A_266 = arith.constant 1 : i32
        %add3A_267 = arith.addi %select_n3A, %add3A_266 : i32
        %mul3A_268 = arith.constant 8 : i32
        %mul3A_269 = arith.muli %add3A_267, %mul3A_268 : i32
        %add3A_270 = arith.addi %mul3A_34, %mul3A_269 : i32
        %add3A_271 = arith.constant 1 : i32
        %add3A_272 = arith.addi %select_n3A, %add3A_271 : i32
        %jit3A_273 = arith.constant 2 : i32
        %eq3A_274 = arith.constant 0 : i32
        %eq3A_275 = arith.cmpi eq, %jit3A_273, %eq3A_274 : i32
        %jit3A_276 = arith.constant 1 : i32
        %select_n3A_277 = arith.select %eq3A_275, %jit3A_276, %jit3A_273 : i32
        %rem3A_278 = arith.remsi %add3A_272, %select_n3A_277 : i32
        %ne3A_279 = arith.constant 0 : i32
        %ne3A_280 = arith.cmpi ne, %rem3A_278, %ne3A_279 : i32
        %lt3A_281 = arith.constant 0 : i32
        %lt3A_282 = arith.cmpi slt, %rem3A_278, %lt3A_281 : i32
        %lt3A_283 = arith.constant 0 : i32
        %lt3A_284 = arith.cmpi slt, %select_n3A_277, %lt3A_283 : i32
        %ne3A_285 = arith.xori %lt3A_282, %lt3A_284 : i1
        %and3A_286 = arith.andi %ne3A_285, %ne3A_280 : i1
        %add3A_287 = arith.addi %rem3A_278, %select_n3A_277 : i32
        %select_n3A_288 = arith.select %and3A_286, %add3A_287, %rem3A_278 : i32
        %dma_start3A_289 = arith.constant 0 : i32
        %dma_start3A_290 = arith.constant 0 : i32
        %dma_start3A_291 = tpu.memref_slice %arg8[%select_n3A_288, %dma_start3A_289, %dma_start3A_290] : memref<2x8x128xi32, #tpu.memory_space<vmem>> -> memref<1x8x128xi32, #tpu.memory_space<vmem>>
        %dma_start3A_292 = tpu.memref_squeeze %dma_start3A_291 : memref<1x8x128xi32, #tpu.memory_space<vmem>> -> memref<8x128xi32, #tpu.memory_space<vmem>>
        %dma_start3A_293 = arith.constant 0 : i32
        %dma_start3A_294 = tpu.memref_slice %arg4[%add3A_270, %dma_start3A_293] : memref<2560x128xi32, #tpu.memory_space<hbm>> -> memref<8x128xi32, #tpu.memory_space<hbm>>
        %dma_start3A_295 = arith.constant 0 : i32
        %dma_start3A_296 = arith.constant 0 : i32
        %dma_start3A_297 = tpu.memref_slice %arg8[%select_n3A_288, %dma_start3A_295, %dma_start3A_296] : memref<2x8x128xi32, #tpu.memory_space<vmem>> -> memref<1x8x128xi32, #tpu.memory_space<vmem>>
        %dma_start3A_298 = tpu.memref_squeeze %dma_start3A_297 : memref<1x8x128xi32, #tpu.memory_space<vmem>> -> memref<8x128xi32, #tpu.memory_space<vmem>>
        %dma_start3A_299 = arith.constant 0 : i32
        %dma_start3A_300 = tpu.memref_slice %arg4[%add3A_270, %dma_start3A_299] : memref<2560x128xi32, #tpu.memory_space<hbm>> -> memref<8x128xi32, #tpu.memory_space<hbm>>
        tpu.enqueue_dma source(%dma_start3A_300 : memref<8x128xi32, #tpu.memory_space<hbm>>) target(%dma_start3A_298 : memref<8x128xi32, #tpu.memory_space<vmem>>) target_semaphore(%arg11 : memref<!tpu.dma_semaphore, #tpu.memory_space<semaphore_mem>>)
      } else {
      }
      %eq3A_116 = arith.constant 7 : i32
      %eq3A_117 = arith.cmpi eq, %sub3A_104, %eq3A_116 : i32
      %add3A_118 = arith.constant 1 : i32
      %add3A_119 = arith.addi %select_n3A, %add3A_118 : i32
      %mul3A_120 = arith.constant 8 : i32
      %mul3A_121 = arith.muli %add3A_119, %mul3A_120 : i32
      %lt3A_122 = arith.constant 80 : i32
      %lt3A_123 = arith.cmpi slt, %mul3A_121, %lt3A_122 : i32
      %and3A_124 = arith.andi %eq3A_117, %lt3A_123 : i1
      %convert_element_type3A_125 = arith.extui %and3A_124 : i1 to i32
      %cond3A_126 = arith.constant 0 : i32
      %cond3A_127 = arith.cmpi ne, %convert_element_type3A_125, %cond3A_126 : i32
      scf.if %cond3A_127 {
        %add3A_231 = arith.constant 1 : i32
        %add3A_232 = arith.addi %select_n3A, %add3A_231 : i32
        %jit3A_233 = arith.constant 2 : i32
        %eq3A_234 = arith.constant 0 : i32
        %eq3A_235 = arith.cmpi eq, %jit3A_233, %eq3A_234 : i32
        %jit3A_236 = arith.constant 1 : i32
        %select_n3A_237 = arith.select %eq3A_235, %jit3A_236, %jit3A_233 : i32
        %rem3A_238 = arith.remsi %add3A_232, %select_n3A_237 : i32
        %ne3A_239 = arith.constant 0 : i32
        %ne3A_240 = arith.cmpi ne, %rem3A_238, %ne3A_239 : i32
        %lt3A_241 = arith.constant 0 : i32
        %lt3A_242 = arith.cmpi slt, %rem3A_238, %lt3A_241 : i32
        %lt3A_243 = arith.constant 0 : i32
        %lt3A_244 = arith.cmpi slt, %select_n3A_237, %lt3A_243 : i32
        %ne3A_245 = arith.xori %lt3A_242, %lt3A_244 : i1
        %and3A_246 = arith.andi %ne3A_245, %ne3A_240 : i1
        %add3A_247 = arith.addi %rem3A_238, %select_n3A_237 : i32
        %select_n3A_248 = arith.select %and3A_246, %add3A_247, %rem3A_238 : i32
        %dma_wait3A_249 = arith.constant 0 : i32
        %dma_wait3A_250 = arith.constant 0 : i32
        %dma_wait3A_251 = tpu.memref_slice %arg7[%select_n3A_248, %dma_wait3A_249, %dma_wait3A_250] : memref<2x8x128xi32, #tpu.memory_space<vmem>> -> memref<1x8x128xi32, #tpu.memory_space<vmem>>
        %dma_wait3A_252 = tpu.memref_squeeze %dma_wait3A_251 : memref<1x8x128xi32, #tpu.memory_space<vmem>> -> memref<8x128xi32, #tpu.memory_space<vmem>>
        %dma_wait3A_253 = arith.constant 0 : i32
        %dma_wait3A_254 = tpu.memref_slice %arg3[%mul3A_34, %dma_wait3A_253] : memref<2560x128xi32, #tpu.memory_space<hbm>> -> memref<8x128xi32, #tpu.memory_space<hbm>>
        %dma_wait3A_255 = arith.constant 0 : i32
        %dma_wait3A_256 = arith.constant 0 : i32
        %dma_wait3A_257 = tpu.memref_slice %arg7[%select_n3A_248, %dma_wait3A_255, %dma_wait3A_256] : memref<2x8x128xi32, #tpu.memory_space<vmem>> -> memref<1x8x128xi32, #tpu.memory_space<vmem>>
        %dma_wait3A_258 = tpu.memref_squeeze %dma_wait3A_257 : memref<1x8x128xi32, #tpu.memory_space<vmem>> -> memref<8x128xi32, #tpu.memory_space<vmem>>
        %dma_wait3A_259 = arith.constant 0 : i32
        %dma_wait3A_260 = tpu.memref_slice %arg3[%mul3A_34, %dma_wait3A_259] : memref<2560x128xi32, #tpu.memory_space<hbm>> -> memref<8x128xi32, #tpu.memory_space<hbm>>
        tpu.wait_dma2 semaphore(%arg11 : memref<!tpu.dma_semaphore, #tpu.memory_space<semaphore_mem>>) src(%dma_wait3A_260 : memref<8x128xi32, #tpu.memory_space<hbm>>) dst(%dma_wait3A_258 : memref<8x128xi32, #tpu.memory_space<vmem>>)
        %add3A_261 = arith.constant 1 : i32
        %add3A_262 = arith.addi %select_n3A, %add3A_261 : i32
        %jit3A_263 = arith.constant 2 : i32
        %eq3A_264 = arith.constant 0 : i32
        %eq3A_265 = arith.cmpi eq, %jit3A_263, %eq3A_264 : i32
        %jit3A_266 = arith.constant 1 : i32
        %select_n3A_267 = arith.select %eq3A_265, %jit3A_266, %jit3A_263 : i32
        %rem3A_268 = arith.remsi %add3A_262, %select_n3A_267 : i32
        %ne3A_269 = arith.constant 0 : i32
        %ne3A_270 = arith.cmpi ne, %rem3A_268, %ne3A_269 : i32
        %lt3A_271 = arith.constant 0 : i32
        %lt3A_272 = arith.cmpi slt, %rem3A_268, %lt3A_271 : i32
        %lt3A_273 = arith.constant 0 : i32
        %lt3A_274 = arith.cmpi slt, %select_n3A_267, %lt3A_273 : i32
        %ne3A_275 = arith.xori %lt3A_272, %lt3A_274 : i1
        %and3A_276 = arith.andi %ne3A_275, %ne3A_270 : i1
        %add3A_277 = arith.addi %rem3A_268, %select_n3A_267 : i32
        %select_n3A_278 = arith.select %and3A_276, %add3A_277, %rem3A_268 : i32
        %dma_wait3A_279 = arith.constant 0 : i32
        %dma_wait3A_280 = arith.constant 0 : i32
        %dma_wait3A_281 = tpu.memref_slice %arg8[%select_n3A_278, %dma_wait3A_279, %dma_wait3A_280] : memref<2x8x128xi32, #tpu.memory_space<vmem>> -> memref<1x8x128xi32, #tpu.memory_space<vmem>>
        %dma_wait3A_282 = tpu.memref_squeeze %dma_wait3A_281 : memref<1x8x128xi32, #tpu.memory_space<vmem>> -> memref<8x128xi32, #tpu.memory_space<vmem>>
        %dma_wait3A_283 = arith.constant 0 : i32
        %dma_wait3A_284 = tpu.memref_slice %arg4[%mul3A_34, %dma_wait3A_283] : memref<2560x128xi32, #tpu.memory_space<hbm>> -> memref<8x128xi32, #tpu.memory_space<hbm>>
        %dma_wait3A_285 = arith.constant 0 : i32
        %dma_wait3A_286 = arith.constant 0 : i32
        %dma_wait3A_287 = tpu.memref_slice %arg8[%select_n3A_278, %dma_wait3A_285, %dma_wait3A_286] : memref<2x8x128xi32, #tpu.memory_space<vmem>> -> memref<1x8x128xi32, #tpu.memory_space<vmem>>
        %dma_wait3A_288 = tpu.memref_squeeze %dma_wait3A_287 : memref<1x8x128xi32, #tpu.memory_space<vmem>> -> memref<8x128xi32, #tpu.memory_space<vmem>>
        %dma_wait3A_289 = arith.constant 0 : i32
        %dma_wait3A_290 = tpu.memref_slice %arg4[%mul3A_34, %dma_wait3A_289] : memref<2560x128xi32, #tpu.memory_space<hbm>> -> memref<8x128xi32, #tpu.memory_space<hbm>>
        tpu.wait_dma2 semaphore(%arg11 : memref<!tpu.dma_semaphore, #tpu.memory_space<semaphore_mem>>) src(%dma_wait3A_290 : memref<8x128xi32, #tpu.memory_space<hbm>>) dst(%dma_wait3A_288 : memref<8x128xi32, #tpu.memory_space<vmem>>)
      } else {
      }
      %ge3A = arith.constant 1 : i32
      %ge3A_128 = arith.cmpi sge, %scan3A_85, %ge3A : i32
      %convert_element_type3A_129 = arith.extui %ge3A_128 : i1 to i32
      %cond3A_130 = arith.constant 0 : i32
      %cond3A_131 = arith.cmpi ne, %convert_element_type3A_129, %cond3A_130 : i32
      scf.if %cond3A_131 {
        %add3A_231 = arith.constant 1 : i32
        %add3A_232 = arith.addi %scan3A_85, %add3A_231 : i32
        %jit3A_233 = arith.constant 2 : i32
        %eq3A_234 = arith.constant 0 : i32
        %eq3A_235 = arith.cmpi eq, %jit3A_233, %eq3A_234 : i32
        %jit3A_236 = arith.constant 1 : i32
        %select_n3A_237 = arith.select %eq3A_235, %jit3A_236, %jit3A_233 : i32
        %rem3A_238 = arith.remsi %add3A_232, %select_n3A_237 : i32
        %ne3A_239 = arith.constant 0 : i32
        %ne3A_240 = arith.cmpi ne, %rem3A_238, %ne3A_239 : i32
        %lt3A_241 = arith.constant 0 : i32
        %lt3A_242 = arith.cmpi slt, %rem3A_238, %lt3A_241 : i32
        %lt3A_243 = arith.constant 0 : i32
        %lt3A_244 = arith.cmpi slt, %select_n3A_237, %lt3A_243 : i32
        %ne3A_245 = arith.xori %lt3A_242, %lt3A_244 : i1
        %and3A_246 = arith.andi %ne3A_245, %ne3A_240 : i1
        %add3A_247 = arith.addi %rem3A_238, %select_n3A_237 : i32
        %select_n3A_248 = arith.select %and3A_246, %add3A_247, %rem3A_238 : i32
        %jit3A_249 = arith.constant 2 : i32
        %eq3A_250 = arith.constant 0 : i32
        %eq3A_251 = arith.cmpi eq, %jit3A_249, %eq3A_250 : i32
        %jit3A_252 = arith.constant 1 : i32
        %select_n3A_253 = arith.select %eq3A_251, %jit3A_252, %jit3A_249 : i32
        %rem3A_254 = arith.remsi %select_n3A, %select_n3A_253 : i32
        %ne3A_255 = arith.constant 0 : i32
        %ne3A_256 = arith.cmpi ne, %rem3A_254, %ne3A_255 : i32
        %lt3A_257 = arith.constant 0 : i32
        %lt3A_258 = arith.cmpi slt, %rem3A_254, %lt3A_257 : i32
        %lt3A_259 = arith.constant 0 : i32
        %lt3A_260 = arith.cmpi slt, %select_n3A_253, %lt3A_259 : i32
        %ne3A_261 = arith.xori %lt3A_258, %lt3A_260 : i1
        %and3A_262 = arith.andi %ne3A_261, %ne3A_256 : i1
        %add3A_263 = arith.addi %rem3A_254, %select_n3A_253 : i32
        %select_n3A_264 = arith.select %and3A_262, %add3A_263, %rem3A_254 : i32
        %dma_wait3A_265 = arith.constant 0 : i32
        %dma_wait3A_266 = arith.constant 0 : i32
        %dma_wait3A_267 = tpu.memref_slice %arg9[%select_n3A_248, %dma_wait3A_265, %dma_wait3A_266] : memref<2x128x128xf32, #tpu.memory_space<vmem>> -> memref<1x128x128xf32, #tpu.memory_space<vmem>>
        %dma_wait3A_268 = tpu.memref_squeeze %dma_wait3A_267 : memref<1x128x128xf32, #tpu.memory_space<vmem>> -> memref<128x128xf32, #tpu.memory_space<vmem>>
        %dma_wait3A_269 = arith.constant 0 : i32
        %dma_wait3A_270 = arith.constant 0 : i32
        %dma_wait3A_271 = tpu.memref_slice %arg8[%select_n3A_264, %dma_wait3A_269, %dma_wait3A_270] : memref<2x8x128xi32, #tpu.memory_space<vmem>> -> memref<1x8x128xi32, #tpu.memory_space<vmem>>
        %dma_wait3A_272 = tpu.memref_squeeze %dma_wait3A_271 : memref<1x8x128xi32, #tpu.memory_space<vmem>> -> memref<8x128xi32, #tpu.memory_space<vmem>>
        %dma_wait3A_273 = arith.constant 0 : i32
        %dma_wait3A_274 = tpu.memref_slice %dma_wait3A_272[%sub3A_104, %dma_wait3A_273] : memref<8x128xi32, #tpu.memory_space<vmem>> -> memref<1x128xi32, #tpu.memory_space<vmem>>
        %dma_wait3A_275 = tpu.memref_squeeze %dma_wait3A_274 : memref<1x128xi32, #tpu.memory_space<vmem>> -> memref<128xi32, #tpu.memory_space<vmem>>
        %dma_wait3A_276 = arith.constant 0 : i32
        %dma_wait3A_277 = arith.constant 0 : i32
        %dma_wait3A_278 = tpu.memref_slice %arg6[%dma_wait3A_276, %dma_wait3A_277] : memref<10240x128xf32, #tpu.memory_space<vmem_shared>> -> memref<10240x128xf32, #tpu.memory_space<vmem_shared>>
        tpu.wait_indirect_dma semaphore(%arg12 : memref<!tpu.dma_semaphore, #tpu.memory_space<semaphore_mem>>) src(%dma_wait3A_268 : memref<128x128xf32, #tpu.memory_space<vmem>>) dst(%dma_wait3A_278 : memref<10240x128xf32, #tpu.memory_space<vmem_shared>>)
      } else {
      }
      %add3A_132 = arith.constant 1 : i32
      %add3A_133 = arith.addi %scan3A_85, %add3A_132 : i32
      %lt3A_134 = arith.constant 80 : i32
      %lt3A_135 = arith.cmpi slt, %add3A_133, %lt3A_134 : i32
      %convert_element_type3A_136 = arith.extui %lt3A_135 : i1 to i32
      %cond3A_137 = arith.constant 0 : i32
      %cond3A_138 = arith.cmpi ne, %convert_element_type3A_136, %cond3A_137 : i32
      scf.if %cond3A_138 {
        %jit3A_231 = arith.constant 8 : i32
        %div3A_232 = arith.divsi %add3A_133, %jit3A_231 : i32
        %sign3A_233 = arith.constant 0 : i32
        %sign3A_234 = arith.cmpi sgt, %add3A_133, %sign3A_233 : i32
        %sign3A_235 = arith.extui %sign3A_234 : i1 to i32
        %sign3A_236 = arith.constant 0 : i32
        %sign3A_237 = arith.cmpi slt, %add3A_133, %sign3A_236 : i32
        %sign3A_238 = arith.extui %sign3A_237 : i1 to i32
        %sign3A_239 = arith.subi %sign3A_235, %sign3A_238 : i32
        %sign3A_240 = arith.constant 0 : i32
        %sign3A_241 = arith.cmpi sgt, %jit3A_231, %sign3A_240 : i32
        %sign3A_242 = arith.extui %sign3A_241 : i1 to i32
        %sign3A_243 = arith.constant 0 : i32
        %sign3A_244 = arith.cmpi slt, %jit3A_231, %sign3A_243 : i32
        %sign3A_245 = arith.extui %sign3A_244 : i1 to i32
        %sign3A_246 = arith.subi %sign3A_242, %sign3A_245 : i32
        %ne3A_247 = arith.cmpi ne, %sign3A_239, %sign3A_246 : i32
        %rem3A_248 = arith.remsi %add3A_133, %jit3A_231 : i32
        %ne3A_249 = arith.constant 0 : i32
        %ne3A_250 = arith.cmpi ne, %rem3A_248, %ne3A_249 : i32
        %and3A_251 = arith.andi %ne3A_247, %ne3A_250 : i1
        %sub3A_252 = arith.constant 1 : i32
        %sub3A_253 = arith.subi %div3A_232, %sub3A_252 : i32
        %select_n3A_254 = arith.select %and3A_251, %sub3A_253, %div3A_232 : i32
        %mul3A_255 = arith.constant 8 : i32
        %mul3A_256 = arith.muli %select_n3A_254, %mul3A_255 : i32
        %sub3A_257 = arith.subi %add3A_133, %mul3A_256 : i32
        %jit3A_258 = arith.constant 2 : i32
        %eq3A_259 = arith.constant 0 : i32
        %eq3A_260 = arith.cmpi eq, %jit3A_258, %eq3A_259 : i32
        %jit3A_261 = arith.constant 1 : i32
        %select_n3A_262 = arith.select %eq3A_260, %jit3A_261, %jit3A_258 : i32
        %rem3A_263 = arith.remsi %select_n3A_254, %select_n3A_262 : i32
        %ne3A_264 = arith.constant 0 : i32
        %ne3A_265 = arith.cmpi ne, %rem3A_263, %ne3A_264 : i32
        %lt3A_266 = arith.constant 0 : i32
        %lt3A_267 = arith.cmpi slt, %rem3A_263, %lt3A_266 : i32
        %lt3A_268 = arith.constant 0 : i32
        %lt3A_269 = arith.cmpi slt, %select_n3A_262, %lt3A_268 : i32
        %ne3A_270 = arith.xori %lt3A_267, %lt3A_269 : i1
        %and3A_271 = arith.andi %ne3A_270, %ne3A_265 : i1
        %add3A_272 = arith.addi %rem3A_263, %select_n3A_262 : i32
        %select_n3A_273 = arith.select %and3A_271, %add3A_272, %rem3A_263 : i32
        %jit3A_274 = arith.constant 2 : i32
        %eq3A_275 = arith.constant 0 : i32
        %eq3A_276 = arith.cmpi eq, %jit3A_274, %eq3A_275 : i32
        %jit3A_277 = arith.constant 1 : i32
        %select_n3A_278 = arith.select %eq3A_276, %jit3A_277, %jit3A_274 : i32
        %rem3A_279 = arith.remsi %add3A_133, %select_n3A_278 : i32
        %ne3A_280 = arith.constant 0 : i32
        %ne3A_281 = arith.cmpi ne, %rem3A_279, %ne3A_280 : i32
        %lt3A_282 = arith.constant 0 : i32
        %lt3A_283 = arith.cmpi slt, %rem3A_279, %lt3A_282 : i32
        %lt3A_284 = arith.constant 0 : i32
        %lt3A_285 = arith.cmpi slt, %select_n3A_278, %lt3A_284 : i32
        %ne3A_286 = arith.xori %lt3A_283, %lt3A_285 : i1
        %and3A_287 = arith.andi %ne3A_286, %ne3A_281 : i1
        %add3A_288 = arith.addi %rem3A_279, %select_n3A_278 : i32
        %select_n3A_289 = arith.select %and3A_287, %add3A_288, %rem3A_279 : i32
        %dma_start3A_290 = arith.constant 0 : i32
        %dma_start3A_291 = arith.constant 0 : i32
        %dma_start3A_292 = tpu.memref_slice %arg9[%select_n3A_289, %dma_start3A_290, %dma_start3A_291] : memref<2x128x128xf32, #tpu.memory_space<vmem>> -> memref<1x128x128xf32, #tpu.memory_space<vmem>>
        %dma_start3A_293 = tpu.memref_squeeze %dma_start3A_292 : memref<1x128x128xf32, #tpu.memory_space<vmem>> -> memref<128x128xf32, #tpu.memory_space<vmem>>
        %dma_start3A_294 = arith.constant 0 : i32
        %dma_start3A_295 = arith.constant 0 : i32
        %dma_start3A_296 = tpu.memref_slice %arg7[%select_n3A_273, %dma_start3A_294, %dma_start3A_295] : memref<2x8x128xi32, #tpu.memory_space<vmem>> -> memref<1x8x128xi32, #tpu.memory_space<vmem>>
        %dma_start3A_297 = tpu.memref_squeeze %dma_start3A_296 : memref<1x8x128xi32, #tpu.memory_space<vmem>> -> memref<8x128xi32, #tpu.memory_space<vmem>>
        %dma_start3A_298 = arith.constant 0 : i32
        %dma_start3A_299 = tpu.memref_slice %dma_start3A_297[%sub3A_257, %dma_start3A_298] : memref<8x128xi32, #tpu.memory_space<vmem>> -> memref<1x128xi32, #tpu.memory_space<vmem>>
        %dma_start3A_300 = tpu.memref_squeeze %dma_start3A_299 : memref<1x128xi32, #tpu.memory_space<vmem>> -> memref<128xi32, #tpu.memory_space<vmem>>
        %dma_start3A_301 = arith.constant 0 : i32
        %dma_start3A_302 = arith.constant 0 : i32
        %dma_start3A_303 = tpu.memref_slice %arg2[%dma_start3A_301, %dma_start3A_302] : memref<10000x128xf32, #tpu.memory_space<hbm>> -> memref<10000x128xf32, #tpu.memory_space<hbm>>
        tpu.enqueue_indirect_dma source(%dma_start3A_303 : memref<10000x128xf32, #tpu.memory_space<hbm>>) target(%dma_start3A_293 : memref<128x128xf32, #tpu.memory_space<vmem>>) offsets(%dma_start3A_300 : memref<128xi32, #tpu.memory_space<vmem>>) semaphore(%arg10 : memref<!tpu.dma_semaphore, #tpu.memory_space<semaphore_mem>>)
      } else {
      }
      %jit3A_139 = arith.constant 2 : i32
      %eq3A_140 = arith.constant 0 : i32
      %eq3A_141 = arith.cmpi eq, %jit3A_139, %eq3A_140 : i32
      %jit3A_142 = arith.constant 1 : i32
      %select_n3A_143 = arith.select %eq3A_141, %jit3A_142, %jit3A_139 : i32
      %rem3A_144 = arith.remsi %select_n3A, %select_n3A_143 : i32
      %ne3A_145 = arith.constant 0 : i32
      %ne3A_146 = arith.cmpi ne, %rem3A_144, %ne3A_145 : i32
      %lt3A_147 = arith.constant 0 : i32
      %lt3A_148 = arith.cmpi slt, %rem3A_144, %lt3A_147 : i32
      %lt3A_149 = arith.constant 0 : i32
      %lt3A_150 = arith.cmpi slt, %select_n3A_143, %lt3A_149 : i32
      %ne3A_151 = arith.xori %lt3A_148, %lt3A_150 : i1
      %and3A_152 = arith.andi %ne3A_151, %ne3A_146 : i1
      %add3A_153 = arith.addi %rem3A_144, %select_n3A_143 : i32
      %select_n3A_154 = arith.select %and3A_152, %add3A_153, %rem3A_144 : i32
      %jit3A_155 = arith.constant 2 : i32
      %eq3A_156 = arith.constant 0 : i32
      %eq3A_157 = arith.cmpi eq, %jit3A_155, %eq3A_156 : i32
      %jit3A_158 = arith.constant 1 : i32
      %select_n3A_159 = arith.select %eq3A_157, %jit3A_158, %jit3A_155 : i32
      %rem3A_160 = arith.remsi %scan3A_85, %select_n3A_159 : i32
      %ne3A_161 = arith.constant 0 : i32
      %ne3A_162 = arith.cmpi ne, %rem3A_160, %ne3A_161 : i32
      %lt3A_163 = arith.constant 0 : i32
      %lt3A_164 = arith.cmpi slt, %rem3A_160, %lt3A_163 : i32
      %lt3A_165 = arith.constant 0 : i32
      %lt3A_166 = arith.cmpi slt, %select_n3A_159, %lt3A_165 : i32
      %ne3A_167 = arith.xori %lt3A_164, %lt3A_166 : i1
      %and3A_168 = arith.andi %ne3A_167, %ne3A_162 : i1
      %add3A_169 = arith.addi %rem3A_160, %select_n3A_159 : i32
      %select_n3A_170 = arith.select %and3A_168, %add3A_169, %rem3A_160 : i32
      %dma_wait3A_171 = arith.constant 0 : i32
      %dma_wait3A_172 = arith.constant 0 : i32
      %dma_wait3A_173 = tpu.memref_slice %arg9[%select_n3A_170, %dma_wait3A_171, %dma_wait3A_172] : memref<2x128x128xf32, #tpu.memory_space<vmem>> -> memref<1x128x128xf32, #tpu.memory_space<vmem>>
      %dma_wait3A_174 = tpu.memref_squeeze %dma_wait3A_173 : memref<1x128x128xf32, #tpu.memory_space<vmem>> -> memref<128x128xf32, #tpu.memory_space<vmem>>
      %dma_wait3A_175 = arith.constant 0 : i32
      %dma_wait3A_176 = arith.constant 0 : i32
      %dma_wait3A_177 = tpu.memref_slice %arg7[%select_n3A_154, %dma_wait3A_175, %dma_wait3A_176] : memref<2x8x128xi32, #tpu.memory_space<vmem>> -> memref<1x8x128xi32, #tpu.memory_space<vmem>>
      %dma_wait3A_178 = tpu.memref_squeeze %dma_wait3A_177 : memref<1x8x128xi32, #tpu.memory_space<vmem>> -> memref<8x128xi32, #tpu.memory_space<vmem>>
      %dma_wait3A_179 = arith.constant 0 : i32
      %dma_wait3A_180 = tpu.memref_slice %dma_wait3A_178[%sub3A_104, %dma_wait3A_179] : memref<8x128xi32, #tpu.memory_space<vmem>> -> memref<1x128xi32, #tpu.memory_space<vmem>>
      %dma_wait3A_181 = tpu.memref_squeeze %dma_wait3A_180 : memref<1x128xi32, #tpu.memory_space<vmem>> -> memref<128xi32, #tpu.memory_space<vmem>>
      %dma_wait3A_182 = arith.constant 0 : i32
      %dma_wait3A_183 = arith.constant 0 : i32
      %dma_wait3A_184 = tpu.memref_slice %arg2[%dma_wait3A_182, %dma_wait3A_183] : memref<10000x128xf32, #tpu.memory_space<hbm>> -> memref<10000x128xf32, #tpu.memory_space<hbm>>
      tpu.wait_indirect_dma semaphore(%arg10 : memref<!tpu.dma_semaphore, #tpu.memory_space<semaphore_mem>>) src(%dma_wait3A_184 : memref<10000x128xf32, #tpu.memory_space<hbm>>) dst(%dma_wait3A_174 : memref<128x128xf32, #tpu.memory_space<vmem>>)
      %jit3A_185 = arith.constant 2 : i32
      %eq3A_186 = arith.constant 0 : i32
      %eq3A_187 = arith.cmpi eq, %jit3A_185, %eq3A_186 : i32
      %jit3A_188 = arith.constant 1 : i32
      %select_n3A_189 = arith.select %eq3A_187, %jit3A_188, %jit3A_185 : i32
      %rem3A_190 = arith.remsi %scan3A_85, %select_n3A_189 : i32
      %ne3A_191 = arith.constant 0 : i32
      %ne3A_192 = arith.cmpi ne, %rem3A_190, %ne3A_191 : i32
      %lt3A_193 = arith.constant 0 : i32
      %lt3A_194 = arith.cmpi slt, %rem3A_190, %lt3A_193 : i32
      %lt3A_195 = arith.constant 0 : i32
      %lt3A_196 = arith.cmpi slt, %select_n3A_189, %lt3A_195 : i32
      %ne3A_197 = arith.xori %lt3A_194, %lt3A_196 : i1
      %and3A_198 = arith.andi %ne3A_197, %ne3A_192 : i1
      %add3A_199 = arith.addi %rem3A_190, %select_n3A_189 : i32
      %select_n3A_200 = arith.select %and3A_198, %add3A_199, %rem3A_190 : i32
      %jit3A_201 = arith.constant 2 : i32
      %eq3A_202 = arith.constant 0 : i32
      %eq3A_203 = arith.cmpi eq, %jit3A_201, %eq3A_202 : i32
      %jit3A_204 = arith.constant 1 : i32
      %select_n3A_205 = arith.select %eq3A_203, %jit3A_204, %jit3A_201 : i32
      %rem3A_206 = arith.remsi %select_n3A, %select_n3A_205 : i32
      %ne3A_207 = arith.constant 0 : i32
      %ne3A_208 = arith.cmpi ne, %rem3A_206, %ne3A_207 : i32
      %lt3A_209 = arith.constant 0 : i32
      %lt3A_210 = arith.cmpi slt, %rem3A_206, %lt3A_209 : i32
      %lt3A_211 = arith.constant 0 : i32
      %lt3A_212 = arith.cmpi slt, %select_n3A_205, %lt3A_211 : i32
      %ne3A_213 = arith.xori %lt3A_210, %lt3A_212 : i1
      %and3A_214 = arith.andi %ne3A_213, %ne3A_208 : i1
      %add3A_215 = arith.addi %rem3A_206, %select_n3A_205 : i32
      %select_n3A_216 = arith.select %and3A_214, %add3A_215, %rem3A_206 : i32
      %dma_start3A_217 = arith.constant 0 : i32
      %dma_start3A_218 = arith.constant 0 : i32
      %dma_start3A_219 = tpu.memref_slice %arg9[%select_n3A_200, %dma_start3A_217, %dma_start3A_218] : memref<2x128x128xf32, #tpu.memory_space<vmem>> -> memref<1x128x128xf32, #tpu.memory_space<vmem>>
      %dma_start3A_220 = tpu.memref_squeeze %dma_start3A_219 : memref<1x128x128xf32, #tpu.memory_space<vmem>> -> memref<128x128xf32, #tpu.memory_space<vmem>>
      %dma_start3A_221 = arith.constant 0 : i32
      %dma_start3A_222 = arith.constant 0 : i32
      %dma_start3A_223 = tpu.memref_slice %arg8[%select_n3A_216, %dma_start3A_221, %dma_start3A_222] : memref<2x8x128xi32, #tpu.memory_space<vmem>> -> memref<1x8x128xi32, #tpu.memory_space<vmem>>
      %dma_start3A_224 = tpu.memref_squeeze %dma_start3A_223 : memref<1x8x128xi32, #tpu.memory_space<vmem>> -> memref<8x128xi32, #tpu.memory_space<vmem>>
      %dma_start3A_225 = arith.constant 0 : i32
      %dma_start3A_226 = tpu.memref_slice %dma_start3A_224[%sub3A_104, %dma_start3A_225] : memref<8x128xi32, #tpu.memory_space<vmem>> -> memref<1x128xi32, #tpu.memory_space<vmem>>
      %dma_start3A_227 = tpu.memref_squeeze %dma_start3A_226 : memref<1x128xi32, #tpu.memory_space<vmem>> -> memref<128xi32, #tpu.memory_space<vmem>>
      %dma_start3A_228 = arith.constant 0 : i32
      %dma_start3A_229 = arith.constant 0 : i32
      %dma_start3A_230 = tpu.memref_slice %arg6[%dma_start3A_228, %dma_start3A_229] : memref<10240x128xf32, #tpu.memory_space<vmem_shared>> -> memref<10240x128xf32, #tpu.memory_space<vmem_shared>>
      tpu.enqueue_indirect_dma source(%dma_start3A_220 : memref<128x128xf32, #tpu.memory_space<vmem>>) target(%dma_start3A_230 : memref<10240x128xf32, #tpu.memory_space<vmem_shared>>) offsets(%dma_start3A_227 : memref<128xi32, #tpu.memory_space<vmem>>) semaphore(%arg12 : memref<!tpu.dma_semaphore, #tpu.memory_space<semaphore_mem>>) {add = true}
    }
    %scan3A_58 = arith.constant 80 : i32
    %dma_wait3A = arith.constant 0 : i32
    %dma_wait3A_59 = arith.constant 0 : i32
    %dma_wait3A_60 = arith.constant 0 : i32
    %dma_wait3A_61 = arith.constant 0 : i32
    %dma_wait3A_62 = arith.constant 0 : i32
    %dma_wait3A_63 = tpu.memref_slice %arg9[%dma_wait3A, %dma_wait3A_61, %dma_wait3A_62] : memref<2x128x128xf32, #tpu.memory_space<vmem>> -> memref<1x128x128xf32, #tpu.memory_space<vmem>>
    %dma_wait3A_64 = tpu.memref_squeeze %dma_wait3A_63 : memref<1x128x128xf32, #tpu.memory_space<vmem>> -> memref<128x128xf32, #tpu.memory_space<vmem>>
    %dma_wait3A_65 = arith.constant 0 : i32
    %dma_wait3A_66 = arith.constant 0 : i32
    %dma_wait3A_67 = tpu.memref_slice %arg8[%dma_wait3A_59, %dma_wait3A_65, %dma_wait3A_66] : memref<2x8x128xi32, #tpu.memory_space<vmem>> -> memref<1x8x128xi32, #tpu.memory_space<vmem>>
    %dma_wait3A_68 = tpu.memref_squeeze %dma_wait3A_67 : memref<1x8x128xi32, #tpu.memory_space<vmem>> -> memref<8x128xi32, #tpu.memory_space<vmem>>
    %dma_wait3A_69 = arith.constant 0 : i32
    %dma_wait3A_70 = tpu.memref_slice %dma_wait3A_68[%dma_wait3A_60, %dma_wait3A_69] : memref<8x128xi32, #tpu.memory_space<vmem>> -> memref<1x128xi32, #tpu.memory_space<vmem>>
    %dma_wait3A_71 = tpu.memref_squeeze %dma_wait3A_70 : memref<1x128xi32, #tpu.memory_space<vmem>> -> memref<128xi32, #tpu.memory_space<vmem>>
    %dma_wait3A_72 = arith.constant 0 : i32
    %dma_wait3A_73 = arith.constant 0 : i32
    %dma_wait3A_74 = tpu.memref_slice %arg6[%dma_wait3A_72, %dma_wait3A_73] : memref<10240x128xf32, #tpu.memory_space<vmem_shared>> -> memref<10240x128xf32, #tpu.memory_space<vmem_shared>>
    tpu.wait_indirect_dma semaphore(%arg12 : memref<!tpu.dma_semaphore, #tpu.memory_space<semaphore_mem>>) src(%dma_wait3A_64 : memref<128x128xf32, #tpu.memory_space<vmem>>) dst(%dma_wait3A_74 : memref<10240x128xf32, #tpu.memory_space<vmem_shared>>)
    %barrier3A_75 = arith.constant 0 : index
    tpu.barrier barrier_id(%barrier3A_75)
    %mul3A_76 = arith.constant 624 : i32
    %mul3A_77 = arith.muli %arg1, %mul3A_76 : i32
    %mul3A_78 = arith.constant 624 : i32
    %mul3A_79 = arith.muli %arg1, %mul3A_78 : i32
    "tpu.region"() ({
      %run_scoped3A_85 = tpu.sem_alloc : memref<!tpu.dma_semaphore, #tpu.memory_space<semaphore_mem>>
      %dma_start3A_86 = arith.constant 0 : i32
      %dma_start3A_87 = arith.constant 0 : i32
      %dma_start3A_88 = tpu.memref_slice %arg5[%arg0, %dma_start3A_86, %dma_start3A_87] : memref<2x10000x128xf32, #tpu.memory_space<hbm>> -> memref<1x10000x128xf32, #tpu.memory_space<hbm>>
      %dma_start3A_89 = tpu.memref_squeeze %dma_start3A_88 : memref<1x10000x128xf32, #tpu.memory_space<hbm>> -> memref<10000x128xf32, #tpu.memory_space<hbm>>
      %dma_start3A_90 = arith.constant 0 : i32
      %dma_start3A_91 = tpu.memref_slice %dma_start3A_89[%mul3A_79, %dma_start3A_90] : memref<10000x128xf32, #tpu.memory_space<hbm>> -> memref<624x128xf32, #tpu.memory_space<hbm>>
      %dma_start3A_92 = arith.constant 0 : i32
      %dma_start3A_93 = tpu.memref_slice %arg6[%mul3A_77, %dma_start3A_92] : memref<10240x128xf32, #tpu.memory_space<vmem_shared>> -> memref<624x128xf32, #tpu.memory_space<vmem_shared>>
      tpu.enqueue_dma source(%dma_start3A_93 : memref<624x128xf32, #tpu.memory_space<vmem_shared>>) target(%dma_start3A_91 : memref<624x128xf32, #tpu.memory_space<hbm>>) target_semaphore(%run_scoped3A_85 : memref<!tpu.dma_semaphore, #tpu.memory_space<semaphore_mem>>)
      %dma_wait3A_94 = arith.constant 0 : i32
      %dma_wait3A_95 = arith.constant 0 : i32
      %dma_wait3A_96 = tpu.memref_slice %arg5[%arg0, %dma_wait3A_94, %dma_wait3A_95] : memref<2x10000x128xf32, #tpu.memory_space<hbm>> -> memref<1x10000x128xf32, #tpu.memory_space<hbm>>
      %dma_wait3A_97 = tpu.memref_squeeze %dma_wait3A_96 : memref<1x10000x128xf32, #tpu.memory_space<hbm>> -> memref<10000x128xf32, #tpu.memory_space<hbm>>
      %dma_wait3A_98 = arith.constant 0 : i32
      %dma_wait3A_99 = tpu.memref_slice %dma_wait3A_97[%mul3A_79, %dma_wait3A_98] : memref<10000x128xf32, #tpu.memory_space<hbm>> -> memref<624x128xf32, #tpu.memory_space<hbm>>
      %dma_wait3A_100 = arith.constant 0 : i32
      %dma_wait3A_101 = tpu.memref_slice %arg6[%mul3A_77, %dma_wait3A_100] : memref<10240x128xf32, #tpu.memory_space<vmem_shared>> -> memref<624x128xf32, #tpu.memory_space<vmem_shared>>
      tpu.wait_dma2 semaphore(%run_scoped3A_85 : memref<!tpu.dma_semaphore, #tpu.memory_space<semaphore_mem>>) src(%dma_wait3A_101 : memref<624x128xf32, #tpu.memory_space<vmem_shared>>) dst(%dma_wait3A_99 : memref<624x128xf32, #tpu.memory_space<hbm>>)
      tpu.yield
    }) : () -> ()
    %eq3A_80 = arith.constant 15 : i32
    %eq3A_81 = arith.cmpi eq, %arg1, %eq3A_80 : i32
    %convert_element_type3A_82 = arith.extui %eq3A_81 : i1 to i32
    %cond3A_83 = arith.constant 0 : i32
    %cond3A_84 = arith.cmpi ne, %convert_element_type3A_82, %cond3A_83 : i32
    scf.if %cond3A_84 {
      "tpu.region"() ({
        %run_scoped3A_85 = tpu.sem_alloc : memref<!tpu.dma_semaphore, #tpu.memory_space<semaphore_mem>>
        %dma_start3A_86 = arith.constant 0 : i32
        %dma_start3A_87 = arith.constant 0 : i32
        %dma_start3A_88 = tpu.memref_slice %arg5[%arg0, %dma_start3A_86, %dma_start3A_87] : memref<2x10000x128xf32, #tpu.memory_space<hbm>> -> memref<1x10000x128xf32, #tpu.memory_space<hbm>>
        %dma_start3A_89 = tpu.memref_squeeze %dma_start3A_88 : memref<1x10000x128xf32, #tpu.memory_space<hbm>> -> memref<10000x128xf32, #tpu.memory_space<hbm>>
        %dma_start3A_90 = arith.constant 9984 : i32
        %dma_start3A_91 = arith.constant 0 : i32
        %dma_start3A_92 = tpu.memref_slice %dma_start3A_89[%dma_start3A_90, %dma_start3A_91] : memref<10000x128xf32, #tpu.memory_space<hbm>> -> memref<16x128xf32, #tpu.memory_space<hbm>>
        %dma_start3A_93 = arith.constant 9984 : i32
        %dma_start3A_94 = arith.constant 0 : i32
        %dma_start3A_95 = tpu.memref_slice %arg6[%dma_start3A_93, %dma_start3A_94] : memref<10240x128xf32, #tpu.memory_space<vmem_shared>> -> memref<16x128xf32, #tpu.memory_space<vmem_shared>>
        tpu.enqueue_dma source(%dma_start3A_95 : memref<16x128xf32, #tpu.memory_space<vmem_shared>>) target(%dma_start3A_92 : memref<16x128xf32, #tpu.memory_space<hbm>>) target_semaphore(%run_scoped3A_85 : memref<!tpu.dma_semaphore, #tpu.memory_space<semaphore_mem>>)
        %dma_wait3A_96 = arith.constant 0 : i32
        %dma_wait3A_97 = arith.constant 0 : i32
        %dma_wait3A_98 = tpu.memref_slice %arg5[%arg0, %dma_wait3A_96, %dma_wait3A_97] : memref<2x10000x128xf32, #tpu.memory_space<hbm>> -> memref<1x10000x128xf32, #tpu.memory_space<hbm>>
        %dma_wait3A_99 = tpu.memref_squeeze %dma_wait3A_98 : memref<1x10000x128xf32, #tpu.memory_space<hbm>> -> memref<10000x128xf32, #tpu.memory_space<hbm>>
        %dma_wait3A_100 = arith.constant 9984 : i32
        %dma_wait3A_101 = arith.constant 0 : i32
        %dma_wait3A_102 = tpu.memref_slice %dma_wait3A_99[%dma_wait3A_100, %dma_wait3A_101] : memref<10000x128xf32, #tpu.memory_space<hbm>> -> memref<16x128xf32, #tpu.memory_space<hbm>>
        %dma_wait3A_103 = arith.constant 9984 : i32
        %dma_wait3A_104 = arith.constant 0 : i32
        %dma_wait3A_105 = tpu.memref_slice %arg6[%dma_wait3A_103, %dma_wait3A_104] : memref<10240x128xf32, #tpu.memory_space<vmem_shared>> -> memref<16x128xf32, #tpu.memory_space<vmem_shared>>
        tpu.wait_dma2 semaphore(%run_scoped3A_85 : memref<!tpu.dma_semaphore, #tpu.memory_space<semaphore_mem>>) src(%dma_wait3A_105 : memref<16x128xf32, #tpu.memory_space<vmem_shared>>) dst(%dma_wait3A_102 : memref<16x128xf32, #tpu.memory_space<hbm>>)
        tpu.yield
      }) : () -> ()
    } else {
    }
    return
  }
}

#map = affine_map<(d0, d1) -> (0, 0)>
#map1 = affine_map<(d0, d1) -> (0, 0, 0)>
module attributes {stable_mosaic.version = 14 : i64} {
  func.func @_sc_segsum_body(%arg0: i32, %arg1: i32, %arg2: memref<10000x128xf32, #tpu.memory_space<hbm>>, %arg3: memref<2560x128xi32, #tpu.memory_space<hbm>>, %arg4: memref<2560x128xi32, #tpu.memory_space<hbm>>, %arg5: memref<2x10000x128xf32, #tpu.memory_space<hbm>>, %arg6: memref<2x10240xf32, #tpu.memory_space<hbm>>, %arg7: memref<10240x128xf32, #tpu.memory_space<vmem_shared>>, %arg8: memref<10240xf32, #tpu.memory_space<vmem_shared>>, %arg9: memref<2x8x128xi32, #tpu.memory_space<vmem>>, %arg10: memref<2x8x128xi32, #tpu.memory_space<vmem>>, %arg11: memref<2x128x128xf32, #tpu.memory_space<vmem>>, %arg12: memref<128xf32, #tpu.memory_space<vmem>>, %arg13: memref<640xf32, #tpu.memory_space<vmem>>, %arg14: memref<!tpu.dma_semaphore, #tpu.memory_space<semaphore_mem>>, %arg15: memref<!tpu.dma_semaphore, #tpu.memory_space<semaphore_mem>>, %arg16: memref<!tpu.dma_semaphore, #tpu.memory_space<semaphore_mem>>) attributes {dimension_semantics = [#tpu.dimension_semantics<core_parallel>, #tpu.dimension_semantics<subcore_parallel>], iteration_bounds = array<i64: 2, 16>, scalar_prefetch = 0 : i64, scratch_operands = 10 : i64, tpu.core_type = #tpu.core_type<sc_vector_subcore>, window_params = [{transform_indices = #map}, {transform_indices = #map}, {transform_indices = #map}, {transform_indices = #map1}, {transform_indices = #map}]} {
    %mul3A = arith.constant 16 : i32
    %mul3A_0 = arith.muli %arg0, %mul3A : i32
    %add3A = arith.addi %mul3A_0, %arg1 : i32
    %broadcast_in_dim3A = arith.constant 0.000000e+00 : f32
    %broadcast_in_dim3A_1 = vector.broadcast %broadcast_in_dim3A : f32 to vector<16xf32>
    %scan3A = arith.constant 0 : i32
    %scan3A_2 = arith.constant 0 : i32
    %scan3A_3 = arith.constant 128 : i32
    %scan3A_4 = arith.addi %scan3A_2, %scan3A_3 : i32
    %scan3A_5 = arith.constant 1 : i32
    scf.for %scan3A_298 = %scan3A_2 to %scan3A_4 step %scan3A_5  : i32 {
      %swap3A_299 = arith.constant 0 : i32
      %swap3A_300 = arith.index_cast %swap3A_299 : i32 to index
      %swap3A_301 = arith.index_cast %scan3A_298 : i32 to index
      %swap3A_302 = arith.constant 0 : index
      %swap3A_303 = tpu.vector_load %arg11[%swap3A_300, %swap3A_301, %swap3A_302] {strides = array<i32>} : memref<2x128x128xf32, #tpu.memory_space<vmem>>, vector<1x1x16xf32>,
      %swap3A_304 = vector.shape_cast %swap3A_303 : vector<1x1x16xf32> to vector<16xf32>
      %swap3A_305 = vector.shape_cast %broadcast_in_dim3A_1 : vector<16xf32> to vector<1x1x16xf32>
      tpu.vector_store %arg11[%swap3A_300, %swap3A_301, %swap3A_302], %swap3A_305 {strides = array<i32>} : memref<2x128x128xf32, #tpu.memory_space<vmem>>, vector<1x1x16xf32>,
      %swap3A_306 = arith.constant 0 : i32
      %swap3A_307 = arith.index_cast %swap3A_306 : i32 to index
      %swap3A_308 = arith.index_cast %scan3A_298 : i32 to index
      %swap3A_309 = arith.constant 16 : index
      %swap3A_310 = tpu.vector_load %arg11[%swap3A_307, %swap3A_308, %swap3A_309] {strides = array<i32>} : memref<2x128x128xf32, #tpu.memory_space<vmem>>, vector<1x1x16xf32>,
      %swap3A_311 = vector.shape_cast %swap3A_310 : vector<1x1x16xf32> to vector<16xf32>
      %swap3A_312 = vector.shape_cast %broadcast_in_dim3A_1 : vector<16xf32> to vector<1x1x16xf32>
      tpu.vector_store %arg11[%swap3A_307, %swap3A_308, %swap3A_309], %swap3A_312 {strides = array<i32>} : memref<2x128x128xf32, #tpu.memory_space<vmem>>, vector<1x1x16xf32>,
      %swap3A_313 = arith.constant 0 : i32
      %swap3A_314 = arith.index_cast %swap3A_313 : i32 to index
      %swap3A_315 = arith.index_cast %scan3A_298 : i32 to index
      %swap3A_316 = arith.constant 32 : index
      %swap3A_317 = tpu.vector_load %arg11[%swap3A_314, %swap3A_315, %swap3A_316] {strides = array<i32>} : memref<2x128x128xf32, #tpu.memory_space<vmem>>, vector<1x1x16xf32>,
      %swap3A_318 = vector.shape_cast %swap3A_317 : vector<1x1x16xf32> to vector<16xf32>
      %swap3A_319 = vector.shape_cast %broadcast_in_dim3A_1 : vector<16xf32> to vector<1x1x16xf32>
      tpu.vector_store %arg11[%swap3A_314, %swap3A_315, %swap3A_316], %swap3A_319 {strides = array<i32>} : memref<2x128x128xf32, #tpu.memory_space<vmem>>, vector<1x1x16xf32>,
      %swap3A_320 = arith.constant 0 : i32
      %swap3A_321 = arith.index_cast %swap3A_320 : i32 to index
      %swap3A_322 = arith.index_cast %scan3A_298 : i32 to index
      %swap3A_323 = arith.constant 48 : index
      %swap3A_324 = tpu.vector_load %arg11[%swap3A_321, %swap3A_322, %swap3A_323] {strides = array<i32>} : memref<2x128x128xf32, #tpu.memory_space<vmem>>, vector<1x1x16xf32>,
      %swap3A_325 = vector.shape_cast %swap3A_324 : vector<1x1x16xf32> to vector<16xf32>
      %swap3A_326 = vector.shape_cast %broadcast_in_dim3A_1 : vector<16xf32> to vector<1x1x16xf32>
      tpu.vector_store %arg11[%swap3A_321, %swap3A_322, %swap3A_323], %swap3A_326 {strides = array<i32>} : memref<2x128x128xf32, #tpu.memory_space<vmem>>, vector<1x1x16xf32>,
      %swap3A_327 = arith.constant 0 : i32
      %swap3A_328 = arith.index_cast %swap3A_327 : i32 to index
      %swap3A_329 = arith.index_cast %scan3A_298 : i32 to index
      %swap3A_330 = arith.constant 64 : index
      %swap3A_331 = tpu.vector_load %arg11[%swap3A_328, %swap3A_329, %swap3A_330] {strides = array<i32>} : memref<2x128x128xf32, #tpu.memory_space<vmem>>, vector<1x1x16xf32>,
      %swap3A_332 = vector.shape_cast %swap3A_331 : vector<1x1x16xf32> to vector<16xf32>
      %swap3A_333 = vector.shape_cast %broadcast_in_dim3A_1 : vector<16xf32> to vector<1x1x16xf32>
      tpu.vector_store %arg11[%swap3A_328, %swap3A_329, %swap3A_330], %swap3A_333 {strides = array<i32>} : memref<2x128x128xf32, #tpu.memory_space<vmem>>, vector<1x1x16xf32>,
      %swap3A_334 = arith.constant 0 : i32
      %swap3A_335 = arith.index_cast %swap3A_334 : i32 to index
      %swap3A_336 = arith.index_cast %scan3A_298 : i32 to index
      %swap3A_337 = arith.constant 80 : index
      %swap3A_338 = tpu.vector_load %arg11[%swap3A_335, %swap3A_336, %swap3A_337] {strides = array<i32>} : memref<2x128x128xf32, #tpu.memory_space<vmem>>, vector<1x1x16xf32>,
      %swap3A_339 = vector.shape_cast %swap3A_338 : vector<1x1x16xf32> to vector<16xf32>
      %swap3A_340 = vector.shape_cast %broadcast_in_dim3A_1 : vector<16xf32> to vector<1x1x16xf32>
      tpu.vector_store %arg11[%swap3A_335, %swap3A_336, %swap3A_337], %swap3A_340 {strides = array<i32>} : memref<2x128x128xf32, #tpu.memory_space<vmem>>, vector<1x1x16xf32>,
      %swap3A_341 = arith.constant 0 : i32
      %swap3A_342 = arith.index_cast %swap3A_341 : i32 to index
      %swap3A_343 = arith.index_cast %scan3A_298 : i32 to index
      %swap3A_344 = arith.constant 96 : index
      %swap3A_345 = tpu.vector_load %arg11[%swap3A_342, %swap3A_343, %swap3A_344] {strides = array<i32>} : memref<2x128x128xf32, #tpu.memory_space<vmem>>, vector<1x1x16xf32>,
      %swap3A_346 = vector.shape_cast %swap3A_345 : vector<1x1x16xf32> to vector<16xf32>
      %swap3A_347 = vector.shape_cast %broadcast_in_dim3A_1 : vector<16xf32> to vector<1x1x16xf32>
      tpu.vector_store %arg11[%swap3A_342, %swap3A_343, %swap3A_344], %swap3A_347 {strides = array<i32>} : memref<2x128x128xf32, #tpu.memory_space<vmem>>, vector<1x1x16xf32>,
      %swap3A_348 = arith.constant 0 : i32
      %swap3A_349 = arith.index_cast %swap3A_348 : i32 to index
      %swap3A_350 = arith.index_cast %scan3A_298 : i32 to index
      %swap3A_351 = arith.constant 112 : index
      %swap3A_352 = tpu.vector_load %arg11[%swap3A_349, %swap3A_350, %swap3A_351] {strides = array<i32>} : memref<2x128x128xf32, #tpu.memory_space<vmem>>, vector<1x1x16xf32>,
      %swap3A_353 = vector.shape_cast %swap3A_352 : vector<1x1x16xf32> to vector<16xf32>
      %swap3A_354 = vector.shape_cast %broadcast_in_dim3A_1 : vector<16xf32> to vector<1x1x16xf32>
      tpu.vector_store %arg11[%swap3A_349, %swap3A_350, %swap3A_351], %swap3A_354 {strides = array<i32>} : memref<2x128x128xf32, #tpu.memory_space<vmem>>, vector<1x1x16xf32>,
    }
    %scan3A_6 = arith.constant 128 : i32
    %mul3A_7 = arith.constant 624 : i32
    %mul3A_8 = arith.muli %arg1, %mul3A_7 : i32
    %add3A_9 = arith.constant 0 : i32
    %add3A_10 = arith.addi %mul3A_8, %add3A_9 : i32
    %run_scoped3A = arith.constant 0 : i32
    "tpu.region"() ({
      %run_scoped3A_298 = tpu.sem_alloc : memref<!tpu.dma_semaphore, #tpu.memory_space<semaphore_mem>>
      %dma_start3A_299 = arith.constant 0 : i32
      %dma_start3A_300 = arith.constant 0 : i32
      %dma_start3A_301 = tpu.memref_slice %arg11[%run_scoped3A, %dma_start3A_299, %dma_start3A_300] : memref<2x128x128xf32, #tpu.memory_space<vmem>> -> memref<1x128x128xf32, #tpu.memory_space<vmem>>
      %dma_start3A_302 = tpu.memref_squeeze %dma_start3A_301 : memref<1x128x128xf32, #tpu.memory_space<vmem>> -> memref<128x128xf32, #tpu.memory_space<vmem>>
      %dma_start3A_303 = arith.constant 0 : i32
      %dma_start3A_304 = tpu.memref_slice %arg7[%add3A_10, %dma_start3A_303] : memref<10240x128xf32, #tpu.memory_space<vmem_shared>> -> memref<128x128xf32, #tpu.memory_space<vmem_shared>>
      %dma_start3A_305 = arith.constant 0 : i32
      %dma_start3A_306 = tpu.memref_slice %arg7[%add3A_10, %dma_start3A_305] : memref<10240x128xf32, #tpu.memory_space<vmem_shared>> -> memref<128x128xf32, #tpu.memory_space<vmem_shared>>
      %dma_start3A_307 = arith.constant 0 : i32
      %dma_start3A_308 = arith.constant 0 : i32
      %dma_start3A_309 = tpu.memref_slice %arg11[%run_scoped3A, %dma_start3A_307, %dma_start3A_308] : memref<2x128x128xf32, #tpu.memory_space<vmem>> -> memref<1x128x128xf32, #tpu.memory_space<vmem>>
      %dma_start3A_310 = tpu.memref_squeeze %dma_start3A_309 : memref<1x128x128xf32, #tpu.memory_space<vmem>> -> memref<128x128xf32, #tpu.memory_space<vmem>>
      tpu.enqueue_dma source(%dma_start3A_310 : memref<128x128xf32, #tpu.memory_space<vmem>>) target(%dma_start3A_306 : memref<128x128xf32, #tpu.memory_space<vmem_shared>>) target_semaphore(%run_scoped3A_298 : memref<!tpu.dma_semaphore, #tpu.memory_space<semaphore_mem>>)
      %dma_wait3A_311 = arith.constant 0 : i32
      %dma_wait3A_312 = arith.constant 0 : i32
      %dma_wait3A_313 = tpu.memref_slice %arg11[%run_scoped3A, %dma_wait3A_311, %dma_wait3A_312] : memref<2x128x128xf32, #tpu.memory_space<vmem>> -> memref<1x128x128xf32, #tpu.memory_space<vmem>>
      %dma_wait3A_314 = tpu.memref_squeeze %dma_wait3A_313 : memref<1x128x128xf32, #tpu.memory_space<vmem>> -> memref<128x128xf32, #tpu.memory_space<vmem>>
      %dma_wait3A_315 = arith.constant 0 : i32
      %dma_wait3A_316 = tpu.memref_slice %arg7[%add3A_10, %dma_wait3A_315] : memref<10240x128xf32, #tpu.memory_space<vmem_shared>> -> memref<128x128xf32, #tpu.memory_space<vmem_shared>>
      %dma_wait3A_317 = arith.constant 0 : i32
      %dma_wait3A_318 = tpu.memref_slice %arg7[%add3A_10, %dma_wait3A_317] : memref<10240x128xf32, #tpu.memory_space<vmem_shared>> -> memref<128x128xf32, #tpu.memory_space<vmem_shared>>
      %dma_wait3A_319 = arith.constant 0 : i32
      %dma_wait3A_320 = arith.constant 0 : i32
      %dma_wait3A_321 = tpu.memref_slice %arg11[%run_scoped3A, %dma_wait3A_319, %dma_wait3A_320] : memref<2x128x128xf32, #tpu.memory_space<vmem>> -> memref<1x128x128xf32, #tpu.memory_space<vmem>>
      %dma_wait3A_322 = tpu.memref_squeeze %dma_wait3A_321 : memref<1x128x128xf32, #tpu.memory_space<vmem>> -> memref<128x128xf32, #tpu.memory_space<vmem>>
      tpu.wait_dma2 semaphore(%run_scoped3A_298 : memref<!tpu.dma_semaphore, #tpu.memory_space<semaphore_mem>>) src(%dma_wait3A_322 : memref<128x128xf32, #tpu.memory_space<vmem>>) dst(%dma_wait3A_318 : memref<128x128xf32, #tpu.memory_space<vmem_shared>>)
      tpu.yield
    }) : () -> ()
    %mul3A_11 = arith.constant 624 : i32
    %mul3A_12 = arith.muli %arg1, %mul3A_11 : i32
    %add3A_13 = arith.constant 128 : i32
    %add3A_14 = arith.addi %mul3A_12, %add3A_13 : i32
    %run_scoped3A_15 = arith.constant 0 : i32
    "tpu.region"() ({
      %run_scoped3A_298 = tpu.sem_alloc : memref<!tpu.dma_semaphore, #tpu.memory_space<semaphore_mem>>
      %dma_start3A_299 = arith.constant 0 : i32
      %dma_start3A_300 = arith.constant 0 : i32
      %dma_start3A_301 = tpu.memref_slice %arg11[%run_scoped3A_15, %dma_start3A_299, %dma_start3A_300] : memref<2x128x128xf32, #tpu.memory_space<vmem>> -> memref<1x128x128xf32, #tpu.memory_space<vmem>>
      %dma_start3A_302 = tpu.memref_squeeze %dma_start3A_301 : memref<1x128x128xf32, #tpu.memory_space<vmem>> -> memref<128x128xf32, #tpu.memory_space<vmem>>
      %dma_start3A_303 = arith.constant 0 : i32
      %dma_start3A_304 = tpu.memref_slice %arg7[%add3A_14, %dma_start3A_303] : memref<10240x128xf32, #tpu.memory_space<vmem_shared>> -> memref<128x128xf32, #tpu.memory_space<vmem_shared>>
      %dma_start3A_305 = arith.constant 0 : i32
      %dma_start3A_306 = tpu.memref_slice %arg7[%add3A_14, %dma_start3A_305] : memref<10240x128xf32, #tpu.memory_space<vmem_shared>> -> memref<128x128xf32, #tpu.memory_space<vmem_shared>>
      %dma_start3A_307 = arith.constant 0 : i32
      %dma_start3A_308 = arith.constant 0 : i32
      %dma_start3A_309 = tpu.memref_slice %arg11[%run_scoped3A_15, %dma_start3A_307, %dma_start3A_308] : memref<2x128x128xf32, #tpu.memory_space<vmem>> -> memref<1x128x128xf32, #tpu.memory_space<vmem>>
      %dma_start3A_310 = tpu.memref_squeeze %dma_start3A_309 : memref<1x128x128xf32, #tpu.memory_space<vmem>> -> memref<128x128xf32, #tpu.memory_space<vmem>>
      tpu.enqueue_dma source(%dma_start3A_310 : memref<128x128xf32, #tpu.memory_space<vmem>>) target(%dma_start3A_306 : memref<128x128xf32, #tpu.memory_space<vmem_shared>>) target_semaphore(%run_scoped3A_298 : memref<!tpu.dma_semaphore, #tpu.memory_space<semaphore_mem>>)
      %dma_wait3A_311 = arith.constant 0 : i32
      %dma_wait3A_312 = arith.constant 0 : i32
      %dma_wait3A_313 = tpu.memref_slice %arg11[%run_scoped3A_15, %dma_wait3A_311, %dma_wait3A_312] : memref<2x128x128xf32, #tpu.memory_space<vmem>> -> memref<1x128x128xf32, #tpu.memory_space<vmem>>
      %dma_wait3A_314 = tpu.memref_squeeze %dma_wait3A_313 : memref<1x128x128xf32, #tpu.memory_space<vmem>> -> memref<128x128xf32, #tpu.memory_space<vmem>>
      %dma_wait3A_315 = arith.constant 0 : i32
      %dma_wait3A_316 = tpu.memref_slice %arg7[%add3A_14, %dma_wait3A_315] : memref<10240x128xf32, #tpu.memory_space<vmem_shared>> -> memref<128x128xf32, #tpu.memory_space<vmem_shared>>
      %dma_wait3A_317 = arith.constant 0 : i32
      %dma_wait3A_318 = tpu.memref_slice %arg7[%add3A_14, %dma_wait3A_317] : memref<10240x128xf32, #tpu.memory_space<vmem_shared>> -> memref<128x128xf32, #tpu.memory_space<vmem_shared>>
      %dma_wait3A_319 = arith.constant 0 : i32
      %dma_wait3A_320 = arith.constant 0 : i32
      %dma_wait3A_321 = tpu.memref_slice %arg11[%run_scoped3A_15, %dma_wait3A_319, %dma_wait3A_320] : memref<2x128x128xf32, #tpu.memory_space<vmem>> -> memref<1x128x128xf32, #tpu.memory_space<vmem>>
      %dma_wait3A_322 = tpu.memref_squeeze %dma_wait3A_321 : memref<1x128x128xf32, #tpu.memory_space<vmem>> -> memref<128x128xf32, #tpu.memory_space<vmem>>
      tpu.wait_dma2 semaphore(%run_scoped3A_298 : memref<!tpu.dma_semaphore, #tpu.memory_space<semaphore_mem>>) src(%dma_wait3A_322 : memref<128x128xf32, #tpu.memory_space<vmem>>) dst(%dma_wait3A_318 : memref<128x128xf32, #tpu.memory_space<vmem_shared>>)
      tpu.yield
    }) : () -> ()
    %mul3A_16 = arith.constant 624 : i32
    %mul3A_17 = arith.muli %arg1, %mul3A_16 : i32
    %add3A_18 = arith.constant 256 : i32
    %add3A_19 = arith.addi %mul3A_17, %add3A_18 : i32
    %run_scoped3A_20 = arith.constant 0 : i32
    "tpu.region"() ({
      %run_scoped3A_298 = tpu.sem_alloc : memref<!tpu.dma_semaphore, #tpu.memory_space<semaphore_mem>>
      %dma_start3A_299 = arith.constant 0 : i32
      %dma_start3A_300 = arith.constant 0 : i32
      %dma_start3A_301 = tpu.memref_slice %arg11[%run_scoped3A_20, %dma_start3A_299, %dma_start3A_300] : memref<2x128x128xf32, #tpu.memory_space<vmem>> -> memref<1x128x128xf32, #tpu.memory_space<vmem>>
      %dma_start3A_302 = tpu.memref_squeeze %dma_start3A_301 : memref<1x128x128xf32, #tpu.memory_space<vmem>> -> memref<128x128xf32, #tpu.memory_space<vmem>>
      %dma_start3A_303 = arith.constant 0 : i32
      %dma_start3A_304 = tpu.memref_slice %arg7[%add3A_19, %dma_start3A_303] : memref<10240x128xf32, #tpu.memory_space<vmem_shared>> -> memref<128x128xf32, #tpu.memory_space<vmem_shared>>
      %dma_start3A_305 = arith.constant 0 : i32
      %dma_start3A_306 = tpu.memref_slice %arg7[%add3A_19, %dma_start3A_305] : memref<10240x128xf32, #tpu.memory_space<vmem_shared>> -> memref<128x128xf32, #tpu.memory_space<vmem_shared>>
      %dma_start3A_307 = arith.constant 0 : i32
      %dma_start3A_308 = arith.constant 0 : i32
      %dma_start3A_309 = tpu.memref_slice %arg11[%run_scoped3A_20, %dma_start3A_307, %dma_start3A_308] : memref<2x128x128xf32, #tpu.memory_space<vmem>> -> memref<1x128x128xf32, #tpu.memory_space<vmem>>
      %dma_start3A_310 = tpu.memref_squeeze %dma_start3A_309 : memref<1x128x128xf32, #tpu.memory_space<vmem>> -> memref<128x128xf32, #tpu.memory_space<vmem>>
      tpu.enqueue_dma source(%dma_start3A_310 : memref<128x128xf32, #tpu.memory_space<vmem>>) target(%dma_start3A_306 : memref<128x128xf32, #tpu.memory_space<vmem_shared>>) target_semaphore(%run_scoped3A_298 : memref<!tpu.dma_semaphore, #tpu.memory_space<semaphore_mem>>)
      %dma_wait3A_311 = arith.constant 0 : i32
      %dma_wait3A_312 = arith.constant 0 : i32
      %dma_wait3A_313 = tpu.memref_slice %arg11[%run_scoped3A_20, %dma_wait3A_311, %dma_wait3A_312] : memref<2x128x128xf32, #tpu.memory_space<vmem>> -> memref<1x128x128xf32, #tpu.memory_space<vmem>>
      %dma_wait3A_314 = tpu.memref_squeeze %dma_wait3A_313 : memref<1x128x128xf32, #tpu.memory_space<vmem>> -> memref<128x128xf32, #tpu.memory_space<vmem>>
      %dma_wait3A_315 = arith.constant 0 : i32
      %dma_wait3A_316 = tpu.memref_slice %arg7[%add3A_19, %dma_wait3A_315] : memref<10240x128xf32, #tpu.memory_space<vmem_shared>> -> memref<128x128xf32, #tpu.memory_space<vmem_shared>>
      %dma_wait3A_317 = arith.constant 0 : i32
      %dma_wait3A_318 = tpu.memref_slice %arg7[%add3A_19, %dma_wait3A_317] : memref<10240x128xf32, #tpu.memory_space<vmem_shared>> -> memref<128x128xf32, #tpu.memory_space<vmem_shared>>
      %dma_wait3A_319 = arith.constant 0 : i32
      %dma_wait3A_320 = arith.constant 0 : i32
      %dma_wait3A_321 = tpu.memref_slice %arg11[%run_scoped3A_20, %dma_wait3A_319, %dma_wait3A_320] : memref<2x128x128xf32, #tpu.memory_space<vmem>> -> memref<1x128x128xf32, #tpu.memory_space<vmem>>
      %dma_wait3A_322 = tpu.memref_squeeze %dma_wait3A_321 : memref<1x128x128xf32, #tpu.memory_space<vmem>> -> memref<128x128xf32, #tpu.memory_space<vmem>>
      tpu.wait_dma2 semaphore(%run_scoped3A_298 : memref<!tpu.dma_semaphore, #tpu.memory_space<semaphore_mem>>) src(%dma_wait3A_322 : memref<128x128xf32, #tpu.memory_space<vmem>>) dst(%dma_wait3A_318 : memref<128x128xf32, #tpu.memory_space<vmem_shared>>)
      tpu.yield
    }) : () -> ()
    %mul3A_21 = arith.constant 624 : i32
    %mul3A_22 = arith.muli %arg1, %mul3A_21 : i32
    %add3A_23 = arith.constant 384 : i32
    %add3A_24 = arith.addi %mul3A_22, %add3A_23 : i32
    %run_scoped3A_25 = arith.constant 0 : i32
    "tpu.region"() ({
      %run_scoped3A_298 = tpu.sem_alloc : memref<!tpu.dma_semaphore, #tpu.memory_space<semaphore_mem>>
      %dma_start3A_299 = arith.constant 0 : i32
      %dma_start3A_300 = arith.constant 0 : i32
      %dma_start3A_301 = tpu.memref_slice %arg11[%run_scoped3A_25, %dma_start3A_299, %dma_start3A_300] : memref<2x128x128xf32, #tpu.memory_space<vmem>> -> memref<1x128x128xf32, #tpu.memory_space<vmem>>
      %dma_start3A_302 = tpu.memref_squeeze %dma_start3A_301 : memref<1x128x128xf32, #tpu.memory_space<vmem>> -> memref<128x128xf32, #tpu.memory_space<vmem>>
      %dma_start3A_303 = arith.constant 0 : i32
      %dma_start3A_304 = tpu.memref_slice %arg7[%add3A_24, %dma_start3A_303] : memref<10240x128xf32, #tpu.memory_space<vmem_shared>> -> memref<128x128xf32, #tpu.memory_space<vmem_shared>>
      %dma_start3A_305 = arith.constant 0 : i32
      %dma_start3A_306 = tpu.memref_slice %arg7[%add3A_24, %dma_start3A_305] : memref<10240x128xf32, #tpu.memory_space<vmem_shared>> -> memref<128x128xf32, #tpu.memory_space<vmem_shared>>
      %dma_start3A_307 = arith.constant 0 : i32
      %dma_start3A_308 = arith.constant 0 : i32
      %dma_start3A_309 = tpu.memref_slice %arg11[%run_scoped3A_25, %dma_start3A_307, %dma_start3A_308] : memref<2x128x128xf32, #tpu.memory_space<vmem>> -> memref<1x128x128xf32, #tpu.memory_space<vmem>>
      %dma_start3A_310 = tpu.memref_squeeze %dma_start3A_309 : memref<1x128x128xf32, #tpu.memory_space<vmem>> -> memref<128x128xf32, #tpu.memory_space<vmem>>
      tpu.enqueue_dma source(%dma_start3A_310 : memref<128x128xf32, #tpu.memory_space<vmem>>) target(%dma_start3A_306 : memref<128x128xf32, #tpu.memory_space<vmem_shared>>) target_semaphore(%run_scoped3A_298 : memref<!tpu.dma_semaphore, #tpu.memory_space<semaphore_mem>>)
      %dma_wait3A_311 = arith.constant 0 : i32
      %dma_wait3A_312 = arith.constant 0 : i32
      %dma_wait3A_313 = tpu.memref_slice %arg11[%run_scoped3A_25, %dma_wait3A_311, %dma_wait3A_312] : memref<2x128x128xf32, #tpu.memory_space<vmem>> -> memref<1x128x128xf32, #tpu.memory_space<vmem>>
      %dma_wait3A_314 = tpu.memref_squeeze %dma_wait3A_313 : memref<1x128x128xf32, #tpu.memory_space<vmem>> -> memref<128x128xf32, #tpu.memory_space<vmem>>
      %dma_wait3A_315 = arith.constant 0 : i32
      %dma_wait3A_316 = tpu.memref_slice %arg7[%add3A_24, %dma_wait3A_315] : memref<10240x128xf32, #tpu.memory_space<vmem_shared>> -> memref<128x128xf32, #tpu.memory_space<vmem_shared>>
      %dma_wait3A_317 = arith.constant 0 : i32
      %dma_wait3A_318 = tpu.memref_slice %arg7[%add3A_24, %dma_wait3A_317] : memref<10240x128xf32, #tpu.memory_space<vmem_shared>> -> memref<128x128xf32, #tpu.memory_space<vmem_shared>>
      %dma_wait3A_319 = arith.constant 0 : i32
      %dma_wait3A_320 = arith.constant 0 : i32
      %dma_wait3A_321 = tpu.memref_slice %arg11[%run_scoped3A_25, %dma_wait3A_319, %dma_wait3A_320] : memref<2x128x128xf32, #tpu.memory_space<vmem>> -> memref<1x128x128xf32, #tpu.memory_space<vmem>>
      %dma_wait3A_322 = tpu.memref_squeeze %dma_wait3A_321 : memref<1x128x128xf32, #tpu.memory_space<vmem>> -> memref<128x128xf32, #tpu.memory_space<vmem>>
      tpu.wait_dma2 semaphore(%run_scoped3A_298 : memref<!tpu.dma_semaphore, #tpu.memory_space<semaphore_mem>>) src(%dma_wait3A_322 : memref<128x128xf32, #tpu.memory_space<vmem>>) dst(%dma_wait3A_318 : memref<128x128xf32, #tpu.memory_space<vmem_shared>>)
      tpu.yield
    }) : () -> ()
    %mul3A_26 = arith.constant 624 : i32
    %mul3A_27 = arith.muli %arg1, %mul3A_26 : i32
    %add3A_28 = arith.constant 512 : i32
    %add3A_29 = arith.addi %mul3A_27, %add3A_28 : i32
    %run_scoped3A_30 = arith.constant 0 : i32
    "tpu.region"() ({
      %run_scoped3A_298 = tpu.sem_alloc : memref<!tpu.dma_semaphore, #tpu.memory_space<semaphore_mem>>
      %dma_start3A_299 = arith.constant 0 : i32
      %dma_start3A_300 = arith.constant 0 : i32
      %dma_start3A_301 = tpu.memref_slice %arg11[%run_scoped3A_30, %dma_start3A_299, %dma_start3A_300] : memref<2x128x128xf32, #tpu.memory_space<vmem>> -> memref<1x128x128xf32, #tpu.memory_space<vmem>>
      %dma_start3A_302 = tpu.memref_squeeze %dma_start3A_301 : memref<1x128x128xf32, #tpu.memory_space<vmem>> -> memref<128x128xf32, #tpu.memory_space<vmem>>
      %dma_start3A_303 = arith.constant 0 : i32
      %dma_start3A_304 = arith.constant 0 : i32
      %dma_start3A_305 = tpu.memref_slice %dma_start3A_302[%dma_start3A_303, %dma_start3A_304] : memref<128x128xf32, #tpu.memory_space<vmem>> -> memref<112x128xf32, #tpu.memory_space<vmem>>
      %dma_start3A_306 = arith.constant 0 : i32
      %dma_start3A_307 = tpu.memref_slice %arg7[%add3A_29, %dma_start3A_306] : memref<10240x128xf32, #tpu.memory_space<vmem_shared>> -> memref<112x128xf32, #tpu.memory_space<vmem_shared>>
      %dma_start3A_308 = arith.constant 0 : i32
      %dma_start3A_309 = tpu.memref_slice %arg7[%add3A_29, %dma_start3A_308] : memref<10240x128xf32, #tpu.memory_space<vmem_shared>> -> memref<112x128xf32, #tpu.memory_space<vmem_shared>>
      %dma_start3A_310 = arith.constant 0 : i32
      %dma_start3A_311 = arith.constant 0 : i32
      %dma_start3A_312 = tpu.memref_slice %arg11[%run_scoped3A_30, %dma_start3A_310, %dma_start3A_311] : memref<2x128x128xf32, #tpu.memory_space<vmem>> -> memref<1x128x128xf32, #tpu.memory_space<vmem>>
      %dma_start3A_313 = tpu.memref_squeeze %dma_start3A_312 : memref<1x128x128xf32, #tpu.memory_space<vmem>> -> memref<128x128xf32, #tpu.memory_space<vmem>>
      %dma_start3A_314 = arith.constant 0 : i32
      %dma_start3A_315 = arith.constant 0 : i32
      %dma_start3A_316 = tpu.memref_slice %dma_start3A_313[%dma_start3A_314, %dma_start3A_315] : memref<128x128xf32, #tpu.memory_space<vmem>> -> memref<112x128xf32, #tpu.memory_space<vmem>>
      tpu.enqueue_dma source(%dma_start3A_316 : memref<112x128xf32, #tpu.memory_space<vmem>>) target(%dma_start3A_309 : memref<112x128xf32, #tpu.memory_space<vmem_shared>>) target_semaphore(%run_scoped3A_298 : memref<!tpu.dma_semaphore, #tpu.memory_space<semaphore_mem>>)
      %dma_wait3A_317 = arith.constant 0 : i32
      %dma_wait3A_318 = arith.constant 0 : i32
      %dma_wait3A_319 = tpu.memref_slice %arg11[%run_scoped3A_30, %dma_wait3A_317, %dma_wait3A_318] : memref<2x128x128xf32, #tpu.memory_space<vmem>> -> memref<1x128x128xf32, #tpu.memory_space<vmem>>
      %dma_wait3A_320 = tpu.memref_squeeze %dma_wait3A_319 : memref<1x128x128xf32, #tpu.memory_space<vmem>> -> memref<128x128xf32, #tpu.memory_space<vmem>>
      %dma_wait3A_321 = arith.constant 0 : i32
      %dma_wait3A_322 = arith.constant 0 : i32
      %dma_wait3A_323 = tpu.memref_slice %dma_wait3A_320[%dma_wait3A_321, %dma_wait3A_322] : memref<128x128xf32, #tpu.memory_space<vmem>> -> memref<112x128xf32, #tpu.memory_space<vmem>>
      %dma_wait3A_324 = arith.constant 0 : i32
      %dma_wait3A_325 = tpu.memref_slice %arg7[%add3A_29, %dma_wait3A_324] : memref<10240x128xf32, #tpu.memory_space<vmem_shared>> -> memref<112x128xf32, #tpu.memory_space<vmem_shared>>
      %dma_wait3A_326 = arith.constant 0 : i32
      %dma_wait3A_327 = tpu.memref_slice %arg7[%add3A_29, %dma_wait3A_326] : memref<10240x128xf32, #tpu.memory_space<vmem_shared>> -> memref<112x128xf32, #tpu.memory_space<vmem_shared>>
      %dma_wait3A_328 = arith.constant 0 : i32
      %dma_wait3A_329 = arith.constant 0 : i32
      %dma_wait3A_330 = tpu.memref_slice %arg11[%run_scoped3A_30, %dma_wait3A_328, %dma_wait3A_329] : memref<2x128x128xf32, #tpu.memory_space<vmem>> -> memref<1x128x128xf32, #tpu.memory_space<vmem>>
      %dma_wait3A_331 = tpu.memref_squeeze %dma_wait3A_330 : memref<1x128x128xf32, #tpu.memory_space<vmem>> -> memref<128x128xf32, #tpu.memory_space<vmem>>
      %dma_wait3A_332 = arith.constant 0 : i32
      %dma_wait3A_333 = arith.constant 0 : i32
      %dma_wait3A_334 = tpu.memref_slice %dma_wait3A_331[%dma_wait3A_332, %dma_wait3A_333] : memref<128x128xf32, #tpu.memory_space<vmem>> -> memref<112x128xf32, #tpu.memory_space<vmem>>
      tpu.wait_dma2 semaphore(%run_scoped3A_298 : memref<!tpu.dma_semaphore, #tpu.memory_space<semaphore_mem>>) src(%dma_wait3A_334 : memref<112x128xf32, #tpu.memory_space<vmem>>) dst(%dma_wait3A_327 : memref<112x128xf32, #tpu.memory_space<vmem_shared>>)
      tpu.yield
    }) : () -> ()
    %swap3A = arith.constant 0 : index
    %swap3A_31 = tpu.vector_load %arg13[%swap3A] {strides = array<i32>} : memref<640xf32, #tpu.memory_space<vmem>>, vector<16xf32>,
    %swap3A_32 = vector.shape_cast %swap3A_31 : vector<16xf32> to vector<16xf32>
    %swap3A_33 = vector.shape_cast %broadcast_in_dim3A_1 : vector<16xf32> to vector<16xf32>
    tpu.vector_store %arg13[%swap3A], %swap3A_33 {strides = array<i32>} : memref<640xf32, #tpu.memory_space<vmem>>, vector<16xf32>,
    %swap3A_34 = arith.constant 16 : index
    %swap3A_35 = tpu.vector_load %arg13[%swap3A_34] {strides = array<i32>} : memref<640xf32, #tpu.memory_space<vmem>>, vector<16xf32>,
    %swap3A_36 = vector.shape_cast %swap3A_35 : vector<16xf32> to vector<16xf32>
    %swap3A_37 = vector.shape_cast %broadcast_in_dim3A_1 : vector<16xf32> to vector<16xf32>
    tpu.vector_store %arg13[%swap3A_34], %swap3A_37 {strides = array<i32>} : memref<640xf32, #tpu.memory_space<vmem>>, vector<16xf32>,
    %swap3A_38 = arith.constant 32 : index
    %swap3A_39 = tpu.vector_load %arg13[%swap3A_38] {strides = array<i32>} : memref<640xf32, #tpu.memory_space<vmem>>, vector<16xf32>,
    %swap3A_40 = vector.shape_cast %swap3A_39 : vector<16xf32> to vector<16xf32>
    %swap3A_41 = vector.shape_cast %broadcast_in_dim3A_1 : vector<16xf32> to vector<16xf32>
    tpu.vector_store %arg13[%swap3A_38], %swap3A_41 {strides = array<i32>} : memref<640xf32, #tpu.memory_space<vmem>>, vector<16xf32>,
    %swap3A_42 = arith.constant 48 : index
    %swap3A_43 = tpu.vector_load %arg13[%swap3A_42] {strides = array<i32>} : memref<640xf32, #tpu.memory_space<vmem>>, vector<16xf32>,
    %swap3A_44 = vector.shape_cast %swap3A_43 : vector<16xf32> to vector<16xf32>
    %swap3A_45 = vector.shape_cast %broadcast_in_dim3A_1 : vector<16xf32> to vector<16xf32>
    tpu.vector_store %arg13[%swap3A_42], %swap3A_45 {strides = array<i32>} : memref<640xf32, #tpu.memory_space<vmem>>, vector<16xf32>,
    %swap3A_46 = arith.constant 64 : index
    %swap3A_47 = tpu.vector_load %arg13[%swap3A_46] {strides = array<i32>} : memref<640xf32, #tpu.memory_space<vmem>>, vector<16xf32>,
    %swap3A_48 = vector.shape_cast %swap3A_47 : vector<16xf32> to vector<16xf32>
    %swap3A_49 = vector.shape_cast %broadcast_in_dim3A_1 : vector<16xf32> to vector<16xf32>
    tpu.vector_store %arg13[%swap3A_46], %swap3A_49 {strides = array<i32>} : memref<640xf32, #tpu.memory_space<vmem>>, vector<16xf32>,
    %swap3A_50 = arith.constant 80 : index
    %swap3A_51 = tpu.vector_load %arg13[%swap3A_50] {strides = array<i32>} : memref<640xf32, #tpu.memory_space<vmem>>, vector<16xf32>,
    %swap3A_52 = vector.shape_cast %swap3A_51 : vector<16xf32> to vector<16xf32>
    %swap3A_53 = vector.shape_cast %broadcast_in_dim3A_1 : vector<16xf32> to vector<16xf32>
    tpu.vector_store %arg13[%swap3A_50], %swap3A_53 {strides = array<i32>} : memref<640xf32, #tpu.memory_space<vmem>>, vector<16xf32>,
    %swap3A_54 = arith.constant 96 : index
    %swap3A_55 = tpu.vector_load %arg13[%swap3A_54] {strides = array<i32>} : memref<640xf32, #tpu.memory_space<vmem>>, vector<16xf32>,
    %swap3A_56 = vector.shape_cast %swap3A_55 : vector<16xf32> to vector<16xf32>
    %swap3A_57 = vector.shape_cast %broadcast_in_dim3A_1 : vector<16xf32> to vector<16xf32>
    tpu.vector_store %arg13[%swap3A_54], %swap3A_57 {strides = array<i32>} : memref<640xf32, #tpu.memory_space<vmem>>, vector<16xf32>,
    %swap3A_58 = arith.constant 112 : index
    %swap3A_59 = tpu.vector_load %arg13[%swap3A_58] {strides = array<i32>} : memref<640xf32, #tpu.memory_space<vmem>>, vector<16xf32>,
    %swap3A_60 = vector.shape_cast %swap3A_59 : vector<16xf32> to vector<16xf32>
    %swap3A_61 = vector.shape_cast %broadcast_in_dim3A_1 : vector<16xf32> to vector<16xf32>
    tpu.vector_store %arg13[%swap3A_58], %swap3A_61 {strides = array<i32>} : memref<640xf32, #tpu.memory_space<vmem>>, vector<16xf32>,
    %swap3A_62 = arith.constant 128 : index
    %swap3A_63 = tpu.vector_load %arg13[%swap3A_62] {strides = array<i32>} : memref<640xf32, #tpu.memory_space<vmem>>, vector<16xf32>,
    %swap3A_64 = vector.shape_cast %swap3A_63 : vector<16xf32> to vector<16xf32>
    %swap3A_65 = vector.shape_cast %broadcast_in_dim3A_1 : vector<16xf32> to vector<16xf32>
    tpu.vector_store %arg13[%swap3A_62], %swap3A_65 {strides = array<i32>} : memref<640xf32, #tpu.memory_space<vmem>>, vector<16xf32>,
    %swap3A_66 = arith.constant 144 : index
    %swap3A_67 = tpu.vector_load %arg13[%swap3A_66] {strides = array<i32>} : memref<640xf32, #tpu.memory_space<vmem>>, vector<16xf32>,
    %swap3A_68 = vector.shape_cast %swap3A_67 : vector<16xf32> to vector<16xf32>
    %swap3A_69 = vector.shape_cast %broadcast_in_dim3A_1 : vector<16xf32> to vector<16xf32>
    tpu.vector_store %arg13[%swap3A_66], %swap3A_69 {strides = array<i32>} : memref<640xf32, #tpu.memory_space<vmem>>, vector<16xf32>,
    %swap3A_70 = arith.constant 160 : index
    %swap3A_71 = tpu.vector_load %arg13[%swap3A_70] {strides = array<i32>} : memref<640xf32, #tpu.memory_space<vmem>>, vector<16xf32>,
    %swap3A_72 = vector.shape_cast %swap3A_71 : vector<16xf32> to vector<16xf32>
    %swap3A_73 = vector.shape_cast %broadcast_in_dim3A_1 : vector<16xf32> to vector<16xf32>
    tpu.vector_store %arg13[%swap3A_70], %swap3A_73 {strides = array<i32>} : memref<640xf32, #tpu.memory_space<vmem>>, vector<16xf32>,
    %swap3A_74 = arith.constant 176 : index
    %swap3A_75 = tpu.vector_load %arg13[%swap3A_74] {strides = array<i32>} : memref<640xf32, #tpu.memory_space<vmem>>, vector<16xf32>,
    %swap3A_76 = vector.shape_cast %swap3A_75 : vector<16xf32> to vector<16xf32>
    %swap3A_77 = vector.shape_cast %broadcast_in_dim3A_1 : vector<16xf32> to vector<16xf32>
    tpu.vector_store %arg13[%swap3A_74], %swap3A_77 {strides = array<i32>} : memref<640xf32, #tpu.memory_space<vmem>>, vector<16xf32>,
    %swap3A_78 = arith.constant 192 : index
    %swap3A_79 = tpu.vector_load %arg13[%swap3A_78] {strides = array<i32>} : memref<640xf32, #tpu.memory_space<vmem>>, vector<16xf32>,
    %swap3A_80 = vector.shape_cast %swap3A_79 : vector<16xf32> to vector<16xf32>
    %swap3A_81 = vector.shape_cast %broadcast_in_dim3A_1 : vector<16xf32> to vector<16xf32>
    tpu.vector_store %arg13[%swap3A_78], %swap3A_81 {strides = array<i32>} : memref<640xf32, #tpu.memory_space<vmem>>, vector<16xf32>,
    %swap3A_82 = arith.constant 208 : index
    %swap3A_83 = tpu.vector_load %arg13[%swap3A_82] {strides = array<i32>} : memref<640xf32, #tpu.memory_space<vmem>>, vector<16xf32>,
    %swap3A_84 = vector.shape_cast %swap3A_83 : vector<16xf32> to vector<16xf32>
    %swap3A_85 = vector.shape_cast %broadcast_in_dim3A_1 : vector<16xf32> to vector<16xf32>
    tpu.vector_store %arg13[%swap3A_82], %swap3A_85 {strides = array<i32>} : memref<640xf32, #tpu.memory_space<vmem>>, vector<16xf32>,
    %swap3A_86 = arith.constant 224 : index
    %swap3A_87 = tpu.vector_load %arg13[%swap3A_86] {strides = array<i32>} : memref<640xf32, #tpu.memory_space<vmem>>, vector<16xf32>,
    %swap3A_88 = vector.shape_cast %swap3A_87 : vector<16xf32> to vector<16xf32>
    %swap3A_89 = vector.shape_cast %broadcast_in_dim3A_1 : vector<16xf32> to vector<16xf32>
    tpu.vector_store %arg13[%swap3A_86], %swap3A_89 {strides = array<i32>} : memref<640xf32, #tpu.memory_space<vmem>>, vector<16xf32>,
    %swap3A_90 = arith.constant 240 : index
    %swap3A_91 = tpu.vector_load %arg13[%swap3A_90] {strides = array<i32>} : memref<640xf32, #tpu.memory_space<vmem>>, vector<16xf32>,
    %swap3A_92 = vector.shape_cast %swap3A_91 : vector<16xf32> to vector<16xf32>
    %swap3A_93 = vector.shape_cast %broadcast_in_dim3A_1 : vector<16xf32> to vector<16xf32>
    tpu.vector_store %arg13[%swap3A_90], %swap3A_93 {strides = array<i32>} : memref<640xf32, #tpu.memory_space<vmem>>, vector<16xf32>,
    %swap3A_94 = arith.constant 256 : index
    %swap3A_95 = tpu.vector_load %arg13[%swap3A_94] {strides = array<i32>} : memref<640xf32, #tpu.memory_space<vmem>>, vector<16xf32>,
    %swap3A_96 = vector.shape_cast %swap3A_95 : vector<16xf32> to vector<16xf32>
    %swap3A_97 = vector.shape_cast %broadcast_in_dim3A_1 : vector<16xf32> to vector<16xf32>
    tpu.vector_store %arg13[%swap3A_94], %swap3A_97 {strides = array<i32>} : memref<640xf32, #tpu.memory_space<vmem>>, vector<16xf32>,
    %swap3A_98 = arith.constant 272 : index
    %swap3A_99 = tpu.vector_load %arg13[%swap3A_98] {strides = array<i32>} : memref<640xf32, #tpu.memory_space<vmem>>, vector<16xf32>,
    %swap3A_100 = vector.shape_cast %swap3A_99 : vector<16xf32> to vector<16xf32>
    %swap3A_101 = vector.shape_cast %broadcast_in_dim3A_1 : vector<16xf32> to vector<16xf32>
    tpu.vector_store %arg13[%swap3A_98], %swap3A_101 {strides = array<i32>} : memref<640xf32, #tpu.memory_space<vmem>>, vector<16xf32>,
    %swap3A_102 = arith.constant 288 : index
    %swap3A_103 = tpu.vector_load %arg13[%swap3A_102] {strides = array<i32>} : memref<640xf32, #tpu.memory_space<vmem>>, vector<16xf32>,
    %swap3A_104 = vector.shape_cast %swap3A_103 : vector<16xf32> to vector<16xf32>
    %swap3A_105 = vector.shape_cast %broadcast_in_dim3A_1 : vector<16xf32> to vector<16xf32>
    tpu.vector_store %arg13[%swap3A_102], %swap3A_105 {strides = array<i32>} : memref<640xf32, #tpu.memory_space<vmem>>, vector<16xf32>,
    %swap3A_106 = arith.constant 304 : index
    %swap3A_107 = tpu.vector_load %arg13[%swap3A_106] {strides = array<i32>} : memref<640xf32, #tpu.memory_space<vmem>>, vector<16xf32>,
    %swap3A_108 = vector.shape_cast %swap3A_107 : vector<16xf32> to vector<16xf32>
    %swap3A_109 = vector.shape_cast %broadcast_in_dim3A_1 : vector<16xf32> to vector<16xf32>
    tpu.vector_store %arg13[%swap3A_106], %swap3A_109 {strides = array<i32>} : memref<640xf32, #tpu.memory_space<vmem>>, vector<16xf32>,
    %swap3A_110 = arith.constant 320 : index
    %swap3A_111 = tpu.vector_load %arg13[%swap3A_110] {strides = array<i32>} : memref<640xf32, #tpu.memory_space<vmem>>, vector<16xf32>,
    %swap3A_112 = vector.shape_cast %swap3A_111 : vector<16xf32> to vector<16xf32>
    %swap3A_113 = vector.shape_cast %broadcast_in_dim3A_1 : vector<16xf32> to vector<16xf32>
    tpu.vector_store %arg13[%swap3A_110], %swap3A_113 {strides = array<i32>} : memref<640xf32, #tpu.memory_space<vmem>>, vector<16xf32>,
    %swap3A_114 = arith.constant 336 : index
    %swap3A_115 = tpu.vector_load %arg13[%swap3A_114] {strides = array<i32>} : memref<640xf32, #tpu.memory_space<vmem>>, vector<16xf32>,
    %swap3A_116 = vector.shape_cast %swap3A_115 : vector<16xf32> to vector<16xf32>
    %swap3A_117 = vector.shape_cast %broadcast_in_dim3A_1 : vector<16xf32> to vector<16xf32>
    tpu.vector_store %arg13[%swap3A_114], %swap3A_117 {strides = array<i32>} : memref<640xf32, #tpu.memory_space<vmem>>, vector<16xf32>,
    %swap3A_118 = arith.constant 352 : index
    %swap3A_119 = tpu.vector_load %arg13[%swap3A_118] {strides = array<i32>} : memref<640xf32, #tpu.memory_space<vmem>>, vector<16xf32>,
    %swap3A_120 = vector.shape_cast %swap3A_119 : vector<16xf32> to vector<16xf32>
    %swap3A_121 = vector.shape_cast %broadcast_in_dim3A_1 : vector<16xf32> to vector<16xf32>
    tpu.vector_store %arg13[%swap3A_118], %swap3A_121 {strides = array<i32>} : memref<640xf32, #tpu.memory_space<vmem>>, vector<16xf32>,
    %swap3A_122 = arith.constant 368 : index
    %swap3A_123 = tpu.vector_load %arg13[%swap3A_122] {strides = array<i32>} : memref<640xf32, #tpu.memory_space<vmem>>, vector<16xf32>,
    %swap3A_124 = vector.shape_cast %swap3A_123 : vector<16xf32> to vector<16xf32>
    %swap3A_125 = vector.shape_cast %broadcast_in_dim3A_1 : vector<16xf32> to vector<16xf32>
    tpu.vector_store %arg13[%swap3A_122], %swap3A_125 {strides = array<i32>} : memref<640xf32, #tpu.memory_space<vmem>>, vector<16xf32>,
    %swap3A_126 = arith.constant 384 : index
    %swap3A_127 = tpu.vector_load %arg13[%swap3A_126] {strides = array<i32>} : memref<640xf32, #tpu.memory_space<vmem>>, vector<16xf32>,
    %swap3A_128 = vector.shape_cast %swap3A_127 : vector<16xf32> to vector<16xf32>
    %swap3A_129 = vector.shape_cast %broadcast_in_dim3A_1 : vector<16xf32> to vector<16xf32>
    tpu.vector_store %arg13[%swap3A_126], %swap3A_129 {strides = array<i32>} : memref<640xf32, #tpu.memory_space<vmem>>, vector<16xf32>,
    %swap3A_130 = arith.constant 400 : index
    %swap3A_131 = tpu.vector_load %arg13[%swap3A_130] {strides = array<i32>} : memref<640xf32, #tpu.memory_space<vmem>>, vector<16xf32>,
    %swap3A_132 = vector.shape_cast %swap3A_131 : vector<16xf32> to vector<16xf32>
    %swap3A_133 = vector.shape_cast %broadcast_in_dim3A_1 : vector<16xf32> to vector<16xf32>
    tpu.vector_store %arg13[%swap3A_130], %swap3A_133 {strides = array<i32>} : memref<640xf32, #tpu.memory_space<vmem>>, vector<16xf32>,
    %swap3A_134 = arith.constant 416 : index
    %swap3A_135 = tpu.vector_load %arg13[%swap3A_134] {strides = array<i32>} : memref<640xf32, #tpu.memory_space<vmem>>, vector<16xf32>,
    %swap3A_136 = vector.shape_cast %swap3A_135 : vector<16xf32> to vector<16xf32>
    %swap3A_137 = vector.shape_cast %broadcast_in_dim3A_1 : vector<16xf32> to vector<16xf32>
    tpu.vector_store %arg13[%swap3A_134], %swap3A_137 {strides = array<i32>} : memref<640xf32, #tpu.memory_space<vmem>>, vector<16xf32>,
    %swap3A_138 = arith.constant 432 : index
    %swap3A_139 = tpu.vector_load %arg13[%swap3A_138] {strides = array<i32>} : memref<640xf32, #tpu.memory_space<vmem>>, vector<16xf32>,
    %swap3A_140 = vector.shape_cast %swap3A_139 : vector<16xf32> to vector<16xf32>
    %swap3A_141 = vector.shape_cast %broadcast_in_dim3A_1 : vector<16xf32> to vector<16xf32>
    tpu.vector_store %arg13[%swap3A_138], %swap3A_141 {strides = array<i32>} : memref<640xf32, #tpu.memory_space<vmem>>, vector<16xf32>,
    %swap3A_142 = arith.constant 448 : index
    %swap3A_143 = tpu.vector_load %arg13[%swap3A_142] {strides = array<i32>} : memref<640xf32, #tpu.memory_space<vmem>>, vector<16xf32>,
    %swap3A_144 = vector.shape_cast %swap3A_143 : vector<16xf32> to vector<16xf32>
    %swap3A_145 = vector.shape_cast %broadcast_in_dim3A_1 : vector<16xf32> to vector<16xf32>
    tpu.vector_store %arg13[%swap3A_142], %swap3A_145 {strides = array<i32>} : memref<640xf32, #tpu.memory_space<vmem>>, vector<16xf32>,
    %swap3A_146 = arith.constant 464 : index
    %swap3A_147 = tpu.vector_load %arg13[%swap3A_146] {strides = array<i32>} : memref<640xf32, #tpu.memory_space<vmem>>, vector<16xf32>,
    %swap3A_148 = vector.shape_cast %swap3A_147 : vector<16xf32> to vector<16xf32>
    %swap3A_149 = vector.shape_cast %broadcast_in_dim3A_1 : vector<16xf32> to vector<16xf32>
    tpu.vector_store %arg13[%swap3A_146], %swap3A_149 {strides = array<i32>} : memref<640xf32, #tpu.memory_space<vmem>>, vector<16xf32>,
    %swap3A_150 = arith.constant 480 : index
    %swap3A_151 = tpu.vector_load %arg13[%swap3A_150] {strides = array<i32>} : memref<640xf32, #tpu.memory_space<vmem>>, vector<16xf32>,
    %swap3A_152 = vector.shape_cast %swap3A_151 : vector<16xf32> to vector<16xf32>
    %swap3A_153 = vector.shape_cast %broadcast_in_dim3A_1 : vector<16xf32> to vector<16xf32>
    tpu.vector_store %arg13[%swap3A_150], %swap3A_153 {strides = array<i32>} : memref<640xf32, #tpu.memory_space<vmem>>, vector<16xf32>,
    %swap3A_154 = arith.constant 496 : index
    %swap3A_155 = tpu.vector_load %arg13[%swap3A_154] {strides = array<i32>} : memref<640xf32, #tpu.memory_space<vmem>>, vector<16xf32>,
    %swap3A_156 = vector.shape_cast %swap3A_155 : vector<16xf32> to vector<16xf32>
    %swap3A_157 = vector.shape_cast %broadcast_in_dim3A_1 : vector<16xf32> to vector<16xf32>
    tpu.vector_store %arg13[%swap3A_154], %swap3A_157 {strides = array<i32>} : memref<640xf32, #tpu.memory_space<vmem>>, vector<16xf32>,
    %swap3A_158 = arith.constant 512 : index
    %swap3A_159 = tpu.vector_load %arg13[%swap3A_158] {strides = array<i32>} : memref<640xf32, #tpu.memory_space<vmem>>, vector<16xf32>,
    %swap3A_160 = vector.shape_cast %swap3A_159 : vector<16xf32> to vector<16xf32>
    %swap3A_161 = vector.shape_cast %broadcast_in_dim3A_1 : vector<16xf32> to vector<16xf32>
    tpu.vector_store %arg13[%swap3A_158], %swap3A_161 {strides = array<i32>} : memref<640xf32, #tpu.memory_space<vmem>>, vector<16xf32>,
    %swap3A_162 = arith.constant 528 : index
    %swap3A_163 = tpu.vector_load %arg13[%swap3A_162] {strides = array<i32>} : memref<640xf32, #tpu.memory_space<vmem>>, vector<16xf32>,
    %swap3A_164 = vector.shape_cast %swap3A_163 : vector<16xf32> to vector<16xf32>
    %swap3A_165 = vector.shape_cast %broadcast_in_dim3A_1 : vector<16xf32> to vector<16xf32>
    tpu.vector_store %arg13[%swap3A_162], %swap3A_165 {strides = array<i32>} : memref<640xf32, #tpu.memory_space<vmem>>, vector<16xf32>,
    %swap3A_166 = arith.constant 544 : index
    %swap3A_167 = tpu.vector_load %arg13[%swap3A_166] {strides = array<i32>} : memref<640xf32, #tpu.memory_space<vmem>>, vector<16xf32>,
    %swap3A_168 = vector.shape_cast %swap3A_167 : vector<16xf32> to vector<16xf32>
    %swap3A_169 = vector.shape_cast %broadcast_in_dim3A_1 : vector<16xf32> to vector<16xf32>
    tpu.vector_store %arg13[%swap3A_166], %swap3A_169 {strides = array<i32>} : memref<640xf32, #tpu.memory_space<vmem>>, vector<16xf32>,
    %swap3A_170 = arith.constant 560 : index
    %swap3A_171 = tpu.vector_load %arg13[%swap3A_170] {strides = array<i32>} : memref<640xf32, #tpu.memory_space<vmem>>, vector<16xf32>,
    %swap3A_172 = vector.shape_cast %swap3A_171 : vector<16xf32> to vector<16xf32>
    %swap3A_173 = vector.shape_cast %broadcast_in_dim3A_1 : vector<16xf32> to vector<16xf32>
    tpu.vector_store %arg13[%swap3A_170], %swap3A_173 {strides = array<i32>} : memref<640xf32, #tpu.memory_space<vmem>>, vector<16xf32>,
    %swap3A_174 = arith.constant 576 : index
    %swap3A_175 = tpu.vector_load %arg13[%swap3A_174] {strides = array<i32>} : memref<640xf32, #tpu.memory_space<vmem>>, vector<16xf32>,
    %swap3A_176 = vector.shape_cast %swap3A_175 : vector<16xf32> to vector<16xf32>
    %swap3A_177 = vector.shape_cast %broadcast_in_dim3A_1 : vector<16xf32> to vector<16xf32>
    tpu.vector_store %arg13[%swap3A_174], %swap3A_177 {strides = array<i32>} : memref<640xf32, #tpu.memory_space<vmem>>, vector<16xf32>,
    %swap3A_178 = arith.constant 592 : index
    %swap3A_179 = tpu.vector_load %arg13[%swap3A_178] {strides = array<i32>} : memref<640xf32, #tpu.memory_space<vmem>>, vector<16xf32>,
    %swap3A_180 = vector.shape_cast %swap3A_179 : vector<16xf32> to vector<16xf32>
    %swap3A_181 = vector.shape_cast %broadcast_in_dim3A_1 : vector<16xf32> to vector<16xf32>
    tpu.vector_store %arg13[%swap3A_178], %swap3A_181 {strides = array<i32>} : memref<640xf32, #tpu.memory_space<vmem>>, vector<16xf32>,
    %swap3A_182 = arith.constant 608 : index
    %swap3A_183 = tpu.vector_load %arg13[%swap3A_182] {strides = array<i32>} : memref<640xf32, #tpu.memory_space<vmem>>, vector<16xf32>,
    %swap3A_184 = vector.shape_cast %swap3A_183 : vector<16xf32> to vector<16xf32>
    %swap3A_185 = vector.shape_cast %broadcast_in_dim3A_1 : vector<16xf32> to vector<16xf32>
    tpu.vector_store %arg13[%swap3A_182], %swap3A_185 {strides = array<i32>} : memref<640xf32, #tpu.memory_space<vmem>>, vector<16xf32>,
    %swap3A_186 = arith.constant 624 : index
    %swap3A_187 = tpu.vector_load %arg13[%swap3A_186] {strides = array<i32>} : memref<640xf32, #tpu.memory_space<vmem>>, vector<16xf32>,
    %swap3A_188 = vector.shape_cast %swap3A_187 : vector<16xf32> to vector<16xf32>
    %swap3A_189 = vector.shape_cast %broadcast_in_dim3A_1 : vector<16xf32> to vector<16xf32>
    tpu.vector_store %arg13[%swap3A_186], %swap3A_189 {strides = array<i32>} : memref<640xf32, #tpu.memory_space<vmem>>, vector<16xf32>,
    %mul3A_190 = arith.constant 640 : i32
    %mul3A_191 = arith.muli %arg1, %mul3A_190 : i32
    "tpu.region"() ({
      %run_scoped3A_298 = tpu.sem_alloc : memref<!tpu.dma_semaphore, #tpu.memory_space<semaphore_mem>>
      %dma_start3A_299 = tpu.memref_slice %arg8[%mul3A_191] : memref<10240xf32, #tpu.memory_space<vmem_shared>> -> memref<640xf32, #tpu.memory_space<vmem_shared>>
      %dma_start3A_300 = tpu.memref_slice %arg8[%mul3A_191] : memref<10240xf32, #tpu.memory_space<vmem_shared>> -> memref<640xf32, #tpu.memory_space<vmem_shared>>
      tpu.enqueue_dma source(%arg13 : memref<640xf32, #tpu.memory_space<vmem>>) target(%dma_start3A_300 : memref<640xf32, #tpu.memory_space<vmem_shared>>) target_semaphore(%run_scoped3A_298 : memref<!tpu.dma_semaphore, #tpu.memory_space<semaphore_mem>>)
      %dma_wait3A_301 = tpu.memref_slice %arg8[%mul3A_191] : memref<10240xf32, #tpu.memory_space<vmem_shared>> -> memref<640xf32, #tpu.memory_space<vmem_shared>>
      %dma_wait3A_302 = tpu.memref_slice %arg8[%mul3A_191] : memref<10240xf32, #tpu.memory_space<vmem_shared>> -> memref<640xf32, #tpu.memory_space<vmem_shared>>
      tpu.wait_dma2 semaphore(%run_scoped3A_298 : memref<!tpu.dma_semaphore, #tpu.memory_space<semaphore_mem>>) src(%arg13 : memref<640xf32, #tpu.memory_space<vmem>>) dst(%dma_wait3A_302 : memref<640xf32, #tpu.memory_space<vmem_shared>>)
      tpu.yield
    }) : () -> ()
    %broadcast_in_dim3A_192 = arith.constant 1.000000e+00 : f32
    %broadcast_in_dim3A_193 = vector.broadcast %broadcast_in_dim3A_192 : f32 to vector<16xf32>
    %swap3A_194 = arith.constant 0 : index
    %swap3A_195 = tpu.vector_load %arg12[%swap3A_194] {strides = array<i32>} : memref<128xf32, #tpu.memory_space<vmem>>, vector<16xf32>,
    %swap3A_196 = vector.shape_cast %swap3A_195 : vector<16xf32> to vector<16xf32>
    %swap3A_197 = vector.shape_cast %broadcast_in_dim3A_193 : vector<16xf32> to vector<16xf32>
    tpu.vector_store %arg12[%swap3A_194], %swap3A_197 {strides = array<i32>} : memref<128xf32, #tpu.memory_space<vmem>>, vector<16xf32>,
    %broadcast_in_dim3A_198 = arith.constant 1.000000e+00 : f32
    %broadcast_in_dim3A_199 = vector.broadcast %broadcast_in_dim3A_198 : f32 to vector<16xf32>
    %swap3A_200 = arith.constant 16 : index
    %swap3A_201 = tpu.vector_load %arg12[%swap3A_200] {strides = array<i32>} : memref<128xf32, #tpu.memory_space<vmem>>, vector<16xf32>,
    %swap3A_202 = vector.shape_cast %swap3A_201 : vector<16xf32> to vector<16xf32>
    %swap3A_203 = vector.shape_cast %broadcast_in_dim3A_199 : vector<16xf32> to vector<16xf32>
    tpu.vector_store %arg12[%swap3A_200], %swap3A_203 {strides = array<i32>} : memref<128xf32, #tpu.memory_space<vmem>>, vector<16xf32>,
    %broadcast_in_dim3A_204 = arith.constant 1.000000e+00 : f32
    %broadcast_in_dim3A_205 = vector.broadcast %broadcast_in_dim3A_204 : f32 to vector<16xf32>
    %swap3A_206 = arith.constant 32 : index
    %swap3A_207 = tpu.vector_load %arg12[%swap3A_206] {strides = array<i32>} : memref<128xf32, #tpu.memory_space<vmem>>, vector<16xf32>,
    %swap3A_208 = vector.shape_cast %swap3A_207 : vector<16xf32> to vector<16xf32>
    %swap3A_209 = vector.shape_cast %broadcast_in_dim3A_205 : vector<16xf32> to vector<16xf32>
    tpu.vector_store %arg12[%swap3A_206], %swap3A_209 {strides = array<i32>} : memref<128xf32, #tpu.memory_space<vmem>>, vector<16xf32>,
    %broadcast_in_dim3A_210 = arith.constant 1.000000e+00 : f32
    %broadcast_in_dim3A_211 = vector.broadcast %broadcast_in_dim3A_210 : f32 to vector<16xf32>
    %swap3A_212 = arith.constant 48 : index
    %swap3A_213 = tpu.vector_load %arg12[%swap3A_212] {strides = array<i32>} : memref<128xf32, #tpu.memory_space<vmem>>, vector<16xf32>,
    %swap3A_214 = vector.shape_cast %swap3A_213 : vector<16xf32> to vector<16xf32>
    %swap3A_215 = vector.shape_cast %broadcast_in_dim3A_211 : vector<16xf32> to vector<16xf32>
    tpu.vector_store %arg12[%swap3A_212], %swap3A_215 {strides = array<i32>} : memref<128xf32, #tpu.memory_space<vmem>>, vector<16xf32>,
    %broadcast_in_dim3A_216 = arith.constant 1.000000e+00 : f32
    %broadcast_in_dim3A_217 = vector.broadcast %broadcast_in_dim3A_216 : f32 to vector<16xf32>
    %swap3A_218 = arith.constant 64 : index
    %swap3A_219 = tpu.vector_load %arg12[%swap3A_218] {strides = array<i32>} : memref<128xf32, #tpu.memory_space<vmem>>, vector<16xf32>,
    %swap3A_220 = vector.shape_cast %swap3A_219 : vector<16xf32> to vector<16xf32>
    %swap3A_221 = vector.shape_cast %broadcast_in_dim3A_217 : vector<16xf32> to vector<16xf32>
    tpu.vector_store %arg12[%swap3A_218], %swap3A_221 {strides = array<i32>} : memref<128xf32, #tpu.memory_space<vmem>>, vector<16xf32>,
    %broadcast_in_dim3A_222 = arith.constant 1.000000e+00 : f32
    %broadcast_in_dim3A_223 = vector.broadcast %broadcast_in_dim3A_222 : f32 to vector<16xf32>
    %swap3A_224 = arith.constant 80 : index
    %swap3A_225 = tpu.vector_load %arg12[%swap3A_224] {strides = array<i32>} : memref<128xf32, #tpu.memory_space<vmem>>, vector<16xf32>,
    %swap3A_226 = vector.shape_cast %swap3A_225 : vector<16xf32> to vector<16xf32>
    %swap3A_227 = vector.shape_cast %broadcast_in_dim3A_223 : vector<16xf32> to vector<16xf32>
    tpu.vector_store %arg12[%swap3A_224], %swap3A_227 {strides = array<i32>} : memref<128xf32, #tpu.memory_space<vmem>>, vector<16xf32>,
    %broadcast_in_dim3A_228 = arith.constant 1.000000e+00 : f32
    %broadcast_in_dim3A_229 = vector.broadcast %broadcast_in_dim3A_228 : f32 to vector<16xf32>
    %swap3A_230 = arith.constant 96 : index
    %swap3A_231 = tpu.vector_load %arg12[%swap3A_230] {strides = array<i32>} : memref<128xf32, #tpu.memory_space<vmem>>, vector<16xf32>,
    %swap3A_232 = vector.shape_cast %swap3A_231 : vector<16xf32> to vector<16xf32>
    %swap3A_233 = vector.shape_cast %broadcast_in_dim3A_229 : vector<16xf32> to vector<16xf32>
    tpu.vector_store %arg12[%swap3A_230], %swap3A_233 {strides = array<i32>} : memref<128xf32, #tpu.memory_space<vmem>>, vector<16xf32>,
    %broadcast_in_dim3A_234 = arith.constant 1.000000e+00 : f32
    %broadcast_in_dim3A_235 = vector.broadcast %broadcast_in_dim3A_234 : f32 to vector<16xf32>
    %swap3A_236 = arith.constant 112 : index
    %swap3A_237 = tpu.vector_load %arg12[%swap3A_236] {strides = array<i32>} : memref<128xf32, #tpu.memory_space<vmem>>, vector<16xf32>,
    %swap3A_238 = vector.shape_cast %swap3A_237 : vector<16xf32> to vector<16xf32>
    %swap3A_239 = vector.shape_cast %broadcast_in_dim3A_235 : vector<16xf32> to vector<16xf32>
    tpu.vector_store %arg12[%swap3A_236], %swap3A_239 {strides = array<i32>} : memref<128xf32, #tpu.memory_space<vmem>>, vector<16xf32>,
    %eq3A = arith.constant 15 : i32
    %eq3A_240 = arith.cmpi eq, %arg1, %eq3A : i32
    %convert_element_type3A = arith.extui %eq3A_240 : i1 to i32
    %cond3A = arith.constant 0 : i32
    %cond3A_241 = arith.cmpi ne, %convert_element_type3A, %cond3A : i32
    scf.if %cond3A_241 {
      %run_scoped3A_298 = arith.constant 0 : i32
      "tpu.region"() ({
        %run_scoped3A_300 = tpu.sem_alloc : memref<!tpu.dma_semaphore, #tpu.memory_space<semaphore_mem>>
        %dma_start3A_301 = arith.constant 0 : i32
        %dma_start3A_302 = arith.constant 0 : i32
        %dma_start3A_303 = tpu.memref_slice %arg11[%run_scoped3A_298, %dma_start3A_301, %dma_start3A_302] : memref<2x128x128xf32, #tpu.memory_space<vmem>> -> memref<1x128x128xf32, #tpu.memory_space<vmem>>
        %dma_start3A_304 = tpu.memref_squeeze %dma_start3A_303 : memref<1x128x128xf32, #tpu.memory_space<vmem>> -> memref<128x128xf32, #tpu.memory_space<vmem>>
        %dma_start3A_305 = arith.constant 9984 : i32
        %dma_start3A_306 = arith.constant 0 : i32
        %dma_start3A_307 = tpu.memref_slice %arg7[%dma_start3A_305, %dma_start3A_306] : memref<10240x128xf32, #tpu.memory_space<vmem_shared>> -> memref<128x128xf32, #tpu.memory_space<vmem_shared>>
        %dma_start3A_308 = arith.constant 9984 : i32
        %dma_start3A_309 = arith.constant 0 : i32
        %dma_start3A_310 = tpu.memref_slice %arg7[%dma_start3A_308, %dma_start3A_309] : memref<10240x128xf32, #tpu.memory_space<vmem_shared>> -> memref<128x128xf32, #tpu.memory_space<vmem_shared>>
        %dma_start3A_311 = arith.constant 0 : i32
        %dma_start3A_312 = arith.constant 0 : i32
        %dma_start3A_313 = tpu.memref_slice %arg11[%run_scoped3A_298, %dma_start3A_311, %dma_start3A_312] : memref<2x128x128xf32, #tpu.memory_space<vmem>> -> memref<1x128x128xf32, #tpu.memory_space<vmem>>
        %dma_start3A_314 = tpu.memref_squeeze %dma_start3A_313 : memref<1x128x128xf32, #tpu.memory_space<vmem>> -> memref<128x128xf32, #tpu.memory_space<vmem>>
        tpu.enqueue_dma source(%dma_start3A_314 : memref<128x128xf32, #tpu.memory_space<vmem>>) target(%dma_start3A_310 : memref<128x128xf32, #tpu.memory_space<vmem_shared>>) target_semaphore(%run_scoped3A_300 : memref<!tpu.dma_semaphore, #tpu.memory_space<semaphore_mem>>)
        %dma_wait3A_315 = arith.constant 0 : i32
        %dma_wait3A_316 = arith.constant 0 : i32
        %dma_wait3A_317 = tpu.memref_slice %arg11[%run_scoped3A_298, %dma_wait3A_315, %dma_wait3A_316] : memref<2x128x128xf32, #tpu.memory_space<vmem>> -> memref<1x128x128xf32, #tpu.memory_space<vmem>>
        %dma_wait3A_318 = tpu.memref_squeeze %dma_wait3A_317 : memref<1x128x128xf32, #tpu.memory_space<vmem>> -> memref<128x128xf32, #tpu.memory_space<vmem>>
        %dma_wait3A_319 = arith.constant 9984 : i32
        %dma_wait3A_320 = arith.constant 0 : i32
        %dma_wait3A_321 = tpu.memref_slice %arg7[%dma_wait3A_319, %dma_wait3A_320] : memref<10240x128xf32, #tpu.memory_space<vmem_shared>> -> memref<128x128xf32, #tpu.memory_space<vmem_shared>>
        %dma_wait3A_322 = arith.constant 9984 : i32
        %dma_wait3A_323 = arith.constant 0 : i32
        %dma_wait3A_324 = tpu.memref_slice %arg7[%dma_wait3A_322, %dma_wait3A_323] : memref<10240x128xf32, #tpu.memory_space<vmem_shared>> -> memref<128x128xf32, #tpu.memory_space<vmem_shared>>
        %dma_wait3A_325 = arith.constant 0 : i32
        %dma_wait3A_326 = arith.constant 0 : i32
        %dma_wait3A_327 = tpu.memref_slice %arg11[%run_scoped3A_298, %dma_wait3A_325, %dma_wait3A_326] : memref<2x128x128xf32, #tpu.memory_space<vmem>> -> memref<1x128x128xf32, #tpu.memory_space<vmem>>
        %dma_wait3A_328 = tpu.memref_squeeze %dma_wait3A_327 : memref<1x128x128xf32, #tpu.memory_space<vmem>> -> memref<128x128xf32, #tpu.memory_space<vmem>>
        tpu.wait_dma2 semaphore(%run_scoped3A_300 : memref<!tpu.dma_semaphore, #tpu.memory_space<semaphore_mem>>) src(%dma_wait3A_328 : memref<128x128xf32, #tpu.memory_space<vmem>>) dst(%dma_wait3A_324 : memref<128x128xf32, #tpu.memory_space<vmem_shared>>)
        tpu.yield
      }) : () -> ()
      %run_scoped3A_299 = arith.constant 0 : i32
      "tpu.region"() ({
        %run_scoped3A_300 = tpu.sem_alloc : memref<!tpu.dma_semaphore, #tpu.memory_space<semaphore_mem>>
        %dma_start3A_301 = arith.constant 0 : i32
        %dma_start3A_302 = arith.constant 0 : i32
        %dma_start3A_303 = tpu.memref_slice %arg11[%run_scoped3A_299, %dma_start3A_301, %dma_start3A_302] : memref<2x128x128xf32, #tpu.memory_space<vmem>> -> memref<1x128x128xf32, #tpu.memory_space<vmem>>
        %dma_start3A_304 = tpu.memref_squeeze %dma_start3A_303 : memref<1x128x128xf32, #tpu.memory_space<vmem>> -> memref<128x128xf32, #tpu.memory_space<vmem>>
        %dma_start3A_305 = arith.constant 10112 : i32
        %dma_start3A_306 = arith.constant 0 : i32
        %dma_start3A_307 = tpu.memref_slice %arg7[%dma_start3A_305, %dma_start3A_306] : memref<10240x128xf32, #tpu.memory_space<vmem_shared>> -> memref<128x128xf32, #tpu.memory_space<vmem_shared>>
        %dma_start3A_308 = arith.constant 10112 : i32
        %dma_start3A_309 = arith.constant 0 : i32
        %dma_start3A_310 = tpu.memref_slice %arg7[%dma_start3A_308, %dma_start3A_309] : memref<10240x128xf32, #tpu.memory_space<vmem_shared>> -> memref<128x128xf32, #tpu.memory_space<vmem_shared>>
        %dma_start3A_311 = arith.constant 0 : i32
        %dma_start3A_312 = arith.constant 0 : i32
        %dma_start3A_313 = tpu.memref_slice %arg11[%run_scoped3A_299, %dma_start3A_311, %dma_start3A_312] : memref<2x128x128xf32, #tpu.memory_space<vmem>> -> memref<1x128x128xf32, #tpu.memory_space<vmem>>
        %dma_start3A_314 = tpu.memref_squeeze %dma_start3A_313 : memref<1x128x128xf32, #tpu.memory_space<vmem>> -> memref<128x128xf32, #tpu.memory_space<vmem>>
        tpu.enqueue_dma source(%dma_start3A_314 : memref<128x128xf32, #tpu.memory_space<vmem>>) target(%dma_start3A_310 : memref<128x128xf32, #tpu.memory_space<vmem_shared>>) target_semaphore(%run_scoped3A_300 : memref<!tpu.dma_semaphore, #tpu.memory_space<semaphore_mem>>)
        %dma_wait3A_315 = arith.constant 0 : i32
        %dma_wait3A_316 = arith.constant 0 : i32
        %dma_wait3A_317 = tpu.memref_slice %arg11[%run_scoped3A_299, %dma_wait3A_315, %dma_wait3A_316] : memref<2x128x128xf32, #tpu.memory_space<vmem>> -> memref<1x128x128xf32, #tpu.memory_space<vmem>>
        %dma_wait3A_318 = tpu.memref_squeeze %dma_wait3A_317 : memref<1x128x128xf32, #tpu.memory_space<vmem>> -> memref<128x128xf32, #tpu.memory_space<vmem>>
        %dma_wait3A_319 = arith.constant 10112 : i32
        %dma_wait3A_320 = arith.constant 0 : i32
        %dma_wait3A_321 = tpu.memref_slice %arg7[%dma_wait3A_319, %dma_wait3A_320] : memref<10240x128xf32, #tpu.memory_space<vmem_shared>> -> memref<128x128xf32, #tpu.memory_space<vmem_shared>>
        %dma_wait3A_322 = arith.constant 10112 : i32
        %dma_wait3A_323 = arith.constant 0 : i32
        %dma_wait3A_324 = tpu.memref_slice %arg7[%dma_wait3A_322, %dma_wait3A_323] : memref<10240x128xf32, #tpu.memory_space<vmem_shared>> -> memref<128x128xf32, #tpu.memory_space<vmem_shared>>
        %dma_wait3A_325 = arith.constant 0 : i32
        %dma_wait3A_326 = arith.constant 0 : i32
        %dma_wait3A_327 = tpu.memref_slice %arg11[%run_scoped3A_299, %dma_wait3A_325, %dma_wait3A_326] : memref<2x128x128xf32, #tpu.memory_space<vmem>> -> memref<1x128x128xf32, #tpu.memory_space<vmem>>
        %dma_wait3A_328 = tpu.memref_squeeze %dma_wait3A_327 : memref<1x128x128xf32, #tpu.memory_space<vmem>> -> memref<128x128xf32, #tpu.memory_space<vmem>>
        tpu.wait_dma2 semaphore(%run_scoped3A_300 : memref<!tpu.dma_semaphore, #tpu.memory_space<semaphore_mem>>) src(%dma_wait3A_328 : memref<128x128xf32, #tpu.memory_space<vmem>>) dst(%dma_wait3A_324 : memref<128x128xf32, #tpu.memory_space<vmem_shared>>)
        tpu.yield
      }) : () -> ()
    } else {
    }
    %mul3A_242 = arith.constant 80 : i32
    %mul3A_243 = arith.muli %add3A, %mul3A_242 : i32
    %run_scoped3A_244 = arith.constant 0 : i32
    "tpu.region"() ({
      %run_scoped3A_298 = tpu.sem_alloc : memref<!tpu.dma_semaphore, #tpu.memory_space<semaphore_mem>>
      %dma_start3A_299 = arith.constant 0 : i32
      %dma_start3A_300 = arith.constant 0 : i32
      %dma_start3A_301 = tpu.memref_slice %arg9[%run_scoped3A_244, %dma_start3A_299, %dma_start3A_300] : memref<2x8x128xi32, #tpu.memory_space<vmem>> -> memref<1x8x128xi32, #tpu.memory_space<vmem>>
      %dma_start3A_302 = tpu.memref_squeeze %dma_start3A_301 : memref<1x8x128xi32, #tpu.memory_space<vmem>> -> memref<8x128xi32, #tpu.memory_space<vmem>>
      %dma_start3A_303 = arith.constant 0 : i32
      %dma_start3A_304 = tpu.memref_slice %arg3[%mul3A_243, %dma_start3A_303] : memref<2560x128xi32, #tpu.memory_space<hbm>> -> memref<8x128xi32, #tpu.memory_space<hbm>>
      %dma_start3A_305 = arith.constant 0 : i32
      %dma_start3A_306 = arith.constant 0 : i32
      %dma_start3A_307 = tpu.memref_slice %arg9[%run_scoped3A_244, %dma_start3A_305, %dma_start3A_306] : memref<2x8x128xi32, #tpu.memory_space<vmem>> -> memref<1x8x128xi32, #tpu.memory_space<vmem>>
      %dma_start3A_308 = tpu.memref_squeeze %dma_start3A_307 : memref<1x8x128xi32, #tpu.memory_space<vmem>> -> memref<8x128xi32, #tpu.memory_space<vmem>>
      %dma_start3A_309 = arith.constant 0 : i32
      %dma_start3A_310 = tpu.memref_slice %arg3[%mul3A_243, %dma_start3A_309] : memref<2560x128xi32, #tpu.memory_space<hbm>> -> memref<8x128xi32, #tpu.memory_space<hbm>>
      tpu.enqueue_dma source(%dma_start3A_310 : memref<8x128xi32, #tpu.memory_space<hbm>>) target(%dma_start3A_308 : memref<8x128xi32, #tpu.memory_space<vmem>>) target_semaphore(%run_scoped3A_298 : memref<!tpu.dma_semaphore, #tpu.memory_space<semaphore_mem>>)
      %dma_wait3A_311 = arith.constant 0 : i32
      %dma_wait3A_312 = arith.constant 0 : i32
      %dma_wait3A_313 = tpu.memref_slice %arg9[%run_scoped3A_244, %dma_wait3A_311, %dma_wait3A_312] : memref<2x8x128xi32, #tpu.memory_space<vmem>> -> memref<1x8x128xi32, #tpu.memory_space<vmem>>
      %dma_wait3A_314 = tpu.memref_squeeze %dma_wait3A_313 : memref<1x8x128xi32, #tpu.memory_space<vmem>> -> memref<8x128xi32, #tpu.memory_space<vmem>>
      %dma_wait3A_315 = arith.constant 0 : i32
      %dma_wait3A_316 = tpu.memref_slice %arg3[%mul3A_243, %dma_wait3A_315] : memref<2560x128xi32, #tpu.memory_space<hbm>> -> memref<8x128xi32, #tpu.memory_space<hbm>>
      %dma_wait3A_317 = arith.constant 0 : i32
      %dma_wait3A_318 = arith.constant 0 : i32
      %dma_wait3A_319 = tpu.memref_slice %arg9[%run_scoped3A_244, %dma_wait3A_317, %dma_wait3A_318] : memref<2x8x128xi32, #tpu.memory_space<vmem>> -> memref<1x8x128xi32, #tpu.memory_space<vmem>>
      %dma_wait3A_320 = tpu.memref_squeeze %dma_wait3A_319 : memref<1x8x128xi32, #tpu.memory_space<vmem>> -> memref<8x128xi32, #tpu.memory_space<vmem>>
      %dma_wait3A_321 = arith.constant 0 : i32
      %dma_wait3A_322 = tpu.memref_slice %arg3[%mul3A_243, %dma_wait3A_321] : memref<2560x128xi32, #tpu.memory_space<hbm>> -> memref<8x128xi32, #tpu.memory_space<hbm>>
      tpu.wait_dma2 semaphore(%run_scoped3A_298 : memref<!tpu.dma_semaphore, #tpu.memory_space<semaphore_mem>>) src(%dma_wait3A_322 : memref<8x128xi32, #tpu.memory_space<hbm>>) dst(%dma_wait3A_320 : memref<8x128xi32, #tpu.memory_space<vmem>>)
      tpu.yield
    }) : () -> ()
    %run_scoped3A_245 = arith.constant 0 : i32
    "tpu.region"() ({
      %run_scoped3A_298 = tpu.sem_alloc : memref<!tpu.dma_semaphore, #tpu.memory_space<semaphore_mem>>
      %dma_start3A_299 = arith.constant 0 : i32
      %dma_start3A_300 = arith.constant 0 : i32
      %dma_start3A_301 = tpu.memref_slice %arg10[%run_scoped3A_245, %dma_start3A_299, %dma_start3A_300] : memref<2x8x128xi32, #tpu.memory_space<vmem>> -> memref<1x8x128xi32, #tpu.memory_space<vmem>>
      %dma_start3A_302 = tpu.memref_squeeze %dma_start3A_301 : memref<1x8x128xi32, #tpu.memory_space<vmem>> -> memref<8x128xi32, #tpu.memory_space<vmem>>
      %dma_start3A_303 = arith.constant 0 : i32
      %dma_start3A_304 = tpu.memref_slice %arg4[%mul3A_243, %dma_start3A_303] : memref<2560x128xi32, #tpu.memory_space<hbm>> -> memref<8x128xi32, #tpu.memory_space<hbm>>
      %dma_start3A_305 = arith.constant 0 : i32
      %dma_start3A_306 = arith.constant 0 : i32
      %dma_start3A_307 = tpu.memref_slice %arg10[%run_scoped3A_245, %dma_start3A_305, %dma_start3A_306] : memref<2x8x128xi32, #tpu.memory_space<vmem>> -> memref<1x8x128xi32, #tpu.memory_space<vmem>>
      %dma_start3A_308 = tpu.memref_squeeze %dma_start3A_307 : memref<1x8x128xi32, #tpu.memory_space<vmem>> -> memref<8x128xi32, #tpu.memory_space<vmem>>
      %dma_start3A_309 = arith.constant 0 : i32
      %dma_start3A_310 = tpu.memref_slice %arg4[%mul3A_243, %dma_start3A_309] : memref<2560x128xi32, #tpu.memory_space<hbm>> -> memref<8x128xi32, #tpu.memory_space<hbm>>
      tpu.enqueue_dma source(%dma_start3A_310 : memref<8x128xi32, #tpu.memory_space<hbm>>) target(%dma_start3A_308 : memref<8x128xi32, #tpu.memory_space<vmem>>) target_semaphore(%run_scoped3A_298 : memref<!tpu.dma_semaphore, #tpu.memory_space<semaphore_mem>>)
      %dma_wait3A_311 = arith.constant 0 : i32
      %dma_wait3A_312 = arith.constant 0 : i32
      %dma_wait3A_313 = tpu.memref_slice %arg10[%run_scoped3A_245, %dma_wait3A_311, %dma_wait3A_312] : memref<2x8x128xi32, #tpu.memory_space<vmem>> -> memref<1x8x128xi32, #tpu.memory_space<vmem>>
      %dma_wait3A_314 = tpu.memref_squeeze %dma_wait3A_313 : memref<1x8x128xi32, #tpu.memory_space<vmem>> -> memref<8x128xi32, #tpu.memory_space<vmem>>
      %dma_wait3A_315 = arith.constant 0 : i32
      %dma_wait3A_316 = tpu.memref_slice %arg4[%mul3A_243, %dma_wait3A_315] : memref<2560x128xi32, #tpu.memory_space<hbm>> -> memref<8x128xi32, #tpu.memory_space<hbm>>
      %dma_wait3A_317 = arith.constant 0 : i32
      %dma_wait3A_318 = arith.constant 0 : i32
      %dma_wait3A_319 = tpu.memref_slice %arg10[%run_scoped3A_245, %dma_wait3A_317, %dma_wait3A_318] : memref<2x8x128xi32, #tpu.memory_space<vmem>> -> memref<1x8x128xi32, #tpu.memory_space<vmem>>
      %dma_wait3A_320 = tpu.memref_squeeze %dma_wait3A_319 : memref<1x8x128xi32, #tpu.memory_space<vmem>> -> memref<8x128xi32, #tpu.memory_space<vmem>>
      %dma_wait3A_321 = arith.constant 0 : i32
      %dma_wait3A_322 = tpu.memref_slice %arg4[%mul3A_243, %dma_wait3A_321] : memref<2560x128xi32, #tpu.memory_space<hbm>> -> memref<8x128xi32, #tpu.memory_space<hbm>>
      tpu.wait_dma2 semaphore(%run_scoped3A_298 : memref<!tpu.dma_semaphore, #tpu.memory_space<semaphore_mem>>) src(%dma_wait3A_322 : memref<8x128xi32, #tpu.memory_space<hbm>>) dst(%dma_wait3A_320 : memref<8x128xi32, #tpu.memory_space<vmem>>)
      tpu.yield
    }) : () -> ()
    %barrier3A = arith.constant 0 : index
    tpu.barrier barrier_id(%barrier3A)
    %dma_start3A = arith.constant 0 : i32
    %dma_start3A_246 = arith.constant 0 : i32
    %dma_start3A_247 = arith.constant 0 : i32
    %dma_start3A_248 = arith.constant 0 : i32
    %dma_start3A_249 = arith.constant 0 : i32
    %dma_start3A_250 = tpu.memref_slice %arg11[%dma_start3A_247, %dma_start3A_248, %dma_start3A_249] : memref<2x128x128xf32, #tpu.memory_space<vmem>> -> memref<1x128x128xf32, #tpu.memory_space<vmem>>
    %dma_start3A_251 = tpu.memref_squeeze %dma_start3A_250 : memref<1x128x128xf32, #tpu.memory_space<vmem>> -> memref<128x128xf32, #tpu.memory_space<vmem>>
    %dma_start3A_252 = arith.constant 0 : i32
    %dma_start3A_253 = arith.constant 0 : i32
    %dma_start3A_254 = tpu.memref_slice %arg9[%dma_start3A, %dma_start3A_252, %dma_start3A_253] : memref<2x8x128xi32, #tpu.memory_space<vmem>> -> memref<1x8x128xi32, #tpu.memory_space<vmem>>
    %dma_start3A_255 = tpu.memref_squeeze %dma_start3A_254 : memref<1x8x128xi32, #tpu.memory_space<vmem>> -> memref<8x128xi32, #tpu.memory_space<vmem>>
    %dma_start3A_256 = arith.constant 0 : i32
    %dma_start3A_257 = tpu.memref_slice %dma_start3A_255[%dma_start3A_246, %dma_start3A_256] : memref<8x128xi32, #tpu.memory_space<vmem>> -> memref<1x128xi32, #tpu.memory_space<vmem>>
    %dma_start3A_258 = tpu.memref_squeeze %dma_start3A_257 : memref<1x128xi32, #tpu.memory_space<vmem>> -> memref<128xi32, #tpu.memory_space<vmem>>
    %dma_start3A_259 = arith.constant 0 : i32
    %dma_start3A_260 = arith.constant 0 : i32
    %dma_start3A_261 = tpu.memref_slice %arg2[%dma_start3A_259, %dma_start3A_260] : memref<10000x128xf32, #tpu.memory_space<hbm>> -> memref<10000x128xf32, #tpu.memory_space<hbm>>
    tpu.enqueue_indirect_dma source(%dma_start3A_261 : memref<10000x128xf32, #tpu.memory_space<hbm>>) target(%dma_start3A_251 : memref<128x128xf32, #tpu.memory_space<vmem>>) offsets(%dma_start3A_258 : memref<128xi32, #tpu.memory_space<vmem>>) semaphore(%arg14 : memref<!tpu.dma_semaphore, #tpu.memory_space<semaphore_mem>>)
    %scan3A_262 = arith.constant 0 : i32
    %scan3A_263 = arith.constant 0 : i32
    %scan3A_264 = arith.constant 80 : i32
    %scan3A_265 = arith.addi %scan3A_263, %scan3A_264 : i32
    %scan3A_266 = arith.constant 1 : i32
    scf.for %scan3A_298 = %scan3A_263 to %scan3A_265 step %scan3A_266  : i32 {
      %jit3A = arith.constant 8 : i32
      %div3A = arith.divsi %scan3A_298, %jit3A : i32
      %sign3A = arith.constant 0 : i32
      %sign3A_299 = arith.cmpi sgt, %scan3A_298, %sign3A : i32
      %sign3A_300 = arith.extui %sign3A_299 : i1 to i32
      %sign3A_301 = arith.constant 0 : i32
      %sign3A_302 = arith.cmpi slt, %scan3A_298, %sign3A_301 : i32
      %sign3A_303 = arith.extui %sign3A_302 : i1 to i32
      %sign3A_304 = arith.subi %sign3A_300, %sign3A_303 : i32
      %sign3A_305 = arith.constant 0 : i32
      %sign3A_306 = arith.cmpi sgt, %jit3A, %sign3A_305 : i32
      %sign3A_307 = arith.extui %sign3A_306 : i1 to i32
      %sign3A_308 = arith.constant 0 : i32
      %sign3A_309 = arith.cmpi slt, %jit3A, %sign3A_308 : i32
      %sign3A_310 = arith.extui %sign3A_309 : i1 to i32
      %sign3A_311 = arith.subi %sign3A_307, %sign3A_310 : i32
      %ne3A = arith.cmpi ne, %sign3A_304, %sign3A_311 : i32
      %rem3A = arith.remsi %scan3A_298, %jit3A : i32
      %ne3A_312 = arith.constant 0 : i32
      %ne3A_313 = arith.cmpi ne, %rem3A, %ne3A_312 : i32
      %and3A = arith.andi %ne3A, %ne3A_313 : i1
      %sub3A = arith.constant 1 : i32
      %sub3A_314 = arith.subi %div3A, %sub3A : i32
      %select_n3A = arith.select %and3A, %sub3A_314, %div3A : i32
      %mul3A_315 = arith.constant 8 : i32
      %mul3A_316 = arith.muli %select_n3A, %mul3A_315 : i32
      %sub3A_317 = arith.subi %scan3A_298, %mul3A_316 : i32
      %eq3A_318 = arith.constant 0 : i32
      %eq3A_319 = arith.cmpi eq, %sub3A_317, %eq3A_318 : i32
      %add3A_320 = arith.constant 1 : i32
      %add3A_321 = arith.addi %select_n3A, %add3A_320 : i32
      %mul3A_322 = arith.constant 8 : i32
      %mul3A_323 = arith.muli %add3A_321, %mul3A_322 : i32
      %lt3A = arith.constant 80 : i32
      %lt3A_324 = arith.cmpi slt, %mul3A_323, %lt3A : i32
      %and3A_325 = arith.andi %eq3A_319, %lt3A_324 : i1
      %convert_element_type3A_326 = arith.extui %and3A_325 : i1 to i32
      %cond3A_327 = arith.constant 0 : i32
      %cond3A_328 = arith.cmpi ne, %convert_element_type3A_326, %cond3A_327 : i32
      scf.if %cond3A_328 {
        %add3A_460 = arith.constant 1 : i32
        %add3A_461 = arith.addi %select_n3A, %add3A_460 : i32
        %mul3A_462 = arith.constant 8 : i32
        %mul3A_463 = arith.muli %add3A_461, %mul3A_462 : i32
        %add3A_464 = arith.addi %mul3A_243, %mul3A_463 : i32
        %add3A_465 = arith.constant 1 : i32
        %add3A_466 = arith.addi %select_n3A, %add3A_465 : i32
        %jit3A_467 = arith.constant 2 : i32
        %eq3A_468 = arith.constant 0 : i32
        %eq3A_469 = arith.cmpi eq, %jit3A_467, %eq3A_468 : i32
        %jit3A_470 = arith.constant 1 : i32
        %select_n3A_471 = arith.select %eq3A_469, %jit3A_470, %jit3A_467 : i32
        %rem3A_472 = arith.remsi %add3A_466, %select_n3A_471 : i32
        %ne3A_473 = arith.constant 0 : i32
        %ne3A_474 = arith.cmpi ne, %rem3A_472, %ne3A_473 : i32
        %lt3A_475 = arith.constant 0 : i32
        %lt3A_476 = arith.cmpi slt, %rem3A_472, %lt3A_475 : i32
        %lt3A_477 = arith.constant 0 : i32
        %lt3A_478 = arith.cmpi slt, %select_n3A_471, %lt3A_477 : i32
        %ne3A_479 = arith.xori %lt3A_476, %lt3A_478 : i1
        %and3A_480 = arith.andi %ne3A_479, %ne3A_474 : i1
        %add3A_481 = arith.addi %rem3A_472, %select_n3A_471 : i32
        %select_n3A_482 = arith.select %and3A_480, %add3A_481, %rem3A_472 : i32
        %dma_start3A_483 = arith.constant 0 : i32
        %dma_start3A_484 = arith.constant 0 : i32
        %dma_start3A_485 = tpu.memref_slice %arg9[%select_n3A_482, %dma_start3A_483, %dma_start3A_484] : memref<2x8x128xi32, #tpu.memory_space<vmem>> -> memref<1x8x128xi32, #tpu.memory_space<vmem>>
        %dma_start3A_486 = tpu.memref_squeeze %dma_start3A_485 : memref<1x8x128xi32, #tpu.memory_space<vmem>> -> memref<8x128xi32, #tpu.memory_space<vmem>>
        %dma_start3A_487 = arith.constant 0 : i32
        %dma_start3A_488 = tpu.memref_slice %arg3[%add3A_464, %dma_start3A_487] : memref<2560x128xi32, #tpu.memory_space<hbm>> -> memref<8x128xi32, #tpu.memory_space<hbm>>
        %dma_start3A_489 = arith.constant 0 : i32
        %dma_start3A_490 = arith.constant 0 : i32
        %dma_start3A_491 = tpu.memref_slice %arg9[%select_n3A_482, %dma_start3A_489, %dma_start3A_490] : memref<2x8x128xi32, #tpu.memory_space<vmem>> -> memref<1x8x128xi32, #tpu.memory_space<vmem>>
        %dma_start3A_492 = tpu.memref_squeeze %dma_start3A_491 : memref<1x8x128xi32, #tpu.memory_space<vmem>> -> memref<8x128xi32, #tpu.memory_space<vmem>>
        %dma_start3A_493 = arith.constant 0 : i32
        %dma_start3A_494 = tpu.memref_slice %arg3[%add3A_464, %dma_start3A_493] : memref<2560x128xi32, #tpu.memory_space<hbm>> -> memref<8x128xi32, #tpu.memory_space<hbm>>
        tpu.enqueue_dma source(%dma_start3A_494 : memref<8x128xi32, #tpu.memory_space<hbm>>) target(%dma_start3A_492 : memref<8x128xi32, #tpu.memory_space<vmem>>) target_semaphore(%arg15 : memref<!tpu.dma_semaphore, #tpu.memory_space<semaphore_mem>>)
        %add3A_495 = arith.constant 1 : i32
        %add3A_496 = arith.addi %select_n3A, %add3A_495 : i32
        %mul3A_497 = arith.constant 8 : i32
        %mul3A_498 = arith.muli %add3A_496, %mul3A_497 : i32
        %add3A_499 = arith.addi %mul3A_243, %mul3A_498 : i32
        %add3A_500 = arith.constant 1 : i32
        %add3A_501 = arith.addi %select_n3A, %add3A_500 : i32
        %jit3A_502 = arith.constant 2 : i32
        %eq3A_503 = arith.constant 0 : i32
        %eq3A_504 = arith.cmpi eq, %jit3A_502, %eq3A_503 : i32
        %jit3A_505 = arith.constant 1 : i32
        %select_n3A_506 = arith.select %eq3A_504, %jit3A_505, %jit3A_502 : i32
        %rem3A_507 = arith.remsi %add3A_501, %select_n3A_506 : i32
        %ne3A_508 = arith.constant 0 : i32
        %ne3A_509 = arith.cmpi ne, %rem3A_507, %ne3A_508 : i32
        %lt3A_510 = arith.constant 0 : i32
        %lt3A_511 = arith.cmpi slt, %rem3A_507, %lt3A_510 : i32
        %lt3A_512 = arith.constant 0 : i32
        %lt3A_513 = arith.cmpi slt, %select_n3A_506, %lt3A_512 : i32
        %ne3A_514 = arith.xori %lt3A_511, %lt3A_513 : i1
        %and3A_515 = arith.andi %ne3A_514, %ne3A_509 : i1
        %add3A_516 = arith.addi %rem3A_507, %select_n3A_506 : i32
        %select_n3A_517 = arith.select %and3A_515, %add3A_516, %rem3A_507 : i32
        %dma_start3A_518 = arith.constant 0 : i32
        %dma_start3A_519 = arith.constant 0 : i32
        %dma_start3A_520 = tpu.memref_slice %arg10[%select_n3A_517, %dma_start3A_518, %dma_start3A_519] : memref<2x8x128xi32, #tpu.memory_space<vmem>> -> memref<1x8x128xi32, #tpu.memory_space<vmem>>
        %dma_start3A_521 = tpu.memref_squeeze %dma_start3A_520 : memref<1x8x128xi32, #tpu.memory_space<vmem>> -> memref<8x128xi32, #tpu.memory_space<vmem>>
        %dma_start3A_522 = arith.constant 0 : i32
        %dma_start3A_523 = tpu.memref_slice %arg4[%add3A_499, %dma_start3A_522] : memref<2560x128xi32, #tpu.memory_space<hbm>> -> memref<8x128xi32, #tpu.memory_space<hbm>>
        %dma_start3A_524 = arith.constant 0 : i32
        %dma_start3A_525 = arith.constant 0 : i32
        %dma_start3A_526 = tpu.memref_slice %arg10[%select_n3A_517, %dma_start3A_524, %dma_start3A_525] : memref<2x8x128xi32, #tpu.memory_space<vmem>> -> memref<1x8x128xi32, #tpu.memory_space<vmem>>
        %dma_start3A_527 = tpu.memref_squeeze %dma_start3A_526 : memref<1x8x128xi32, #tpu.memory_space<vmem>> -> memref<8x128xi32, #tpu.memory_space<vmem>>
        %dma_start3A_528 = arith.constant 0 : i32
        %dma_start3A_529 = tpu.memref_slice %arg4[%add3A_499, %dma_start3A_528] : memref<2560x128xi32, #tpu.memory_space<hbm>> -> memref<8x128xi32, #tpu.memory_space<hbm>>
        tpu.enqueue_dma source(%dma_start3A_529 : memref<8x128xi32, #tpu.memory_space<hbm>>) target(%dma_start3A_527 : memref<8x128xi32, #tpu.memory_space<vmem>>) target_semaphore(%arg15 : memref<!tpu.dma_semaphore, #tpu.memory_space<semaphore_mem>>)
      } else {
      }
      %eq3A_329 = arith.constant 7 : i32
      %eq3A_330 = arith.cmpi eq, %sub3A_317, %eq3A_329 : i32
      %add3A_331 = arith.constant 1 : i32
      %add3A_332 = arith.addi %select_n3A, %add3A_331 : i32
      %mul3A_333 = arith.constant 8 : i32
      %mul3A_334 = arith.muli %add3A_332, %mul3A_333 : i32
      %lt3A_335 = arith.constant 80 : i32
      %lt3A_336 = arith.cmpi slt, %mul3A_334, %lt3A_335 : i32
      %and3A_337 = arith.andi %eq3A_330, %lt3A_336 : i1
      %convert_element_type3A_338 = arith.extui %and3A_337 : i1 to i32
      %cond3A_339 = arith.constant 0 : i32
      %cond3A_340 = arith.cmpi ne, %convert_element_type3A_338, %cond3A_339 : i32
      scf.if %cond3A_340 {
        %add3A_460 = arith.constant 1 : i32
        %add3A_461 = arith.addi %select_n3A, %add3A_460 : i32
        %jit3A_462 = arith.constant 2 : i32
        %eq3A_463 = arith.constant 0 : i32
        %eq3A_464 = arith.cmpi eq, %jit3A_462, %eq3A_463 : i32
        %jit3A_465 = arith.constant 1 : i32
        %select_n3A_466 = arith.select %eq3A_464, %jit3A_465, %jit3A_462 : i32
        %rem3A_467 = arith.remsi %add3A_461, %select_n3A_466 : i32
        %ne3A_468 = arith.constant 0 : i32
        %ne3A_469 = arith.cmpi ne, %rem3A_467, %ne3A_468 : i32
        %lt3A_470 = arith.constant 0 : i32
        %lt3A_471 = arith.cmpi slt, %rem3A_467, %lt3A_470 : i32
        %lt3A_472 = arith.constant 0 : i32
        %lt3A_473 = arith.cmpi slt, %select_n3A_466, %lt3A_472 : i32
        %ne3A_474 = arith.xori %lt3A_471, %lt3A_473 : i1
        %and3A_475 = arith.andi %ne3A_474, %ne3A_469 : i1
        %add3A_476 = arith.addi %rem3A_467, %select_n3A_466 : i32
        %select_n3A_477 = arith.select %and3A_475, %add3A_476, %rem3A_467 : i32
        %dma_wait3A_478 = arith.constant 0 : i32
        %dma_wait3A_479 = arith.constant 0 : i32
        %dma_wait3A_480 = tpu.memref_slice %arg9[%select_n3A_477, %dma_wait3A_478, %dma_wait3A_479] : memref<2x8x128xi32, #tpu.memory_space<vmem>> -> memref<1x8x128xi32, #tpu.memory_space<vmem>>
        %dma_wait3A_481 = tpu.memref_squeeze %dma_wait3A_480 : memref<1x8x128xi32, #tpu.memory_space<vmem>> -> memref<8x128xi32, #tpu.memory_space<vmem>>
        %dma_wait3A_482 = arith.constant 0 : i32
        %dma_wait3A_483 = tpu.memref_slice %arg3[%mul3A_243, %dma_wait3A_482] : memref<2560x128xi32, #tpu.memory_space<hbm>> -> memref<8x128xi32, #tpu.memory_space<hbm>>
        %dma_wait3A_484 = arith.constant 0 : i32
        %dma_wait3A_485 = arith.constant 0 : i32
        %dma_wait3A_486 = tpu.memref_slice %arg9[%select_n3A_477, %dma_wait3A_484, %dma_wait3A_485] : memref<2x8x128xi32, #tpu.memory_space<vmem>> -> memref<1x8x128xi32, #tpu.memory_space<vmem>>
        %dma_wait3A_487 = tpu.memref_squeeze %dma_wait3A_486 : memref<1x8x128xi32, #tpu.memory_space<vmem>> -> memref<8x128xi32, #tpu.memory_space<vmem>>
        %dma_wait3A_488 = arith.constant 0 : i32
        %dma_wait3A_489 = tpu.memref_slice %arg3[%mul3A_243, %dma_wait3A_488] : memref<2560x128xi32, #tpu.memory_space<hbm>> -> memref<8x128xi32, #tpu.memory_space<hbm>>
        tpu.wait_dma2 semaphore(%arg15 : memref<!tpu.dma_semaphore, #tpu.memory_space<semaphore_mem>>) src(%dma_wait3A_489 : memref<8x128xi32, #tpu.memory_space<hbm>>) dst(%dma_wait3A_487 : memref<8x128xi32, #tpu.memory_space<vmem>>)
        %add3A_490 = arith.constant 1 : i32
        %add3A_491 = arith.addi %select_n3A, %add3A_490 : i32
        %jit3A_492 = arith.constant 2 : i32
        %eq3A_493 = arith.constant 0 : i32
        %eq3A_494 = arith.cmpi eq, %jit3A_492, %eq3A_493 : i32
        %jit3A_495 = arith.constant 1 : i32
        %select_n3A_496 = arith.select %eq3A_494, %jit3A_495, %jit3A_492 : i32
        %rem3A_497 = arith.remsi %add3A_491, %select_n3A_496 : i32
        %ne3A_498 = arith.constant 0 : i32
        %ne3A_499 = arith.cmpi ne, %rem3A_497, %ne3A_498 : i32
        %lt3A_500 = arith.constant 0 : i32
        %lt3A_501 = arith.cmpi slt, %rem3A_497, %lt3A_500 : i32
        %lt3A_502 = arith.constant 0 : i32
        %lt3A_503 = arith.cmpi slt, %select_n3A_496, %lt3A_502 : i32
        %ne3A_504 = arith.xori %lt3A_501, %lt3A_503 : i1
        %and3A_505 = arith.andi %ne3A_504, %ne3A_499 : i1
        %add3A_506 = arith.addi %rem3A_497, %select_n3A_496 : i32
        %select_n3A_507 = arith.select %and3A_505, %add3A_506, %rem3A_497 : i32
        %dma_wait3A_508 = arith.constant 0 : i32
        %dma_wait3A_509 = arith.constant 0 : i32
        %dma_wait3A_510 = tpu.memref_slice %arg10[%select_n3A_507, %dma_wait3A_508, %dma_wait3A_509] : memref<2x8x128xi32, #tpu.memory_space<vmem>> -> memref<1x8x128xi32, #tpu.memory_space<vmem>>
        %dma_wait3A_511 = tpu.memref_squeeze %dma_wait3A_510 : memref<1x8x128xi32, #tpu.memory_space<vmem>> -> memref<8x128xi32, #tpu.memory_space<vmem>>
        %dma_wait3A_512 = arith.constant 0 : i32
        %dma_wait3A_513 = tpu.memref_slice %arg4[%mul3A_243, %dma_wait3A_512] : memref<2560x128xi32, #tpu.memory_space<hbm>> -> memref<8x128xi32, #tpu.memory_space<hbm>>
        %dma_wait3A_514 = arith.constant 0 : i32
        %dma_wait3A_515 = arith.constant 0 : i32
        %dma_wait3A_516 = tpu.memref_slice %arg10[%select_n3A_507, %dma_wait3A_514, %dma_wait3A_515] : memref<2x8x128xi32, #tpu.memory_space<vmem>> -> memref<1x8x128xi32, #tpu.memory_space<vmem>>
        %dma_wait3A_517 = tpu.memref_squeeze %dma_wait3A_516 : memref<1x8x128xi32, #tpu.memory_space<vmem>> -> memref<8x128xi32, #tpu.memory_space<vmem>>
        %dma_wait3A_518 = arith.constant 0 : i32
        %dma_wait3A_519 = tpu.memref_slice %arg4[%mul3A_243, %dma_wait3A_518] : memref<2560x128xi32, #tpu.memory_space<hbm>> -> memref<8x128xi32, #tpu.memory_space<hbm>>
        tpu.wait_dma2 semaphore(%arg15 : memref<!tpu.dma_semaphore, #tpu.memory_space<semaphore_mem>>) src(%dma_wait3A_519 : memref<8x128xi32, #tpu.memory_space<hbm>>) dst(%dma_wait3A_517 : memref<8x128xi32, #tpu.memory_space<vmem>>)
      } else {
      }
      %ge3A = arith.constant 1 : i32
      %ge3A_341 = arith.cmpi sge, %scan3A_298, %ge3A : i32
      %convert_element_type3A_342 = arith.extui %ge3A_341 : i1 to i32
      %cond3A_343 = arith.constant 0 : i32
      %cond3A_344 = arith.cmpi ne, %convert_element_type3A_342, %cond3A_343 : i32
      scf.if %cond3A_344 {
        %add3A_460 = arith.constant 1 : i32
        %add3A_461 = arith.addi %scan3A_298, %add3A_460 : i32
        %jit3A_462 = arith.constant 2 : i32
        %eq3A_463 = arith.constant 0 : i32
        %eq3A_464 = arith.cmpi eq, %jit3A_462, %eq3A_463 : i32
        %jit3A_465 = arith.constant 1 : i32
        %select_n3A_466 = arith.select %eq3A_464, %jit3A_465, %jit3A_462 : i32
        %rem3A_467 = arith.remsi %add3A_461, %select_n3A_466 : i32
        %ne3A_468 = arith.constant 0 : i32
        %ne3A_469 = arith.cmpi ne, %rem3A_467, %ne3A_468 : i32
        %lt3A_470 = arith.constant 0 : i32
        %lt3A_471 = arith.cmpi slt, %rem3A_467, %lt3A_470 : i32
        %lt3A_472 = arith.constant 0 : i32
        %lt3A_473 = arith.cmpi slt, %select_n3A_466, %lt3A_472 : i32
        %ne3A_474 = arith.xori %lt3A_471, %lt3A_473 : i1
        %and3A_475 = arith.andi %ne3A_474, %ne3A_469 : i1
        %add3A_476 = arith.addi %rem3A_467, %select_n3A_466 : i32
        %select_n3A_477 = arith.select %and3A_475, %add3A_476, %rem3A_467 : i32
        %jit3A_478 = arith.constant 2 : i32
        %eq3A_479 = arith.constant 0 : i32
        %eq3A_480 = arith.cmpi eq, %jit3A_478, %eq3A_479 : i32
        %jit3A_481 = arith.constant 1 : i32
        %select_n3A_482 = arith.select %eq3A_480, %jit3A_481, %jit3A_478 : i32
        %rem3A_483 = arith.remsi %select_n3A, %select_n3A_482 : i32
        %ne3A_484 = arith.constant 0 : i32
        %ne3A_485 = arith.cmpi ne, %rem3A_483, %ne3A_484 : i32
        %lt3A_486 = arith.constant 0 : i32
        %lt3A_487 = arith.cmpi slt, %rem3A_483, %lt3A_486 : i32
        %lt3A_488 = arith.constant 0 : i32
        %lt3A_489 = arith.cmpi slt, %select_n3A_482, %lt3A_488 : i32
        %ne3A_490 = arith.xori %lt3A_487, %lt3A_489 : i1
        %and3A_491 = arith.andi %ne3A_490, %ne3A_485 : i1
        %add3A_492 = arith.addi %rem3A_483, %select_n3A_482 : i32
        %select_n3A_493 = arith.select %and3A_491, %add3A_492, %rem3A_483 : i32
        %dma_wait3A_494 = arith.constant 0 : i32
        %dma_wait3A_495 = arith.constant 0 : i32
        %dma_wait3A_496 = tpu.memref_slice %arg11[%select_n3A_477, %dma_wait3A_494, %dma_wait3A_495] : memref<2x128x128xf32, #tpu.memory_space<vmem>> -> memref<1x128x128xf32, #tpu.memory_space<vmem>>
        %dma_wait3A_497 = tpu.memref_squeeze %dma_wait3A_496 : memref<1x128x128xf32, #tpu.memory_space<vmem>> -> memref<128x128xf32, #tpu.memory_space<vmem>>
        %dma_wait3A_498 = arith.constant 0 : i32
        %dma_wait3A_499 = arith.constant 0 : i32
        %dma_wait3A_500 = tpu.memref_slice %arg10[%select_n3A_493, %dma_wait3A_498, %dma_wait3A_499] : memref<2x8x128xi32, #tpu.memory_space<vmem>> -> memref<1x8x128xi32, #tpu.memory_space<vmem>>
        %dma_wait3A_501 = tpu.memref_squeeze %dma_wait3A_500 : memref<1x8x128xi32, #tpu.memory_space<vmem>> -> memref<8x128xi32, #tpu.memory_space<vmem>>
        %dma_wait3A_502 = arith.constant 0 : i32
        %dma_wait3A_503 = tpu.memref_slice %dma_wait3A_501[%sub3A_317, %dma_wait3A_502] : memref<8x128xi32, #tpu.memory_space<vmem>> -> memref<1x128xi32, #tpu.memory_space<vmem>>
        %dma_wait3A_504 = tpu.memref_squeeze %dma_wait3A_503 : memref<1x128xi32, #tpu.memory_space<vmem>> -> memref<128xi32, #tpu.memory_space<vmem>>
        %dma_wait3A_505 = arith.constant 0 : i32
        %dma_wait3A_506 = arith.constant 0 : i32
        %dma_wait3A_507 = tpu.memref_slice %arg7[%dma_wait3A_505, %dma_wait3A_506] : memref<10240x128xf32, #tpu.memory_space<vmem_shared>> -> memref<10240x128xf32, #tpu.memory_space<vmem_shared>>
        tpu.wait_indirect_dma semaphore(%arg16 : memref<!tpu.dma_semaphore, #tpu.memory_space<semaphore_mem>>) src(%dma_wait3A_497 : memref<128x128xf32, #tpu.memory_space<vmem>>) dst(%dma_wait3A_507 : memref<10240x128xf32, #tpu.memory_space<vmem_shared>>)
      } else {
      }
      %add3A_345 = arith.constant 1 : i32
      %add3A_346 = arith.addi %scan3A_298, %add3A_345 : i32
      %lt3A_347 = arith.constant 80 : i32
      %lt3A_348 = arith.cmpi slt, %add3A_346, %lt3A_347 : i32
      %convert_element_type3A_349 = arith.extui %lt3A_348 : i1 to i32
      %cond3A_350 = arith.constant 0 : i32
      %cond3A_351 = arith.cmpi ne, %convert_element_type3A_349, %cond3A_350 : i32
      scf.if %cond3A_351 {
        %jit3A_460 = arith.constant 8 : i32
        %div3A_461 = arith.divsi %add3A_346, %jit3A_460 : i32
        %sign3A_462 = arith.constant 0 : i32
        %sign3A_463 = arith.cmpi sgt, %add3A_346, %sign3A_462 : i32
        %sign3A_464 = arith.extui %sign3A_463 : i1 to i32
        %sign3A_465 = arith.constant 0 : i32
        %sign3A_466 = arith.cmpi slt, %add3A_346, %sign3A_465 : i32
        %sign3A_467 = arith.extui %sign3A_466 : i1 to i32
        %sign3A_468 = arith.subi %sign3A_464, %sign3A_467 : i32
        %sign3A_469 = arith.constant 0 : i32
        %sign3A_470 = arith.cmpi sgt, %jit3A_460, %sign3A_469 : i32
        %sign3A_471 = arith.extui %sign3A_470 : i1 to i32
        %sign3A_472 = arith.constant 0 : i32
        %sign3A_473 = arith.cmpi slt, %jit3A_460, %sign3A_472 : i32
        %sign3A_474 = arith.extui %sign3A_473 : i1 to i32
        %sign3A_475 = arith.subi %sign3A_471, %sign3A_474 : i32
        %ne3A_476 = arith.cmpi ne, %sign3A_468, %sign3A_475 : i32
        %rem3A_477 = arith.remsi %add3A_346, %jit3A_460 : i32
        %ne3A_478 = arith.constant 0 : i32
        %ne3A_479 = arith.cmpi ne, %rem3A_477, %ne3A_478 : i32
        %and3A_480 = arith.andi %ne3A_476, %ne3A_479 : i1
        %sub3A_481 = arith.constant 1 : i32
        %sub3A_482 = arith.subi %div3A_461, %sub3A_481 : i32
        %select_n3A_483 = arith.select %and3A_480, %sub3A_482, %div3A_461 : i32
        %mul3A_484 = arith.constant 8 : i32
        %mul3A_485 = arith.muli %select_n3A_483, %mul3A_484 : i32
        %sub3A_486 = arith.subi %add3A_346, %mul3A_485 : i32
        %jit3A_487 = arith.constant 2 : i32
        %eq3A_488 = arith.constant 0 : i32
        %eq3A_489 = arith.cmpi eq, %jit3A_487, %eq3A_488 : i32
        %jit3A_490 = arith.constant 1 : i32
        %select_n3A_491 = arith.select %eq3A_489, %jit3A_490, %jit3A_487 : i32
        %rem3A_492 = arith.remsi %select_n3A_483, %select_n3A_491 : i32
        %ne3A_493 = arith.constant 0 : i32
        %ne3A_494 = arith.cmpi ne, %rem3A_492, %ne3A_493 : i32
        %lt3A_495 = arith.constant 0 : i32
        %lt3A_496 = arith.cmpi slt, %rem3A_492, %lt3A_495 : i32
        %lt3A_497 = arith.constant 0 : i32
        %lt3A_498 = arith.cmpi slt, %select_n3A_491, %lt3A_497 : i32
        %ne3A_499 = arith.xori %lt3A_496, %lt3A_498 : i1
        %and3A_500 = arith.andi %ne3A_499, %ne3A_494 : i1
        %add3A_501 = arith.addi %rem3A_492, %select_n3A_491 : i32
        %select_n3A_502 = arith.select %and3A_500, %add3A_501, %rem3A_492 : i32
        %jit3A_503 = arith.constant 2 : i32
        %eq3A_504 = arith.constant 0 : i32
        %eq3A_505 = arith.cmpi eq, %jit3A_503, %eq3A_504 : i32
        %jit3A_506 = arith.constant 1 : i32
        %select_n3A_507 = arith.select %eq3A_505, %jit3A_506, %jit3A_503 : i32
        %rem3A_508 = arith.remsi %add3A_346, %select_n3A_507 : i32
        %ne3A_509 = arith.constant 0 : i32
        %ne3A_510 = arith.cmpi ne, %rem3A_508, %ne3A_509 : i32
        %lt3A_511 = arith.constant 0 : i32
        %lt3A_512 = arith.cmpi slt, %rem3A_508, %lt3A_511 : i32
        %lt3A_513 = arith.constant 0 : i32
        %lt3A_514 = arith.cmpi slt, %select_n3A_507, %lt3A_513 : i32
        %ne3A_515 = arith.xori %lt3A_512, %lt3A_514 : i1
        %and3A_516 = arith.andi %ne3A_515, %ne3A_510 : i1
        %add3A_517 = arith.addi %rem3A_508, %select_n3A_507 : i32
        %select_n3A_518 = arith.select %and3A_516, %add3A_517, %rem3A_508 : i32
        %dma_start3A_519 = arith.constant 0 : i32
        %dma_start3A_520 = arith.constant 0 : i32
        %dma_start3A_521 = tpu.memref_slice %arg11[%select_n3A_518, %dma_start3A_519, %dma_start3A_520] : memref<2x128x128xf32, #tpu.memory_space<vmem>> -> memref<1x128x128xf32, #tpu.memory_space<vmem>>
        %dma_start3A_522 = tpu.memref_squeeze %dma_start3A_521 : memref<1x128x128xf32, #tpu.memory_space<vmem>> -> memref<128x128xf32, #tpu.memory_space<vmem>>
        %dma_start3A_523 = arith.constant 0 : i32
        %dma_start3A_524 = arith.constant 0 : i32
        %dma_start3A_525 = tpu.memref_slice %arg9[%select_n3A_502, %dma_start3A_523, %dma_start3A_524] : memref<2x8x128xi32, #tpu.memory_space<vmem>> -> memref<1x8x128xi32, #tpu.memory_space<vmem>>
        %dma_start3A_526 = tpu.memref_squeeze %dma_start3A_525 : memref<1x8x128xi32, #tpu.memory_space<vmem>> -> memref<8x128xi32, #tpu.memory_space<vmem>>
        %dma_start3A_527 = arith.constant 0 : i32
        %dma_start3A_528 = tpu.memref_slice %dma_start3A_526[%sub3A_486, %dma_start3A_527] : memref<8x128xi32, #tpu.memory_space<vmem>> -> memref<1x128xi32, #tpu.memory_space<vmem>>
        %dma_start3A_529 = tpu.memref_squeeze %dma_start3A_528 : memref<1x128xi32, #tpu.memory_space<vmem>> -> memref<128xi32, #tpu.memory_space<vmem>>
        %dma_start3A_530 = arith.constant 0 : i32
        %dma_start3A_531 = arith.constant 0 : i32
        %dma_start3A_532 = tpu.memref_slice %arg2[%dma_start3A_530, %dma_start3A_531] : memref<10000x128xf32, #tpu.memory_space<hbm>> -> memref<10000x128xf32, #tpu.memory_space<hbm>>
        tpu.enqueue_indirect_dma source(%dma_start3A_532 : memref<10000x128xf32, #tpu.memory_space<hbm>>) target(%dma_start3A_522 : memref<128x128xf32, #tpu.memory_space<vmem>>) offsets(%dma_start3A_529 : memref<128xi32, #tpu.memory_space<vmem>>) semaphore(%arg14 : memref<!tpu.dma_semaphore, #tpu.memory_space<semaphore_mem>>)
      } else {
      }
      %jit3A_352 = arith.constant 2 : i32
      %eq3A_353 = arith.constant 0 : i32
      %eq3A_354 = arith.cmpi eq, %jit3A_352, %eq3A_353 : i32
      %jit3A_355 = arith.constant 1 : i32
      %select_n3A_356 = arith.select %eq3A_354, %jit3A_355, %jit3A_352 : i32
      %rem3A_357 = arith.remsi %select_n3A, %select_n3A_356 : i32
      %ne3A_358 = arith.constant 0 : i32
      %ne3A_359 = arith.cmpi ne, %rem3A_357, %ne3A_358 : i32
      %lt3A_360 = arith.constant 0 : i32
      %lt3A_361 = arith.cmpi slt, %rem3A_357, %lt3A_360 : i32
      %lt3A_362 = arith.constant 0 : i32
      %lt3A_363 = arith.cmpi slt, %select_n3A_356, %lt3A_362 : i32
      %ne3A_364 = arith.xori %lt3A_361, %lt3A_363 : i1
      %and3A_365 = arith.andi %ne3A_364, %ne3A_359 : i1
      %add3A_366 = arith.addi %rem3A_357, %select_n3A_356 : i32
      %select_n3A_367 = arith.select %and3A_365, %add3A_366, %rem3A_357 : i32
      %jit3A_368 = arith.constant 2 : i32
      %eq3A_369 = arith.constant 0 : i32
      %eq3A_370 = arith.cmpi eq, %jit3A_368, %eq3A_369 : i32
      %jit3A_371 = arith.constant 1 : i32
      %select_n3A_372 = arith.select %eq3A_370, %jit3A_371, %jit3A_368 : i32
      %rem3A_373 = arith.remsi %scan3A_298, %select_n3A_372 : i32
      %ne3A_374 = arith.constant 0 : i32
      %ne3A_375 = arith.cmpi ne, %rem3A_373, %ne3A_374 : i32
      %lt3A_376 = arith.constant 0 : i32
      %lt3A_377 = arith.cmpi slt, %rem3A_373, %lt3A_376 : i32
      %lt3A_378 = arith.constant 0 : i32
      %lt3A_379 = arith.cmpi slt, %select_n3A_372, %lt3A_378 : i32
      %ne3A_380 = arith.xori %lt3A_377, %lt3A_379 : i1
      %and3A_381 = arith.andi %ne3A_380, %ne3A_375 : i1
      %add3A_382 = arith.addi %rem3A_373, %select_n3A_372 : i32
      %select_n3A_383 = arith.select %and3A_381, %add3A_382, %rem3A_373 : i32
      %dma_wait3A_384 = arith.constant 0 : i32
      %dma_wait3A_385 = arith.constant 0 : i32
      %dma_wait3A_386 = tpu.memref_slice %arg11[%select_n3A_383, %dma_wait3A_384, %dma_wait3A_385] : memref<2x128x128xf32, #tpu.memory_space<vmem>> -> memref<1x128x128xf32, #tpu.memory_space<vmem>>
      %dma_wait3A_387 = tpu.memref_squeeze %dma_wait3A_386 : memref<1x128x128xf32, #tpu.memory_space<vmem>> -> memref<128x128xf32, #tpu.memory_space<vmem>>
      %dma_wait3A_388 = arith.constant 0 : i32
      %dma_wait3A_389 = arith.constant 0 : i32
      %dma_wait3A_390 = tpu.memref_slice %arg9[%select_n3A_367, %dma_wait3A_388, %dma_wait3A_389] : memref<2x8x128xi32, #tpu.memory_space<vmem>> -> memref<1x8x128xi32, #tpu.memory_space<vmem>>
      %dma_wait3A_391 = tpu.memref_squeeze %dma_wait3A_390 : memref<1x8x128xi32, #tpu.memory_space<vmem>> -> memref<8x128xi32, #tpu.memory_space<vmem>>
      %dma_wait3A_392 = arith.constant 0 : i32
      %dma_wait3A_393 = tpu.memref_slice %dma_wait3A_391[%sub3A_317, %dma_wait3A_392] : memref<8x128xi32, #tpu.memory_space<vmem>> -> memref<1x128xi32, #tpu.memory_space<vmem>>
      %dma_wait3A_394 = tpu.memref_squeeze %dma_wait3A_393 : memref<1x128xi32, #tpu.memory_space<vmem>> -> memref<128xi32, #tpu.memory_space<vmem>>
      %dma_wait3A_395 = arith.constant 0 : i32
      %dma_wait3A_396 = arith.constant 0 : i32
      %dma_wait3A_397 = tpu.memref_slice %arg2[%dma_wait3A_395, %dma_wait3A_396] : memref<10000x128xf32, #tpu.memory_space<hbm>> -> memref<10000x128xf32, #tpu.memory_space<hbm>>
      tpu.wait_indirect_dma semaphore(%arg14 : memref<!tpu.dma_semaphore, #tpu.memory_space<semaphore_mem>>) src(%dma_wait3A_397 : memref<10000x128xf32, #tpu.memory_space<hbm>>) dst(%dma_wait3A_387 : memref<128x128xf32, #tpu.memory_space<vmem>>)
      %jit3A_398 = arith.constant 2 : i32
      %eq3A_399 = arith.constant 0 : i32
      %eq3A_400 = arith.cmpi eq, %jit3A_398, %eq3A_399 : i32
      %jit3A_401 = arith.constant 1 : i32
      %select_n3A_402 = arith.select %eq3A_400, %jit3A_401, %jit3A_398 : i32
      %rem3A_403 = arith.remsi %scan3A_298, %select_n3A_402 : i32
      %ne3A_404 = arith.constant 0 : i32
      %ne3A_405 = arith.cmpi ne, %rem3A_403, %ne3A_404 : i32
      %lt3A_406 = arith.constant 0 : i32
      %lt3A_407 = arith.cmpi slt, %rem3A_403, %lt3A_406 : i32
      %lt3A_408 = arith.constant 0 : i32
      %lt3A_409 = arith.cmpi slt, %select_n3A_402, %lt3A_408 : i32
      %ne3A_410 = arith.xori %lt3A_407, %lt3A_409 : i1
      %and3A_411 = arith.andi %ne3A_410, %ne3A_405 : i1
      %add3A_412 = arith.addi %rem3A_403, %select_n3A_402 : i32
      %select_n3A_413 = arith.select %and3A_411, %add3A_412, %rem3A_403 : i32
      %jit3A_414 = arith.constant 2 : i32
      %eq3A_415 = arith.constant 0 : i32
      %eq3A_416 = arith.cmpi eq, %jit3A_414, %eq3A_415 : i32
      %jit3A_417 = arith.constant 1 : i32
      %select_n3A_418 = arith.select %eq3A_416, %jit3A_417, %jit3A_414 : i32
      %rem3A_419 = arith.remsi %select_n3A, %select_n3A_418 : i32
      %ne3A_420 = arith.constant 0 : i32
      %ne3A_421 = arith.cmpi ne, %rem3A_419, %ne3A_420 : i32
      %lt3A_422 = arith.constant 0 : i32
      %lt3A_423 = arith.cmpi slt, %rem3A_419, %lt3A_422 : i32
      %lt3A_424 = arith.constant 0 : i32
      %lt3A_425 = arith.cmpi slt, %select_n3A_418, %lt3A_424 : i32
      %ne3A_426 = arith.xori %lt3A_423, %lt3A_425 : i1
      %and3A_427 = arith.andi %ne3A_426, %ne3A_421 : i1
      %add3A_428 = arith.addi %rem3A_419, %select_n3A_418 : i32
      %select_n3A_429 = arith.select %and3A_427, %add3A_428, %rem3A_419 : i32
      %dma_start3A_430 = arith.constant 0 : i32
      %dma_start3A_431 = arith.constant 0 : i32
      %dma_start3A_432 = tpu.memref_slice %arg11[%select_n3A_413, %dma_start3A_430, %dma_start3A_431] : memref<2x128x128xf32, #tpu.memory_space<vmem>> -> memref<1x128x128xf32, #tpu.memory_space<vmem>>
      %dma_start3A_433 = tpu.memref_squeeze %dma_start3A_432 : memref<1x128x128xf32, #tpu.memory_space<vmem>> -> memref<128x128xf32, #tpu.memory_space<vmem>>
      %dma_start3A_434 = arith.constant 0 : i32
      %dma_start3A_435 = arith.constant 0 : i32
      %dma_start3A_436 = tpu.memref_slice %arg10[%select_n3A_429, %dma_start3A_434, %dma_start3A_435] : memref<2x8x128xi32, #tpu.memory_space<vmem>> -> memref<1x8x128xi32, #tpu.memory_space<vmem>>
      %dma_start3A_437 = tpu.memref_squeeze %dma_start3A_436 : memref<1x8x128xi32, #tpu.memory_space<vmem>> -> memref<8x128xi32, #tpu.memory_space<vmem>>
      %dma_start3A_438 = arith.constant 0 : i32
      %dma_start3A_439 = tpu.memref_slice %dma_start3A_437[%sub3A_317, %dma_start3A_438] : memref<8x128xi32, #tpu.memory_space<vmem>> -> memref<1x128xi32, #tpu.memory_space<vmem>>
      %dma_start3A_440 = tpu.memref_squeeze %dma_start3A_439 : memref<1x128xi32, #tpu.memory_space<vmem>> -> memref<128xi32, #tpu.memory_space<vmem>>
      %dma_start3A_441 = arith.constant 0 : i32
      %dma_start3A_442 = arith.constant 0 : i32
      %dma_start3A_443 = tpu.memref_slice %arg7[%dma_start3A_441, %dma_start3A_442] : memref<10240x128xf32, #tpu.memory_space<vmem_shared>> -> memref<10240x128xf32, #tpu.memory_space<vmem_shared>>
      tpu.enqueue_indirect_dma source(%dma_start3A_433 : memref<128x128xf32, #tpu.memory_space<vmem>>) target(%dma_start3A_443 : memref<10240x128xf32, #tpu.memory_space<vmem_shared>>) offsets(%dma_start3A_440 : memref<128xi32, #tpu.memory_space<vmem>>) semaphore(%arg16 : memref<!tpu.dma_semaphore, #tpu.memory_space<semaphore_mem>>) {add = true}
      %jit3A_444 = arith.constant 2 : i32
      %eq3A_445 = arith.constant 0 : i32
      %eq3A_446 = arith.cmpi eq, %jit3A_444, %eq3A_445 : i32
      %jit3A_447 = arith.constant 1 : i32
      %select_n3A_448 = arith.select %eq3A_446, %jit3A_447, %jit3A_444 : i32
      %rem3A_449 = arith.remsi %select_n3A, %select_n3A_448 : i32
      %ne3A_450 = arith.constant 0 : i32
      %ne3A_451 = arith.cmpi ne, %rem3A_449, %ne3A_450 : i32
      %lt3A_452 = arith.constant 0 : i32
      %lt3A_453 = arith.cmpi slt, %rem3A_449, %lt3A_452 : i32
      %lt3A_454 = arith.constant 0 : i32
      %lt3A_455 = arith.cmpi slt, %select_n3A_448, %lt3A_454 : i32
      %ne3A_456 = arith.xori %lt3A_453, %lt3A_455 : i1
      %and3A_457 = arith.andi %ne3A_456, %ne3A_451 : i1
      %add3A_458 = arith.addi %rem3A_449, %select_n3A_448 : i32
      %select_n3A_459 = arith.select %and3A_457, %add3A_458, %rem3A_449 : i32
      "tpu.region"() ({
        %run_scoped3A_460 = tpu.sem_alloc : memref<!tpu.dma_semaphore, #tpu.memory_space<semaphore_mem>>
        %dma_start3A_461 = arith.constant 0 : i32
        %dma_start3A_462 = arith.constant 0 : i32
        %dma_start3A_463 = tpu.memref_slice %arg10[%select_n3A_459, %dma_start3A_461, %dma_start3A_462] : memref<2x8x128xi32, #tpu.memory_space<vmem>> -> memref<1x8x128xi32, #tpu.memory_space<vmem>>
        %dma_start3A_464 = tpu.memref_squeeze %dma_start3A_463 : memref<1x8x128xi32, #tpu.memory_space<vmem>> -> memref<8x128xi32, #tpu.memory_space<vmem>>
        %dma_start3A_465 = arith.constant 0 : i32
        %dma_start3A_466 = tpu.memref_slice %dma_start3A_464[%sub3A_317, %dma_start3A_465] : memref<8x128xi32, #tpu.memory_space<vmem>> -> memref<1x128xi32, #tpu.memory_space<vmem>>
        %dma_start3A_467 = tpu.memref_squeeze %dma_start3A_466 : memref<1x128xi32, #tpu.memory_space<vmem>> -> memref<128xi32, #tpu.memory_space<vmem>>
        %dma_start3A_468 = arith.constant 0 : i32
        %dma_start3A_469 = tpu.memref_slice %arg8[%dma_start3A_468] : memref<10240xf32, #tpu.memory_space<vmem_shared>> -> memref<10240xf32, #tpu.memory_space<vmem_shared>>
        tpu.enqueue_indirect_dma source(%arg12 : memref<128xf32, #tpu.memory_space<vmem>>) target(%dma_start3A_469 : memref<10240xf32, #tpu.memory_space<vmem_shared>>) offsets(%dma_start3A_467 : memref<128xi32, #tpu.memory_space<vmem>>) semaphore(%run_scoped3A_460 : memref<!tpu.dma_semaphore, #tpu.memory_space<semaphore_mem>>) {add = true}
        %dma_wait3A_470 = arith.constant 0 : i32
        %dma_wait3A_471 = arith.constant 0 : i32
        %dma_wait3A_472 = tpu.memref_slice %arg10[%select_n3A_459, %dma_wait3A_470, %dma_wait3A_471] : memref<2x8x128xi32, #tpu.memory_space<vmem>> -> memref<1x8x128xi32, #tpu.memory_space<vmem>>
        %dma_wait3A_473 = tpu.memref_squeeze %dma_wait3A_472 : memref<1x8x128xi32, #tpu.memory_space<vmem>> -> memref<8x128xi32, #tpu.memory_space<vmem>>
        %dma_wait3A_474 = arith.constant 0 : i32
        %dma_wait3A_475 = tpu.memref_slice %dma_wait3A_473[%sub3A_317, %dma_wait3A_474] : memref<8x128xi32, #tpu.memory_space<vmem>> -> memref<1x128xi32, #tpu.memory_space<vmem>>
        %dma_wait3A_476 = tpu.memref_squeeze %dma_wait3A_475 : memref<1x128xi32, #tpu.memory_space<vmem>> -> memref<128xi32, #tpu.memory_space<vmem>>
        %dma_wait3A_477 = arith.constant 0 : i32
        %dma_wait3A_478 = tpu.memref_slice %arg8[%dma_wait3A_477] : memref<10240xf32, #tpu.memory_space<vmem_shared>> -> memref<10240xf32, #tpu.memory_space<vmem_shared>>
        tpu.wait_indirect_dma semaphore(%run_scoped3A_460 : memref<!tpu.dma_semaphore, #tpu.memory_space<semaphore_mem>>) src(%arg12 : memref<128xf32, #tpu.memory_space<vmem>>) dst(%dma_wait3A_478 : memref<10240xf32, #tpu.memory_space<vmem_shared>>)
        tpu.yield
      }) : () -> ()
    }
    %scan3A_267 = arith.constant 80 : i32
    %dma_wait3A = arith.constant 0 : i32
    %dma_wait3A_268 = arith.constant 0 : i32
    %dma_wait3A_269 = arith.constant 0 : i32
    %dma_wait3A_270 = arith.constant 0 : i32
    %dma_wait3A_271 = arith.constant 0 : i32
    %dma_wait3A_272 = tpu.memref_slice %arg11[%dma_wait3A, %dma_wait3A_270, %dma_wait3A_271] : memref<2x128x128xf32, #tpu.memory_space<vmem>> -> memref<1x128x128xf32, #tpu.memory_space<vmem>>
    %dma_wait3A_273 = tpu.memref_squeeze %dma_wait3A_272 : memref<1x128x128xf32, #tpu.memory_space<vmem>> -> memref<128x128xf32, #tpu.memory_space<vmem>>
    %dma_wait3A_274 = arith.constant 0 : i32
    %dma_wait3A_275 = arith.constant 0 : i32
    %dma_wait3A_276 = tpu.memref_slice %arg10[%dma_wait3A_268, %dma_wait3A_274, %dma_wait3A_275] : memref<2x8x128xi32, #tpu.memory_space<vmem>> -> memref<1x8x128xi32, #tpu.memory_space<vmem>>
    %dma_wait3A_277 = tpu.memref_squeeze %dma_wait3A_276 : memref<1x8x128xi32, #tpu.memory_space<vmem>> -> memref<8x128xi32, #tpu.memory_space<vmem>>
    %dma_wait3A_278 = arith.constant 0 : i32
    %dma_wait3A_279 = tpu.memref_slice %dma_wait3A_277[%dma_wait3A_269, %dma_wait3A_278] : memref<8x128xi32, #tpu.memory_space<vmem>> -> memref<1x128xi32, #tpu.memory_space<vmem>>
    %dma_wait3A_280 = tpu.memref_squeeze %dma_wait3A_279 : memref<1x128xi32, #tpu.memory_space<vmem>> -> memref<128xi32, #tpu.memory_space<vmem>>
    %dma_wait3A_281 = arith.constant 0 : i32
    %dma_wait3A_282 = arith.constant 0 : i32
    %dma_wait3A_283 = tpu.memref_slice %arg7[%dma_wait3A_281, %dma_wait3A_282] : memref<10240x128xf32, #tpu.memory_space<vmem_shared>> -> memref<10240x128xf32, #tpu.memory_space<vmem_shared>>
    tpu.wait_indirect_dma semaphore(%arg16 : memref<!tpu.dma_semaphore, #tpu.memory_space<semaphore_mem>>) src(%dma_wait3A_273 : memref<128x128xf32, #tpu.memory_space<vmem>>) dst(%dma_wait3A_283 : memref<10240x128xf32, #tpu.memory_space<vmem_shared>>)
    %barrier3A_284 = arith.constant 0 : index
    tpu.barrier barrier_id(%barrier3A_284)
    %mul3A_285 = arith.constant 624 : i32
    %mul3A_286 = arith.muli %arg1, %mul3A_285 : i32
    %mul3A_287 = arith.constant 624 : i32
    %mul3A_288 = arith.muli %arg1, %mul3A_287 : i32
    "tpu.region"() ({
      %run_scoped3A_298 = tpu.sem_alloc : memref<!tpu.dma_semaphore, #tpu.memory_space<semaphore_mem>>
      %dma_start3A_299 = arith.constant 0 : i32
      %dma_start3A_300 = arith.constant 0 : i32
      %dma_start3A_301 = tpu.memref_slice %arg5[%arg0, %dma_start3A_299, %dma_start3A_300] : memref<2x10000x128xf32, #tpu.memory_space<hbm>> -> memref<1x10000x128xf32, #tpu.memory_space<hbm>>
      %dma_start3A_302 = tpu.memref_squeeze %dma_start3A_301 : memref<1x10000x128xf32, #tpu.memory_space<hbm>> -> memref<10000x128xf32, #tpu.memory_space<hbm>>
      %dma_start3A_303 = arith.constant 0 : i32
      %dma_start3A_304 = tpu.memref_slice %dma_start3A_302[%mul3A_288, %dma_start3A_303] : memref<10000x128xf32, #tpu.memory_space<hbm>> -> memref<624x128xf32, #tpu.memory_space<hbm>>
      %dma_start3A_305 = arith.constant 0 : i32
      %dma_start3A_306 = tpu.memref_slice %arg7[%mul3A_286, %dma_start3A_305] : memref<10240x128xf32, #tpu.memory_space<vmem_shared>> -> memref<624x128xf32, #tpu.memory_space<vmem_shared>>
      tpu.enqueue_dma source(%dma_start3A_306 : memref<624x128xf32, #tpu.memory_space<vmem_shared>>) target(%dma_start3A_304 : memref<624x128xf32, #tpu.memory_space<hbm>>) target_semaphore(%run_scoped3A_298 : memref<!tpu.dma_semaphore, #tpu.memory_space<semaphore_mem>>)
      %dma_wait3A_307 = arith.constant 0 : i32
      %dma_wait3A_308 = arith.constant 0 : i32
      %dma_wait3A_309 = tpu.memref_slice %arg5[%arg0, %dma_wait3A_307, %dma_wait3A_308] : memref<2x10000x128xf32, #tpu.memory_space<hbm>> -> memref<1x10000x128xf32, #tpu.memory_space<hbm>>
      %dma_wait3A_310 = tpu.memref_squeeze %dma_wait3A_309 : memref<1x10000x128xf32, #tpu.memory_space<hbm>> -> memref<10000x128xf32, #tpu.memory_space<hbm>>
      %dma_wait3A_311 = arith.constant 0 : i32
      %dma_wait3A_312 = tpu.memref_slice %dma_wait3A_310[%mul3A_288, %dma_wait3A_311] : memref<10000x128xf32, #tpu.memory_space<hbm>> -> memref<624x128xf32, #tpu.memory_space<hbm>>
      %dma_wait3A_313 = arith.constant 0 : i32
      %dma_wait3A_314 = tpu.memref_slice %arg7[%mul3A_286, %dma_wait3A_313] : memref<10240x128xf32, #tpu.memory_space<vmem_shared>> -> memref<624x128xf32, #tpu.memory_space<vmem_shared>>
      tpu.wait_dma2 semaphore(%run_scoped3A_298 : memref<!tpu.dma_semaphore, #tpu.memory_space<semaphore_mem>>) src(%dma_wait3A_314 : memref<624x128xf32, #tpu.memory_space<vmem_shared>>) dst(%dma_wait3A_312 : memref<624x128xf32, #tpu.memory_space<hbm>>)
      tpu.yield
    }) : () -> ()
    %mul3A_289 = arith.constant 640 : i32
    %mul3A_290 = arith.muli %arg1, %mul3A_289 : i32
    %mul3A_291 = arith.constant 640 : i32
    %mul3A_292 = arith.muli %arg1, %mul3A_291 : i32
    "tpu.region"() ({
      %run_scoped3A_298 = tpu.sem_alloc : memref<!tpu.dma_semaphore, #tpu.memory_space<semaphore_mem>>
      %dma_start3A_299 = arith.constant 0 : i32
      %dma_start3A_300 = tpu.memref_slice %arg6[%arg0, %dma_start3A_299] : memref<2x10240xf32, #tpu.memory_space<hbm>> -> memref<1x10240xf32, #tpu.memory_space<hbm>>
      %dma_start3A_301 = tpu.memref_squeeze %dma_start3A_300 : memref<1x10240xf32, #tpu.memory_space<hbm>> -> memref<10240xf32, #tpu.memory_space<hbm>>
      %dma_start3A_302 = tpu.memref_slice %dma_start3A_301[%mul3A_292] : memref<10240xf32, #tpu.memory_space<hbm>> -> memref<640xf32, #tpu.memory_space<hbm>>
      %dma_start3A_303 = tpu.memref_slice %arg8[%mul3A_290] : memref<10240xf32, #tpu.memory_space<vmem_shared>> -> memref<640xf32, #tpu.memory_space<vmem_shared>>
      tpu.enqueue_dma source(%dma_start3A_303 : memref<640xf32, #tpu.memory_space<vmem_shared>>) target(%dma_start3A_302 : memref<640xf32, #tpu.memory_space<hbm>>) target_semaphore(%run_scoped3A_298 : memref<!tpu.dma_semaphore, #tpu.memory_space<semaphore_mem>>)
      %dma_wait3A_304 = arith.constant 0 : i32
      %dma_wait3A_305 = tpu.memref_slice %arg6[%arg0, %dma_wait3A_304] : memref<2x10240xf32, #tpu.memory_space<hbm>> -> memref<1x10240xf32, #tpu.memory_space<hbm>>
      %dma_wait3A_306 = tpu.memref_squeeze %dma_wait3A_305 : memref<1x10240xf32, #tpu.memory_space<hbm>> -> memref<10240xf32, #tpu.memory_space<hbm>>
      %dma_wait3A_307 = tpu.memref_slice %dma_wait3A_306[%mul3A_292] : memref<10240xf32, #tpu.memory_space<hbm>> -> memref<640xf32, #tpu.memory_space<hbm>>
      %dma_wait3A_308 = tpu.memref_slice %arg8[%mul3A_290] : memref<10240xf32, #tpu.memory_space<vmem_shared>> -> memref<640xf32, #tpu.memory_space<vmem_shared>>
      tpu.wait_dma2 semaphore(%run_scoped3A_298 : memref<!tpu.dma_semaphore, #tpu.memory_space<semaphore_mem>>) src(%dma_wait3A_308 : memref<640xf32, #tpu.memory_space<vmem_shared>>) dst(%dma_wait3A_307 : memref<640xf32, #tpu.memory_space<hbm>>)
      tpu.yield
    }) : () -> ()
    %eq3A_293 = arith.constant 15 : i32
    %eq3A_294 = arith.cmpi eq, %arg1, %eq3A_293 : i32
    %convert_element_type3A_295 = arith.extui %eq3A_294 : i1 to i32
    %cond3A_296 = arith.constant 0 : i32
    %cond3A_297 = arith.cmpi ne, %convert_element_type3A_295, %cond3A_296 : i32
    scf.if %cond3A_297 {
      "tpu.region"() ({
        %run_scoped3A_298 = tpu.sem_alloc : memref<!tpu.dma_semaphore, #tpu.memory_space<semaphore_mem>>
        %dma_start3A_299 = arith.constant 0 : i32
        %dma_start3A_300 = arith.constant 0 : i32
        %dma_start3A_301 = tpu.memref_slice %arg5[%arg0, %dma_start3A_299, %dma_start3A_300] : memref<2x10000x128xf32, #tpu.memory_space<hbm>> -> memref<1x10000x128xf32, #tpu.memory_space<hbm>>
        %dma_start3A_302 = tpu.memref_squeeze %dma_start3A_301 : memref<1x10000x128xf32, #tpu.memory_space<hbm>> -> memref<10000x128xf32, #tpu.memory_space<hbm>>
        %dma_start3A_303 = arith.constant 9984 : i32
        %dma_start3A_304 = arith.constant 0 : i32
        %dma_start3A_305 = tpu.memref_slice %dma_start3A_302[%dma_start3A_303, %dma_start3A_304] : memref<10000x128xf32, #tpu.memory_space<hbm>> -> memref<16x128xf32, #tpu.memory_space<hbm>>
        %dma_start3A_306 = arith.constant 9984 : i32
        %dma_start3A_307 = arith.constant 0 : i32
        %dma_start3A_308 = tpu.memref_slice %arg7[%dma_start3A_306, %dma_start3A_307] : memref<10240x128xf32, #tpu.memory_space<vmem_shared>> -> memref<16x128xf32, #tpu.memory_space<vmem_shared>>
        tpu.enqueue_dma source(%dma_start3A_308 : memref<16x128xf32, #tpu.memory_space<vmem_shared>>) target(%dma_start3A_305 : memref<16x128xf32, #tpu.memory_space<hbm>>) target_semaphore(%run_scoped3A_298 : memref<!tpu.dma_semaphore, #tpu.memory_space<semaphore_mem>>)
        %dma_wait3A_309 = arith.constant 0 : i32
        %dma_wait3A_310 = arith.constant 0 : i32
        %dma_wait3A_311 = tpu.memref_slice %arg5[%arg0, %dma_wait3A_309, %dma_wait3A_310] : memref<2x10000x128xf32, #tpu.memory_space<hbm>> -> memref<1x10000x128xf32, #tpu.memory_space<hbm>>
        %dma_wait3A_312 = tpu.memref_squeeze %dma_wait3A_311 : memref<1x10000x128xf32, #tpu.memory_space<hbm>> -> memref<10000x128xf32, #tpu.memory_space<hbm>>
        %dma_wait3A_313 = arith.constant 9984 : i32
        %dma_wait3A_314 = arith.constant 0 : i32
        %dma_wait3A_315 = tpu.memref_slice %dma_wait3A_312[%dma_wait3A_313, %dma_wait3A_314] : memref<10000x128xf32, #tpu.memory_space<hbm>> -> memref<16x128xf32, #tpu.memory_space<hbm>>
        %dma_wait3A_316 = arith.constant 9984 : i32
        %dma_wait3A_317 = arith.constant 0 : i32
        %dma_wait3A_318 = tpu.memref_slice %arg7[%dma_wait3A_316, %dma_wait3A_317] : memref<10240x128xf32, #tpu.memory_space<vmem_shared>> -> memref<16x128xf32, #tpu.memory_space<vmem_shared>>
        tpu.wait_dma2 semaphore(%run_scoped3A_298 : memref<!tpu.dma_semaphore, #tpu.memory_space<semaphore_mem>>) src(%dma_wait3A_318 : memref<16x128xf32, #tpu.memory_space<vmem_shared>>) dst(%dma_wait3A_315 : memref<16x128xf32, #tpu.memory_space<hbm>>)
        tpu.yield
      }) : () -> ()
    } else {
    }
    return
  }
}

module attributes {stable_mosaic.version = 14 : i64} {
  func.func @_tc_pre_u_body(%arg0: i32, %arg1: memref<1000x128xf32, #tpu.memory_space<vmem>>, %arg2: memref<128x128xf32, #tpu.memory_space<vmem>>, %arg3: memref<1000x128xf32, #tpu.memory_space<vmem>>) attributes {dimension_semantics = [#tpu.dimension_semantics<arbitrary>], iteration_bounds = array<i64: 10>, scalar_prefetch = 0 : i64, scratch_operands = 0 : i64, tpu.core_type = #tpu.core_type<tc>, window_params = [{transform_indices = @transform_0, window_bounds = array<i64: 1000, 128>}, {pipeline_mode = #tpu.pipeline_mode<synchronous>, transform_indices = @transform_1, window_bounds = array<i64: 128, 128>}, {transform_indices = @transform_2, window_bounds = array<i64: 1000, 128>}]} {
    %get3A = arith.constant 0 : index
    %get3A_0 = arith.constant 0 : index
    %get3A_1 = vector.load %arg1[%get3A, %get3A_0] : memref<1000x128xf32, #tpu.memory_space<vmem>>, vector<1000x128xf32>
    %get3A_2 = arith.constant 0 : index
    %get3A_3 = arith.constant 0 : index
    %get3A_4 = vector.load %arg2[%get3A_2, %get3A_3] : memref<128x128xf32, #tpu.memory_space<vmem>>, vector<128x128xf32>
    %transpose3A = tpu.transpose %get3A_4, [1, 0] : vector<128x128xf32> -> vector<128x128xf32>
    %dot_general3A = arith.constant dense<0.000000e+00> : vector<1000x128xf32>
    %dot_general3A_5 = tpu.matmul %get3A_1, %transpose3A, %dot_general3A {dimension_numbers = #tpu.dot_dimension_numbers<[1], [0], [0], [1], [0, 0, 1, 1], [], []>, transpose_lhs_hint = false} : vector<1000x128xf32>, vector<128x128xf32>, vector<1000x128xf32> -> vector<1000x128xf32>
    %swap3A = arith.constant 0 : index
    %swap3A_6 = arith.constant 0 : index
    %swap3A_7 = vector.load %arg3[%swap3A, %swap3A_6] : memref<1000x128xf32, #tpu.memory_space<vmem>>, vector<1000x128xf32>
    tpu.vector_store %arg3[%swap3A, %swap3A_6], %dot_general3A_5 {strides = array<i32>} : memref<1000x128xf32, #tpu.memory_space<vmem>>, vector<1000x128xf32>,
    return
  }
  func.func @transform_0(%arg0: i32) -> (i32, i32) {
    %c0_i32 = arith.constant 0 : i32
    %c0_i32_0 = arith.constant 0 : i32
    return %arg0, %c0_i32 : i32, i32
  }
  func.func @transform_1(%arg0: i32) -> (i32, i32) {
    %c0_i32 = arith.constant 0 : i32
    %c0_i32_0 = arith.constant 0 : i32
    %c0_i32_1 = arith.constant 0 : i32
    return %c0_i32, %c0_i32_0 : i32, i32
  }
  func.func @transform_2(%arg0: i32) -> (i32, i32) {
    %c0_i32 = arith.constant 0 : i32
    %c0_i32_0 = arith.constant 0 : i32
    return %arg0, %c0_i32 : i32, i32
  }
}

module attributes {stable_mosaic.version = 14 : i64} {
  func.func @_tc_pre_v_body(%arg0: i32, %arg1: memref<1000x128xf32, #tpu.memory_space<vmem>>, %arg2: memref<128x128xf32, #tpu.memory_space<vmem>>, %arg3: memref<1x128xf32, #tpu.memory_space<vmem>>, %arg4: memref<1000x128xf32, #tpu.memory_space<vmem>>) attributes {dimension_semantics = [#tpu.dimension_semantics<arbitrary>], iteration_bounds = array<i64: 10>, scalar_prefetch = 0 : i64, scratch_operands = 0 : i64, tpu.core_type = #tpu.core_type<tc>, window_params = [{transform_indices = @transform_0, window_bounds = array<i64: 1000, 128>}, {pipeline_mode = #tpu.pipeline_mode<synchronous>, transform_indices = @transform_1, window_bounds = array<i64: 128, 128>}, {pipeline_mode = #tpu.pipeline_mode<synchronous>, transform_indices = @transform_2, window_bounds = array<i64: 1, 128>}, {transform_indices = @transform_3, window_bounds = array<i64: 1000, 128>}]} {
    %get3A = arith.constant 0 : index
    %get3A_0 = arith.constant 0 : index
    %get3A_1 = vector.load %arg1[%get3A, %get3A_0] : memref<1000x128xf32, #tpu.memory_space<vmem>>, vector<1000x128xf32>
    %get3A_2 = arith.constant 0 : index
    %get3A_3 = arith.constant 0 : index
    %get3A_4 = vector.load %arg2[%get3A_2, %get3A_3] : memref<128x128xf32, #tpu.memory_space<vmem>>, vector<128x128xf32>
    %transpose3A = tpu.transpose %get3A_4, [1, 0] : vector<128x128xf32> -> vector<128x128xf32>
    %dot_general3A = arith.constant dense<0.000000e+00> : vector<1000x128xf32>
    %dot_general3A_5 = tpu.matmul %get3A_1, %transpose3A, %dot_general3A {dimension_numbers = #tpu.dot_dimension_numbers<[1], [0], [0], [1], [0, 0, 1, 1], [], []>, transpose_lhs_hint = false} : vector<1000x128xf32>, vector<128x128xf32>, vector<1000x128xf32> -> vector<1000x128xf32>
    %get3A_6 = arith.constant 0 : index
    %get3A_7 = arith.constant 0 : index
    %get3A_8 = vector.load %arg3[%get3A_6, %get3A_7] : memref<1x128xf32, #tpu.memory_space<vmem>>, vector<1x128xf32>
    %add3A = vector.broadcast %get3A_8 : vector<1x128xf32> to vector<1000x128xf32>
    %add3A_9 = arith.addf %dot_general3A_5, %add3A : vector<1000x128xf32>
    %swap3A = arith.constant 0 : index
    %swap3A_10 = arith.constant 0 : index
    %swap3A_11 = vector.load %arg4[%swap3A, %swap3A_10] : memref<1000x128xf32, #tpu.memory_space<vmem>>, vector<1000x128xf32>
    tpu.vector_store %arg4[%swap3A, %swap3A_10], %add3A_9 {strides = array<i32>} : memref<1000x128xf32, #tpu.memory_space<vmem>>, vector<1000x128xf32>,
    return
  }
  func.func @transform_0(%arg0: i32) -> (i32, i32) {
    %c0_i32 = arith.constant 0 : i32
    %c0_i32_0 = arith.constant 0 : i32
    return %arg0, %c0_i32 : i32, i32
  }
  func.func @transform_1(%arg0: i32) -> (i32, i32) {
    %c0_i32 = arith.constant 0 : i32
    %c0_i32_0 = arith.constant 0 : i32
    %c0_i32_1 = arith.constant 0 : i32
    return %c0_i32, %c0_i32_0 : i32, i32
  }
  func.func @transform_2(%arg0: i32) -> (i32, i32) {
    %c0_i32 = arith.constant 0 : i32
    %c0_i32_0 = arith.constant 0 : i32
    %c0_i32_1 = arith.constant 0 : i32
    return %c0_i32, %c0_i32_0 : i32, i32
  }
  func.func @transform_3(%arg0: i32) -> (i32, i32) {
    %c0_i32 = arith.constant 0 : i32
    %c0_i32_0 = arith.constant 0 : i32
    return %arg0, %c0_i32 : i32, i32
  }
}

module attributes {stable_mosaic.version = 14 : i64} {
  func.func @_tc_mid_u_body(%arg0: i32, %arg1: memref<2x1000x128xf32, #tpu.memory_space<vmem>>, %arg2: memref<1000x1xf32, #tpu.memory_space<vmem>>, %arg3: memref<1000x128xf32, #tpu.memory_space<vmem>>, %arg4: memref<128x128xf32, #tpu.memory_space<vmem>>, %arg5: memref<1000x128xf32, #tpu.memory_space<vmem>>) attributes {dimension_semantics = [#tpu.dimension_semantics<arbitrary>], iteration_bounds = array<i64: 10>, scalar_prefetch = 0 : i64, scratch_operands = 0 : i64, tpu.core_type = #tpu.core_type<tc>, window_params = [{transform_indices = @transform_0, window_bounds = array<i64: 2, 1000, 128>}, {transform_indices = @transform_1, window_bounds = array<i64: 1000, 1>}, {transform_indices = @transform_2, window_bounds = array<i64: 1000, 128>}, {pipeline_mode = #tpu.pipeline_mode<synchronous>, transform_indices = @transform_3, window_bounds = array<i64: 128, 128>}, {transform_indices = @transform_4, window_bounds = array<i64: 1000, 128>}]} {
    %get3A = arith.constant 0 : index
    %get3A_0 = arith.constant 0 : index
    %get3A_1 = vector.load %arg2[%get3A, %get3A_0] : memref<1000x1xf32, #tpu.memory_space<vmem>>, vector<1000x1xf32>
    %max3A = arith.constant 1.000000e+00 : f32
    %max3A_2 = vector.broadcast %max3A : f32 to vector<1000x1xf32>
    %max3A_3 = arith.maximumf %get3A_1, %max3A_2 : vector<1000x1xf32>
    %div3A = arith.constant 1.000000e+00 : f32
    %div3A_4 = vector.broadcast %div3A : f32 to vector<1000x1xf32>
    %div3A_5 = arith.divf %div3A_4, %max3A_3 : vector<1000x1xf32>
    %get3A_6 = arith.constant 0 : index
    %get3A_7 = arith.constant 0 : index
    %get3A_8 = arith.constant 0 : index
    %get3A_9 = vector.load %arg1[%get3A_6, %get3A_7, %get3A_8] : memref<2x1000x128xf32, #tpu.memory_space<vmem>>, vector<1x1000x128xf32>
    %get3A_10 = vector.shape_cast %get3A_9 : vector<1x1000x128xf32> to vector<1000x128xf32>
    %get3A_11 = arith.constant 1 : index
    %get3A_12 = arith.constant 0 : index
    %get3A_13 = arith.constant 0 : index
    %get3A_14 = vector.load %arg1[%get3A_11, %get3A_12, %get3A_13] : memref<2x1000x128xf32, #tpu.memory_space<vmem>>, vector<1x1000x128xf32>
    %get3A_15 = vector.shape_cast %get3A_14 : vector<1x1000x128xf32> to vector<1000x128xf32>
    %add3A = arith.addf %get3A_10, %get3A_15 : vector<1000x128xf32>
    %mul3A = vector.broadcast %div3A_5 : vector<1000x1xf32> to vector<1000x128xf32>
    %mul3A_16 = arith.mulf %add3A, %mul3A : vector<1000x128xf32>
    %get3A_17 = arith.constant 0 : index
    %get3A_18 = arith.constant 0 : index
    %get3A_19 = vector.load %arg3[%get3A_17, %get3A_18] : memref<1000x128xf32, #tpu.memory_space<vmem>>, vector<1000x128xf32>
    %add3A_20 = arith.addf %mul3A_16, %get3A_19 : vector<1000x128xf32>
    %max3A_21 = arith.constant 0.000000e+00 : f32
    %max3A_22 = vector.broadcast %max3A_21 : f32 to vector<1000x128xf32>
    %max3A_23 = arith.maximumf %add3A_20, %max3A_22 : vector<1000x128xf32>
    %get3A_24 = arith.constant 0 : index
    %get3A_25 = arith.constant 0 : index
    %get3A_26 = vector.load %arg4[%get3A_24, %get3A_25] : memref<128x128xf32, #tpu.memory_space<vmem>>, vector<128x128xf32>
    %transpose3A = tpu.transpose %get3A_26, [1, 0] : vector<128x128xf32> -> vector<128x128xf32>
    %dot_general3A = arith.constant dense<0.000000e+00> : vector<1000x128xf32>
    %dot_general3A_27 = tpu.matmul %max3A_23, %transpose3A, %dot_general3A {dimension_numbers = #tpu.dot_dimension_numbers<[1], [0], [0], [1], [0, 0, 1, 1], [], []>, transpose_lhs_hint = false} : vector<1000x128xf32>, vector<128x128xf32>, vector<1000x128xf32> -> vector<1000x128xf32>
    %swap3A = arith.constant 0 : index
    %swap3A_28 = arith.constant 0 : index
    %swap3A_29 = vector.load %arg5[%swap3A, %swap3A_28] : memref<1000x128xf32, #tpu.memory_space<vmem>>, vector<1000x128xf32>
    tpu.vector_store %arg5[%swap3A, %swap3A_28], %dot_general3A_27 {strides = array<i32>} : memref<1000x128xf32, #tpu.memory_space<vmem>>, vector<1000x128xf32>,
    return
  }
  func.func @transform_0(%arg0: i32) -> (i32, i32, i32) {
    %c0_i32 = arith.constant 0 : i32
    %c0_i32_0 = arith.constant 0 : i32
    %c0_i32_1 = arith.constant 0 : i32
    return %c0_i32, %arg0, %c0_i32_0 : i32, i32, i32
  }
  func.func @transform_1(%arg0: i32) -> (i32, i32) {
    %c0_i32 = arith.constant 0 : i32
    %c0_i32_0 = arith.constant 0 : i32
    return %arg0, %c0_i32 : i32, i32
  }
  func.func @transform_2(%arg0: i32) -> (i32, i32) {
    %c0_i32 = arith.constant 0 : i32
    %c0_i32_0 = arith.constant 0 : i32
    return %arg0, %c0_i32 : i32, i32
  }
  func.func @transform_3(%arg0: i32) -> (i32, i32) {
    %c0_i32 = arith.constant 0 : i32
    %c0_i32_0 = arith.constant 0 : i32
    %c0_i32_1 = arith.constant 0 : i32
    return %c0_i32, %c0_i32_0 : i32, i32
  }
  func.func @transform_4(%arg0: i32) -> (i32, i32) {
    %c0_i32 = arith.constant 0 : i32
    %c0_i32_0 = arith.constant 0 : i32
    return %arg0, %c0_i32 : i32, i32
  }
}

module attributes {stable_mosaic.version = 14 : i64} {
  func.func @_tc_mid_v_body(%arg0: i32, %arg1: memref<2x1000x128xf32, #tpu.memory_space<vmem>>, %arg2: memref<1000x1xf32, #tpu.memory_space<vmem>>, %arg3: memref<1000x128xf32, #tpu.memory_space<vmem>>, %arg4: memref<128x128xf32, #tpu.memory_space<vmem>>, %arg5: memref<1x128xf32, #tpu.memory_space<vmem>>, %arg6: memref<1000x128xf32, #tpu.memory_space<vmem>>) attributes {dimension_semantics = [#tpu.dimension_semantics<arbitrary>], iteration_bounds = array<i64: 10>, scalar_prefetch = 0 : i64, scratch_operands = 0 : i64, tpu.core_type = #tpu.core_type<tc>, window_params = [{transform_indices = @transform_0, window_bounds = array<i64: 2, 1000, 128>}, {transform_indices = @transform_1, window_bounds = array<i64: 1000, 1>}, {transform_indices = @transform_2, window_bounds = array<i64: 1000, 128>}, {pipeline_mode = #tpu.pipeline_mode<synchronous>, transform_indices = @transform_3, window_bounds = array<i64: 128, 128>}, {pipeline_mode = #tpu.pipeline_mode<synchronous>, transform_indices = @transform_4, window_bounds = array<i64: 1, 128>}, {transform_indices = @transform_5, window_bounds = array<i64: 1000, 128>}]} {
    %get3A = arith.constant 0 : index
    %get3A_0 = arith.constant 0 : index
    %get3A_1 = vector.load %arg2[%get3A, %get3A_0] : memref<1000x1xf32, #tpu.memory_space<vmem>>, vector<1000x1xf32>
    %max3A = arith.constant 1.000000e+00 : f32
    %max3A_2 = vector.broadcast %max3A : f32 to vector<1000x1xf32>
    %max3A_3 = arith.maximumf %get3A_1, %max3A_2 : vector<1000x1xf32>
    %div3A = arith.constant 1.000000e+00 : f32
    %div3A_4 = vector.broadcast %div3A : f32 to vector<1000x1xf32>
    %div3A_5 = arith.divf %div3A_4, %max3A_3 : vector<1000x1xf32>
    %get3A_6 = arith.constant 0 : index
    %get3A_7 = arith.constant 0 : index
    %get3A_8 = arith.constant 0 : index
    %get3A_9 = vector.load %arg1[%get3A_6, %get3A_7, %get3A_8] : memref<2x1000x128xf32, #tpu.memory_space<vmem>>, vector<1x1000x128xf32>
    %get3A_10 = vector.shape_cast %get3A_9 : vector<1x1000x128xf32> to vector<1000x128xf32>
    %get3A_11 = arith.constant 1 : index
    %get3A_12 = arith.constant 0 : index
    %get3A_13 = arith.constant 0 : index
    %get3A_14 = vector.load %arg1[%get3A_11, %get3A_12, %get3A_13] : memref<2x1000x128xf32, #tpu.memory_space<vmem>>, vector<1x1000x128xf32>
    %get3A_15 = vector.shape_cast %get3A_14 : vector<1x1000x128xf32> to vector<1000x128xf32>
    %add3A = arith.addf %get3A_10, %get3A_15 : vector<1000x128xf32>
    %mul3A = vector.broadcast %div3A_5 : vector<1000x1xf32> to vector<1000x128xf32>
    %mul3A_16 = arith.mulf %add3A, %mul3A : vector<1000x128xf32>
    %get3A_17 = arith.constant 0 : index
    %get3A_18 = arith.constant 0 : index
    %get3A_19 = vector.load %arg3[%get3A_17, %get3A_18] : memref<1000x128xf32, #tpu.memory_space<vmem>>, vector<1000x128xf32>
    %add3A_20 = arith.addf %mul3A_16, %get3A_19 : vector<1000x128xf32>
    %max3A_21 = arith.constant 0.000000e+00 : f32
    %max3A_22 = vector.broadcast %max3A_21 : f32 to vector<1000x128xf32>
    %max3A_23 = arith.maximumf %add3A_20, %max3A_22 : vector<1000x128xf32>
    %get3A_24 = arith.constant 0 : index
    %get3A_25 = arith.constant 0 : index
    %get3A_26 = vector.load %arg4[%get3A_24, %get3A_25] : memref<128x128xf32, #tpu.memory_space<vmem>>, vector<128x128xf32>
    %transpose3A = tpu.transpose %get3A_26, [1, 0] : vector<128x128xf32> -> vector<128x128xf32>
    %dot_general3A = arith.constant dense<0.000000e+00> : vector<1000x128xf32>
    %dot_general3A_27 = tpu.matmul %max3A_23, %transpose3A, %dot_general3A {dimension_numbers = #tpu.dot_dimension_numbers<[1], [0], [0], [1], [0, 0, 1, 1], [], []>, transpose_lhs_hint = false} : vector<1000x128xf32>, vector<128x128xf32>, vector<1000x128xf32> -> vector<1000x128xf32>
    %get3A_28 = arith.constant 0 : index
    %get3A_29 = arith.constant 0 : index
    %get3A_30 = vector.load %arg5[%get3A_28, %get3A_29] : memref<1x128xf32, #tpu.memory_space<vmem>>, vector<1x128xf32>
    %add3A_31 = vector.broadcast %get3A_30 : vector<1x128xf32> to vector<1000x128xf32>
    %add3A_32 = arith.addf %dot_general3A_27, %add3A_31 : vector<1000x128xf32>
    %swap3A = arith.constant 0 : index
    %swap3A_33 = arith.constant 0 : index
    %swap3A_34 = vector.load %arg6[%swap3A, %swap3A_33] : memref<1000x128xf32, #tpu.memory_space<vmem>>, vector<1000x128xf32>
    tpu.vector_store %arg6[%swap3A, %swap3A_33], %add3A_32 {strides = array<i32>} : memref<1000x128xf32, #tpu.memory_space<vmem>>, vector<1000x128xf32>,
    return
  }
  func.func @transform_0(%arg0: i32) -> (i32, i32, i32) {
    %c0_i32 = arith.constant 0 : i32
    %c0_i32_0 = arith.constant 0 : i32
    %c0_i32_1 = arith.constant 0 : i32
    return %c0_i32, %arg0, %c0_i32_0 : i32, i32, i32
  }
  func.func @transform_1(%arg0: i32) -> (i32, i32) {
    %c0_i32 = arith.constant 0 : i32
    %c0_i32_0 = arith.constant 0 : i32
    return %arg0, %c0_i32 : i32, i32
  }
  func.func @transform_2(%arg0: i32) -> (i32, i32) {
    %c0_i32 = arith.constant 0 : i32
    %c0_i32_0 = arith.constant 0 : i32
    return %arg0, %c0_i32 : i32, i32
  }
  func.func @transform_3(%arg0: i32) -> (i32, i32) {
    %c0_i32 = arith.constant 0 : i32
    %c0_i32_0 = arith.constant 0 : i32
    %c0_i32_1 = arith.constant 0 : i32
    return %c0_i32, %c0_i32_0 : i32, i32
  }
  func.func @transform_4(%arg0: i32) -> (i32, i32) {
    %c0_i32 = arith.constant 0 : i32
    %c0_i32_0 = arith.constant 0 : i32
    %c0_i32_1 = arith.constant 0 : i32
    return %c0_i32, %c0_i32_0 : i32, i32
  }
  func.func @transform_5(%arg0: i32) -> (i32, i32) {
    %c0_i32 = arith.constant 0 : i32
    %c0_i32_0 = arith.constant 0 : i32
    return %arg0, %c0_i32 : i32, i32
  }
}

module attributes {stable_mosaic.version = 14 : i64} {
  func.func @_tc_post_body(%arg0: i32, %arg1: memref<2x1000x128xf32, #tpu.memory_space<vmem>>, %arg2: memref<1000x1xf32, #tpu.memory_space<vmem>>, %arg3: memref<1000x128xf32, #tpu.memory_space<vmem>>, %arg4: memref<1000x128xf32, #tpu.memory_space<vmem>>) attributes {dimension_semantics = [#tpu.dimension_semantics<arbitrary>], iteration_bounds = array<i64: 10>, scalar_prefetch = 0 : i64, scratch_operands = 0 : i64, tpu.core_type = #tpu.core_type<tc>, window_params = [{transform_indices = @transform_0, window_bounds = array<i64: 2, 1000, 128>}, {transform_indices = @transform_1, window_bounds = array<i64: 1000, 1>}, {transform_indices = @transform_2, window_bounds = array<i64: 1000, 128>}, {transform_indices = @transform_3, window_bounds = array<i64: 1000, 128>}]} {
    %get3A = arith.constant 0 : index
    %get3A_0 = arith.constant 0 : index
    %get3A_1 = vector.load %arg2[%get3A, %get3A_0] : memref<1000x1xf32, #tpu.memory_space<vmem>>, vector<1000x1xf32>
    %max3A = arith.constant 1.000000e+00 : f32
    %max3A_2 = vector.broadcast %max3A : f32 to vector<1000x1xf32>
    %max3A_3 = arith.maximumf %get3A_1, %max3A_2 : vector<1000x1xf32>
    %div3A = arith.constant 1.000000e+00 : f32
    %div3A_4 = vector.broadcast %div3A : f32 to vector<1000x1xf32>
    %div3A_5 = arith.divf %div3A_4, %max3A_3 : vector<1000x1xf32>
    %get3A_6 = arith.constant 0 : index
    %get3A_7 = arith.constant 0 : index
    %get3A_8 = arith.constant 0 : index
    %get3A_9 = vector.load %arg1[%get3A_6, %get3A_7, %get3A_8] : memref<2x1000x128xf32, #tpu.memory_space<vmem>>, vector<1x1000x128xf32>
    %get3A_10 = vector.shape_cast %get3A_9 : vector<1x1000x128xf32> to vector<1000x128xf32>
    %get3A_11 = arith.constant 1 : index
    %get3A_12 = arith.constant 0 : index
    %get3A_13 = arith.constant 0 : index
    %get3A_14 = vector.load %arg1[%get3A_11, %get3A_12, %get3A_13] : memref<2x1000x128xf32, #tpu.memory_space<vmem>>, vector<1x1000x128xf32>
    %get3A_15 = vector.shape_cast %get3A_14 : vector<1x1000x128xf32> to vector<1000x128xf32>
    %add3A = arith.addf %get3A_10, %get3A_15 : vector<1000x128xf32>
    %mul3A = vector.broadcast %div3A_5 : vector<1000x1xf32> to vector<1000x128xf32>
    %mul3A_16 = arith.mulf %add3A, %mul3A : vector<1000x128xf32>
    %get3A_17 = arith.constant 0 : index
    %get3A_18 = arith.constant 0 : index
    %get3A_19 = vector.load %arg3[%get3A_17, %get3A_18] : memref<1000x128xf32, #tpu.memory_space<vmem>>, vector<1000x128xf32>
    %add3A_20 = arith.addf %mul3A_16, %get3A_19 : vector<1000x128xf32>
    %swap3A = arith.constant 0 : index
    %swap3A_21 = arith.constant 0 : index
    %swap3A_22 = vector.load %arg4[%swap3A, %swap3A_21] : memref<1000x128xf32, #tpu.memory_space<vmem>>, vector<1000x128xf32>
    tpu.vector_store %arg4[%swap3A, %swap3A_21], %add3A_20 {strides = array<i32>} : memref<1000x128xf32, #tpu.memory_space<vmem>>, vector<1000x128xf32>,
    return
  }
  func.func @transform_0(%arg0: i32) -> (i32, i32, i32) {
    %c0_i32 = arith.constant 0 : i32
    %c0_i32_0 = arith.constant 0 : i32
    %c0_i32_1 = arith.constant 0 : i32
    return %c0_i32, %arg0, %c0_i32_0 : i32, i32, i32
  }
  func.func @transform_1(%arg0: i32) -> (i32, i32) {
    %c0_i32 = arith.constant 0 : i32
    %c0_i32_0 = arith.constant 0 : i32
    return %arg0, %c0_i32 : i32, i32
  }
  func.func @transform_2(%arg0: i32) -> (i32, i32) {
    %c0_i32 = arith.constant 0 : i32
    %c0_i32_0 = arith.constant 0 : i32
    return %arg0, %c0_i32 : i32, i32
  }
  func.func @transform_3(%arg0: i32) -> (i32, i32) {
    %c0_i32 = arith.constant 0 : i32
    %c0_i32_0 = arith.constant 0 : i32
    return %arg0, %c0_i32 : i32, i32
  }
}

</mosaic_0001>

<sc_bundles>
// kernel: kernel.12.cloned.1.call-start
scs
__scs_entry_jumppad:
0x0: {  	(pc) =	sbr.rel $0x88, $3  }
0x1: {  	(tag) =	ssettag $0x0;
	lr =	simm.s32 $0x1  }
0x2: {  	[smem:$0x3F99] =	sst lr;
	_ =	strace $0xD0000000  }
0x3: {  	_ = 	snop  }
0x4: {  	_ = 	snop  }
0x5: {  	_ = 	snop  }
0x6: {  	_ = 	snop  }
0x7: {  	_ = 	snop  }
__scs_overlays_trampoline_lowered:
0x8: {  	[smem:$0x3FA8] =	sst s0  }
0x9: {  	[smem:$0x3FA9] =	sst s1  }
0xa: {  	[smem:$0x3FAA] =	sst s2  }
0xb: {  	[smem:$0x3FAB] =	sst s3  }
0xc: {  	[smem:$0x3FAC] =	sst s4  }
0xd: {  	[smem:$0x3FAD] =	sst s5  }
0xe: {  	[smem:$0x3FAE] =	sst s6  }
0xf: {  	[smem:$0x3FAF] =	sst s7  }
0x10: {  	[smem:$0x3FB0] =	sst s8  }
0x11: {  	[smem:$0x3FB1] =	sst s9;
	s0 =	simm.s32 @!p0 $0x0  }
0x12: {  	s1 =	sld [smem:$0x3F97];
	s0 =	simm.s32 @p0 $0x1  }
0x13: {  	[smem:$0x3FB2] =	sst s0;
	s0 =	simm.s32 @!p1 $0x0  }
0x14: {  	s2 =	sld [smem:$0x3F96];
	s0 =	simm.s32 @p1 $0x1  }
0x15: {  	[smem:$0x3FB3] =	sst s0;
	s0 =	simm.s32 @!p2 $0x0  }
0x16: {  	s3 =	sld [smem:$0x3FDB];
	s0 =	simm.s32 @p2 $0x1  }
0x17: {  	s4 =	simm.s32 $0x1BF5;
	[smem:$0x3FB5] =	sst s0  }
0x18: {  	s0 =	sld [smem:$0x3F98];
	_ =	swait.ge [sflag:s4], $0x0  }
0x19: {  	s7 =	sld [smem:$0x3F99]  }
0x1a: {  	s8 =	sadd.s32 $0xFFFFE003, lr  }
0x1b: {  	s9 =	sadd.s32 $0xFFFFFEF7, lr;
	s5 =	simm.s32 $0xFFFFFFFF;
	p2 =	slt.u32 s8, $0xFFFFF086  }
0x1c: {  	p1 =	slt.u32 s9, $0xF7A;
	s5 =	simm.s32 @!p2 $0x0  }
0x1d: {  	s5 =	simm.s32 @p1 $0x1;
	p0 =	seq.s32 s7, s2  }
0x1e: {  	s7 =	smul.u32 @!p0 $0xF7A, s2;
	p2 =	seq.s32 @!p0 s5, $0x0  }
0x1f: {  	s9 =	smul.u32 $0xF7A, s1;
	s8 =	simm.s32 @!p0 $0x1BF5;
	p2 =	por !p2, p0  }
0x20: {  	[sflag:s8] =	ssyncset.s32 @!p0 $0xFFFFF086;
	s6 =	sadd.s32 @!p0 s3, s7;
	s7 =	simm.s32 @!p0 $0x108  }
0x21: {  	s3 =	sadd.s32 s3, s9;
	s6 =	sadd.s32 @!p0 $0x88, s6;
	s7 =	simm.s32 @p2 $0x1082  }
0x22: {  	[simem:s7], [sflag:s8] =	dma.local @!p0 [hbm:s6], $0xF7A  }
0x23: {  	s9 =	sor.u32 $0xD0000000, s2;
	s6 =	simm.s32 $0x108;
	_ =	swait.ge @!p0 [sflag:s8], $0x0  }
0x24: {  	s3 =	sadd.s32 $0x88, s3;
	s6 =	simm.s32 @!p1 $0x1082;
	[sflag:s4] =	ssyncset.s32 $0xFFFFF086  }
0x25: {  	[simem:s6], [sflag:s4] =	dma.local [hbm:s3], $0xF7A  }
0x26: {  	[smem:$0x3F99] =	sst s1;
	(tag) =	ssettag s2;
	_ =	strace s9  }
0x27: {  	s1 =	sld [smem:$0x3FA9]  }
0x28: {  	s2 =	sld [smem:$0x3FAA]  }
0x29: {  	s4 =	sld [smem:$0x3FAC]  }
0x2a: {  	p0 =	seq.s32 s5, $0x0;
	s5 =	sld [smem:$0x3FAD]  }
0x2b: {  	s6 =	sld [smem:$0x3FAE]  }
0x2c: {  	s7 =	sld [smem:$0x3FAF]  }
0x2d: {  	s3 =	simm.s32 $0x108;
	s8 =	sld [smem:$0x3FB0]  }
0x2e: {  	s3 =	simm.s32 @!p0 $0x1082;
	s9 =	sld [smem:$0x3FB1]  }
0x2f: {  	lr =	sadd.s32 s0, s3;
	s0 =	sld [smem:$0x3FA8]  }
0x30: {  	s3 =	sld [smem:$0x3FAB]  }
0x31: {  	[smem:$0x3FB4] =	sst s10  }
0x32: {  	s10 =	sld [smem:$0x3FB2];
	_ =	sdelay $0x3  }
0x33: {  	p0 =	seq.s32 s10, $0x1;
	s10 =	sld [smem:$0x3FB4];
	_ =	sdelay $0x3  }
0x34: {  	[smem:$0x3FB4] =	sst s10  }
0x35: {  	s10 =	sld [smem:$0x3FB3];
	_ =	sdelay $0x3  }
0x36: {  	p1 =	seq.s32 s10, $0x1;
	s10 =	sld [smem:$0x3FB4];
	_ =	sdelay $0x3  }
0x37: {  	[smem:$0x3FB4] =	sst s10  }
0x38: {  	s10 =	sld [smem:$0x3FB5]  }
0x39: {  	_ = 	snop;
	(pc) =	sbr.ind lr, $3  }
0x3a: {  	_ = 	snop  }
0x3b: {  	_ = 	snop  }
0x3c: {  	p2 =	seq.s32 s10, $0x1;
	s10 =	sld [smem:$0x3FB4]  }
0x3d: {  	_ =	shalt  }
0x3e: {  	_ =	shalt  }
0x3f: {  	_ =	shalt  }
0x40: {  	_ =	shalt  }
0x41: {  	_ =	shalt  }
0x42: {  	_ =	shalt  }
0x43: {  	_ =	shalt  }
0x44: {  	_ =	shalt  }
0x45: {  	_ =	shalt  }
0x46: {  	_ =	shalt  }
0x47: {  	_ =	shalt  }
0x48: {  	_ =	shalt  }
0x49: {  	_ =	shalt  }
0x4a: {  	_ =	shalt  }
0x4b: {  	_ =	shalt  }
0x4c: {  	_ =	shalt  }
0x4d: {  	_ =	shalt  }
0x4e: {  	_ =	shalt  }
0x4f: {  	_ =	shalt  }
0x50: {  	_ =	shalt  }
0x51: {  	_ =	shalt  }
0x52: {  	_ =	shalt  }
0x53: {  	_ =	shalt  }
0x54: {  	_ =	shalt  }
0x55: {  	_ =	shalt  }
0x56: {  	_ =	shalt  }
0x57: {  	_ =	shalt  }
0x58: {  	_ =	shalt  }
0x59: {  	_ =	shalt  }
0x5a: {  	_ =	shalt  }
0x5b: {  	_ =	shalt  }
0x5c: {  	_ =	shalt  }
0x5d: {  	_ =	shalt  }
0x5e: {  	_ =	shalt  }
0x5f: {  	_ =	shalt  }
0x60: {  	_ =	shalt  }
0x61: {  	_ =	shalt  }
0x62: {  	_ =	shalt  }
0x63: {  	_ =	shalt  }
0x64: {  	_ =	shalt  }
0x65: {  	_ =	shalt  }
0x66: {  	_ =	shalt  }
0x67: {  	_ =	shalt  }
0x68: {  	_ =	shalt  }
0x69: {  	_ =	shalt  }
0x6a: {  	_ =	shalt  }
0x6b: {  	_ =	shalt  }
0x6c: {  	_ =	shalt  }
0x6d: {  	_ =	shalt  }
0x6e: {  	_ =	shalt  }
0x6f: {  	_ =	shalt  }
0x70: {  	_ =	shalt  }
0x71: {  	_ =	shalt  }
0x72: {  	_ =	shalt  }
0x73: {  	_ =	shalt  }
0x74: {  	_ =	shalt  }
0x75: {  	_ =	shalt  }
0x76: {  	_ =	shalt  }
0x77: {  	_ =	shalt  }
0x78: {  	_ =	shalt  }
0x79: {  	_ =	shalt  }
0x7a: {  	_ =	shalt  }
0x7b: {  	_ =	shalt  }
0x7c: {  	_ =	shalt  }
0x7d: {  	_ =	shalt  }
0x7e: {  	_ =	shalt  }
0x7f: {  	_ =	shalt  }
0x80: {  	_ =	shalt  }
0x81: {  	_ =	shalt  }
0x82: {  	_ =	shalt  }
0x83: {  	_ =	shalt  }
0x84: {  	_ =	shalt  }
0x85: {  	_ =	shalt  }
0x86: {  	_ =	shalt  }
0x87: {  	_ =	shalt  }
.Lfunc_end0:
.L_simem_size_0:
called_computation.1_lowered:
.L_overlay_start_0:
0x88: {  	s2 =	sld [smem:$0x3FD9]  }
0x89: {  	s3 =	sld [smem:$0x3FFE];
	_ =	sdelay $0x1  }
0x8a: {  	s1 =	srdreg.scid  }
0x8b: {  	s0 =	sand.u32 $0x1, s1  }
0x8c: {  	s17 =	sshll.u32 s0, $0xA;
	s2 =	sadd.s32 s3, s2  }
0x8d: {  	s2 =	sadd.s32 s2, s17  }
0x8e: {  	[smem:$0x3FC0] =	sst s2  }
0x8f: {  	_ = 	snop  }
0x90: {  	s2 =	sld [smem:$0x3FD0];
	(tm) =	ssettm $0x1  }
0x91: {  	s18 =	sld [smem:$0x3FFB];
	_ =	sdelay $0x3  }
0x92: {  	_ =	strace s18  }
0x93: {  	s3 =	sld [smem:$0x3FFC];
	_ =	sdelay $0x3  }
0x94: {  	_ =	strace s3  }
0x95: {  	s3 =	sld [smem:$0x3FFD];
	_ =	sdelay $0x3  }
0x96: {  	_ =	strace s3  }
0x97: {  	_ =	strace $0x8FFFFFFF  }
0x98: {  	s19 =	sld [smem:$0x3FDB];
	_ =	sdelay $0x1  }
0x99: {  	s4 =	simm.s32 $_scs_section_size  }
0x9a: {  	s5 =	simm.s32 $_size__tile_overlayer_lowered;
	s6 =	simm.s32 $_tile_overlayer_lowered  }
0x9b: {  	s22 =	simm.s32 $0x1BFF;
	s21 =	sshll.u32 s6, $0x1;
	s3 =	sadd.s32 s4, s19  }
0x9c: {  	s7 =	simm.s32 $0x0;
	s20 =	sshll.u32 s5, $0x1;
	s5 =	sadd.s32 s21, s3  }
0x9d: {  	[timem:s7], [sflag:s22] =	dma.local [hbm:s5], s20  }
0x9e: {  	_ =	swait.ge [sflag:s22], s20  }
0x9f: {  	s4 =	ssub.s32 $0x0, s20;
	[sflag:s22] =	ssyncset.done $0x0  }
0xa0: {  	[sflag:s22] =	ssyncadd.s32 s4;
	_ =	sdelay $0x1  }
0xa1: {  	s23 =	simm.s32 $0x1B8B  }
0xa2: {  	_ =	swait.ge [sflag:s23], $0x1  }
0xa3: {  	[sflag:s23] =	ssyncset.done $0x0  }
0xa4: {  	s25 =	simm.s32 $0x1B8E;
	s24 =	sld [smem:$0x3FFE];
	[sflag:s23] =	ssyncadd.s32 $0xFFFFFFFF  }
0xa5: {  	s26 =	simm.s32 $execute0_lowered;
	[smem:$0x3FD2] =	sst s25  }
0xa6: {  	s5 =	sshll.u32 s26, $0x1;
	_ =	strace $0x80000049;
	[dreg:$0x1] =	wrdreg $0xFFFFFFFF  }
0xa7: {  	s28 =	simm.s32 $_size_execute0_lowered;
	s3 =	sadd.s32 s3, s5;
	[dreg:$0x0] =	wrdreg $0x0  }
0xa8: {  	s5 =	sshll.u32 s28, $0x1;
	[dreg:$0x2] =	wrdreg s3  }
0xa9: {  	[dreg:$0x3] =	wrdreg s5  }
0xaa: {  	[dreg:$0x4] =	wrdreg $0xC0  }
0xab: {  	_ =	task [dreg:s7], $0x5FFFF  }
0xac: {  	[dreg:$0x1] =	wrdreg $0xFFFFFFFF  }
0xad: {  	[dreg:$0x0] =	wrdreg $0x60  }
0xae: {  	[dreg:$0x2] =	wrdreg s2  }
0xaf: {  	[dreg:$0x3] =	wrdreg s24  }
0xb0: {  	[dreg:$0x4] =	wrdreg $0x0  }
0xb1: {  	[dreg:$0x5] =	wrdreg $0x9  }
0xb2: {  	_ =	task.clear_ibuf [dreg:s7], $0x6FFFF;
	_ =	strace $0x90000049  }
0xb3: {  	s29 =	simm.s32 $0x9;
	_ =	strace $0x8000004B  }
0xb4: {  	_ =	swait.ge [sflag:s29], $0x1  }
0xb5: {  	[sflag:s29] =	ssyncadd.s32 $0xFFFFFFFF  }
0xb6: {  	_ =	strace $0x9000004B  }
0xb7: {  	_ =	sfence  }
0xb8: {  	s30 =	sld [smem:$0x0];
	_ =	sdelay $0x2  }
0xb9: {  	s31 =	sshll.u32 s1, $0xD;
	s1 =	sshrl.u32 s1, $0x2  }
0xba: {  	s3 =	sand.u32 $0x4000, s31;
	s1 =	sadd.s32 s1, s30  }
0xbb: {  	s0 =	sor.u32 s3, s0;
	s1 =	sshll.u32 s1, $0x11  }
0xbc: {  	s0 =	sor.u32 s1, s0  }
0xbd: {  	s0 =	sadd.s32 $0x8F2B, s0  }
0xbe: {  	[sflag:s0] =	ssyncadd.remote.s32 $0x1  }
0xbf: {  	_ =	sfence.sel $0xFFFF  }
0xc0: {  	[dreg:$0x0] =	wrdreg $0xFFFFFFFF;
	(pc) =	sbr.abs _section_cstart, $3  }
0xc1: {  	[dreg:$0x1] =	wrdreg $0xFFFFFFFF  }
0xc2: {  	_ =	task.clear_ibuf [dreg:s7], $0x2FFFF;
	_ =	strace $0x9FFFFFFF  }
0xc3: {  	(tm) =	ssettm $0x7FFFFFFF  }
tec
execute0_lowered:
.L_overlay_start_1:
0x0: {  	(tag) =	ssettag $0x1  }
0x1: {  	s1 =	rddreg [dreg:$0x0]  }
0x2: {  	s0 =	rddreg [dreg:$0x1]  }
0x3: {  	s2 =	rddreg [dreg:$0x2];
	s3 =	srdreg.scid;
	s4 =	simm.s32 $0x0  }
0x4: {  	s26 =	stileid.u32;
	s19 =	simm.s32 $0x15000;
	s20 =	simm.s32 $0x4  }
0x5: {  	s21 =	simm.s32 $0x14000;
	s23 =	simm.s32 $0x80;
	s24 =	simm.s32 $0x1  }
0x6: {  	s28 =	simm.s32 $0x0;
	s7 =	sand.u32 $0x1, s3;
	[smem:$0x7FF] =	sst s4  }
0x7: {  	s9 =	smul.u32 $0x4E000, s26;
	s5 =	sadd.s32 $0x1A00, s0;
	s6 =	sadd.s32 $0xBA00, s0  }
0x8: {  	s13 =	sadd.s32 $0x138000, s2;
	s14 =	sadd.s32 $0x13C000, s2;
	s31 =	smul.u32 $0x2700, s26  }
0x9: {  	p0 =	sne.s32 s26, $0xF;
	s8 =	smul.u32 $0x27100, s7;
	_ =	strace $0x8000004A  }
0xa: {  	s29 =	ssub.s32 $0x2, s7;
	s11 =	sshll.u32 s7, $0x4;
	s9 =	sshrl.u32 s9, $0x2  }
0xb: {  	s10 =	sshrl.u32 s29, $0x1;
	s11 =	sor.u32 s26, s11;
	s26 =	simm.s32 $0x3  }
.Ltmp0:
0xc: {  	s0 =	sadd.s32 s8, s0;
	s7 =	sadd.s32 s9, s2;
	(pc) =	sbr.rel .LBB2_1-.Ltmp0, $4  }
0xd: {  	s18 =	ssub.s32 s29, s10;
	s11 =	smul.u32 $0x500, s11;
	s30 =	sadd.s32 $0x4000, s7  }
0xe: {  	s9 =	sadd.s32 $0x8000, s7;
	s10 =	sadd.s32 $0xC000, s7;
	s12 =	sadd.s32 $0x10000, s7  }
0xf: {  	s17 =	sadd.s32 $0x64600, s0;
	s18 =	smax.u32 s18, $0x1;
	[dreg:$0x4] =	wrdreg s30  }
0x10: {  	v0 =	vimm.f32 $0.0e+00;
	s15 =	sadd.s32 s5, s11;
	s16 =	sadd.s32 s6, s11;
	s25 =	sadd.s32 s31, s17  }
.LBB2_12:
0x11: {  	_ =	swait.ge [sflag:s26], $0x4000  }
0x12: {  	s0 =	stileid.u32;
	[sflag:s26] =	ssyncset.done $0x0  }
0x13: {  	s0 =	sshll.u32 s0, $0x6;
	[sflag:s26] =	ssyncadd.s32 $0xFFFFC000  }
0x14: {  	s3 =	sshrl.u32 s7, $0x3;
	s0 =	sor.u32 $0x1C04, s0;
	[bflag:$0x0] =	sbarrier.arrive $0xFFFF  }
0x15: {  	[hbm:s25], [sflag:s0] =	dma.local [spmem:s3], $0x2700  }
0x16: {  	_ =	swait.ge [sflag:s20], $0x2700  }
0x17: {  	s8 =	sshrl.u32 @!p0 s13, $0x3;
	s28 =	sadd.s32 $0x1, s28;
	[sflag:s20] =	ssyncset.done $0x0  }
0x18: {  	p1 =	sne.s32 s28, s18;
	s3 =	sadd.s32 @!p0 $0x27000, s17;
	[sflag:s20] =	ssyncadd.s32 $0xFFFFD900  }
0x19: {  	[hbm:s3], [sflag:s0] =	dma.local @!p0 [spmem:s8], $0x100  }
.Ltmp1:
0x1a: {  	_ = 	snop;
	(pc) =	sbr.rel @!p1 .LBB2_13-.Ltmp1, $4  }
0x1b: {  	s0 =	simm.s32 @!p0 $0x4  }
0x1c: {  	_ =	swait.ge @!p0 [sflag:s0], $0x100  }
0x1d: {  	[sflag:s0] =	ssyncset.done @!p0 $0x0  }
0x1e: {  	[sflag:s0] =	ssyncadd.s32 @!p0 $0xFFFFFF00  }
.LBB2_1:
0x1f: {  	s29 =	simm.s32 $0x0;
	s0 =	simm.s32 $0x200  }
.LBB2_2:
0x20: {  	p1 =	sne.s32 s0, $0xFE00;
	[tilespmem:s29+$0x15070] =	vst v0  }
0x21: {  	[tilespmem:s29+$0x15000] =	vst v0  }
0x22: {  	[tilespmem:s29+$0x15010] =	vst v0  }
.Ltmp2:
0x23: {  	[tilespmem:s29+$0x15020] =	vst v0;
	(pc) =	sbr.rel @p1 .LBB2_2-.Ltmp2, $4  }
0x24: {  	[tilespmem:s29+$0x15030] =	vst v0  }
0x25: {  	[tilespmem:s29+$0x15040] =	vst v0  }
0x26: {  	[tilespmem:s29+$0x15050] =	vst v0  }
0x27: {  	[tilespmem:s29+$0x15060] =	vst v0;
	s29 =	sshra.s32 s0, $0x2;
	s0 =	sadd.s32 $0x200, s0  }
0x28: {  	[tilespmem:s29+$0x15070] =	vst v0  }
0x29: {  	[tilespmem:s29+$0x15000] =	vst v0  }
0x2a: {  	[tilespmem:s29+$0x15010] =	vst v0  }
0x2b: {  	[tilespmem:s29+$0x15020] =	vst v0  }
0x2c: {  	[tilespmem:s29+$0x15030] =	vst v0  }
0x2d: {  	[tilespmem:s29+$0x15040] =	vst v0  }
0x2e: {  	[tilespmem:s29+$0x15050] =	vst v0  }
0x2f: {  	[tilespmem:s29+$0x15060] =	vst v0  }
0x30: {  	[spmem:s7] =	stream.linear.scatter [tilespmem:s19], [sflag:$0x4], $0x4000, $0x38;
	[tilespmem:$0x1D000] =	vst v63  }
0x31: {  	_ =	swait.ge [sflag:s20], $0x4000  }
0x32: {  	[sflag:s20] =	ssyncset.done $0x0  }
0x33: {  	s0 =	rddreg [dreg:$0x4];
	[sflag:s20] =	ssyncadd.s32 $0xFFFFC000  }
0x34: {  	[spmem:s0] =	stream.linear.scatter [tilespmem:s19], [sflag:$0x4], $0x4000, $0x38;
	[tilespmem:$0x1D000] =	vst v63  }
0x35: {  	_ =	swait.ge [sflag:s20], $0x4000  }
0x36: {  	[sflag:s20] =	ssyncset.done $0x0  }
0x37: {  	[sflag:s20] =	ssyncadd.s32 $0xFFFFC000  }
0x38: {  	[spmem:s9] =	stream.linear.scatter [tilespmem:s19], [sflag:$0x4], $0x4000, $0x38;
	[tilespmem:$0x1D000] =	vst v63  }
0x39: {  	_ =	swait.ge [sflag:s20], $0x4000  }
0x3a: {  	[sflag:s20] =	ssyncset.done $0x0  }
0x3b: {  	[sflag:s20] =	ssyncadd.s32 $0xFFFFC000  }
0x3c: {  	[spmem:s10] =	stream.linear.scatter [tilespmem:s19], [sflag:$0x4], $0x4000, $0x38;
	[tilespmem:$0x1D000] =	vst v63  }
0x3d: {  	_ =	swait.ge [sflag:s20], $0x4000  }
0x3e: {  	[sflag:s20] =	ssyncset.done $0x0  }
0x3f: {  	[sflag:s20] =	ssyncadd.s32 $0xFFFFC000  }
0x40: {  	[spmem:s12] =	stream.linear.scatter [tilespmem:s19], [sflag:$0x4], $0x3800, $0x38;
	[tilespmem:$0x1D000] =	vst v63  }
0x41: {  	_ =	swait.ge [sflag:s20], $0x3800  }
0x42: {  	[sflag:s20] =	ssyncset.done $0x0  }
0x43: {  	s29 =	simm.s32 @!p0 $0x4;
	s0 =	simm.s32 @!p0 $0x15000;
	[sflag:s20] =	ssyncadd.s32 $0xFFFFC800  }
0x44: {  	[spmem:s13] =	stream.linear.scatter @!p0 [tilespmem:s0], [sflag:$0x4], $0x4000, $0x38;
	[tilespmem:$0x1D000] =	vst v63  }
0x45: {  	_ =	swait.ge @!p0 [sflag:s29], $0x4000  }
0x46: {  	[sflag:s29] =	ssyncset.done @!p0 $0x0  }
0x47: {  	[sflag:s29] =	ssyncadd.s32 @!p0 $0xFFFFC000  }
0x48: {  	[spmem:s14] =	stream.linear.scatter @!p0 [tilespmem:s0], [sflag:$0x4], $0x4000, $0x38;
	[tilespmem:$0x1D000] =	vst v63  }
0x49: {  	_ =	swait.ge @!p0 [sflag:s29], $0x4000  }
0x4a: {  	[sflag:s29] =	ssyncset.done @!p0 $0x0  }
0x4b: {  	[sflag:s29] =	ssyncadd.s32 @!p0 $0xFFFFC000;
	s29 =	simm.s32 $0x0  }
0x4c: {  	[tilespmem:s21], [sflag:$0x4] =	stream.linear.gather [hbm4b:s15+s29], $0x400, $0x38;
	[tilespmem:$0x1D000] =	vst v63  }
0x4d: {  	_ =	swait.ge [sflag:s20], $0x400  }
0x4e: {  	[sflag:s20] =	ssyncset.done $0x0  }
0x4f: {  	s31 =	simm.s32 $0x14800;
	[sflag:s20] =	ssyncadd.s32 $0xFFFFFC00  }
0x50: {  	[tilespmem:s31], [sflag:$0x4] =	stream.linear.gather [hbm4b:s16+s29], $0x400, $0x38;
	[tilespmem:$0x1D000] =	vst v63  }
.Ltmp3:
0x51: {  	_ =	swait.ge [sflag:s20], $0x400;
	(pc) =	sbr.rel .LBB2_4-.Ltmp3, $4  }
0x52: {  	[sflag:s20] =	ssyncset.done $0x0  }
0x53: {  	[sflag:s20] =	ssyncadd.s32 $0xFFFFFC00  }
0x54: {  	[bflag:$0x0] =	sbarrier.arrive $0xFFFF  }
0x55: {  	[tilespmem:s19], [sflag:$0x1] =	stream.indirect.gather [hbm4b:s1+s23], $0x80, s21, s23, $0xb8;
	[tilespmem:$0x1D000] =	vst v63  }
.LBB2_9:
0x56: {  	s0 =	simm.s32 $0x1  }
.LBB2_10:
0x57: {  	s3 =	sshll.u32 s0, $0xE;
	s8 =	sshll.u32 s0, $0x7  }
0x58: {  	s3 =	sand.u32 $0x4000, s3;
	s8 =	sand.u32 $0x780, s8  }
0x59: {  	s3 =	sadd.s32 $0x15000, s3;
	s8 =	sor.u32 $0x14000, s8  }
0x5a: {  	[tilespmem:s3], [sflag:$0x1] =	stream.indirect.gather [hbm4b:s1+s23], $0x80, s8, s23, $0xb8;
	[tilespmem:$0x1D000] =	vst v63  }
.LBB2_11:
0x5b: {  	s3 =	sshll.u32 s29, $0xE;
	p1 =	slt.u32 s0, $0x50  }
.Ltmp4:
0x5c: {  	s8 =	sshll.u32 s31, $0xA;
	_ =	swait.ge [sflag:s24], $0x4000;
	(pc) =	sbr.rel @!p1 .LBB2_12-.Ltmp4, $4  }
0x5d: {  	s22 =	sshll.u32 s30, $0x7;
	s29 =	smov.u32 s0;
	s8 =	sand.u32 $0x400, s8  }
0x5e: {  	s3 =	sand.u32 $0x4000, s3;
	[sflag:s24] =	ssyncset.done $0x0;
	s8 =	sor.u32 s22, s8  }
0x5f: {  	s3 =	sadd.s32 $0x15000, s3;
	[sflag:s24] =	ssyncadd.s32 $0xFFFFC000;
	s8 =	sor.u32 $0x14800, s8  }
0x60: {  	[spmem:s2] =	stream.indirect.scatter.add.f32 [tilespmem:s3], [sflag:$0x3], $0x80, s8, s23, $0xb8;
	[tilespmem:$0x1D000] =	vst v63  }
.LBB2_4:
0x61: {  	s30 =	sand.u32 $0x7, s29;
	p1 =	sgt.u32 s29, $0x47  }
0x62: {  	p2 =	seq.s32 @!p1 s30, $0x0  }
0x63: {  	p2 =	por p1, !p2  }
.Ltmp5:
0x64: {  	_ = 	snop;
	(pc) =	sbr.rel @p2 .LBB2_5-.Ltmp5, $2  }
0x65: {  	_ =	sdelay $0x2  }
0x66: {  	s31 =	sshrl.u32 s29, $0x3  }
0x67: {  	s0 =	sadd.s32 $0x1, s31  }
0x68: {  	p1 =	seq.s32 s29, $0x0;
	s3 =	sshll.u32 s0, $0xA;
	s0 =	sshll.u32 s0, $0x7  }
.Ltmp6:
0x69: {  	s3 =	sand.u32 $0x400, s3;
	s0 =	sadd.s32 s11, s0;
	(pc) =	sbr.rel @!p1 .LBB2_6-.Ltmp6, $4  }
.Ltmp7:
0x6a: {  	s22 =	sor.u32 $0x14000, s3;
	s8 =	sadd.s32 s5, s0;
	(pc) =	sbr.rel @p1 .LBB2_9-.Ltmp7, $4  }
0x6b: {  	[tilespmem:s22], [sflag:$0x2] =	stream.linear.gather [hbm4b:s8+s4], $0x400, $0x38;
	[tilespmem:$0x1D000] =	vst v63  }
0x6c: {  	s3 =	sor.u32 $0x14800, s3;
	s0 =	sadd.s32 s6, s0  }
0x6d: {  	[tilespmem:s3], [sflag:$0x2] =	stream.linear.gather [hbm4b:s0+s4], $0x400, $0x38;
	[tilespmem:$0x1D000] =	vst v63  }
0x6e: {  	_ = 	snop  }
.LBB2_5:
0x6f: {  	p2 =	sne.s32 @!p1 s30, $0x7  }
0x70: {  	p1 =	por p2, p1  }
0x71: {  	s0 =	simm.s32 @!p1 $0x2  }
0x72: {  	_ =	swait.ge @!p1 [sflag:s0], $0x400  }
0x73: {  	[sflag:s0] =	ssyncset.done @!p1 $0x0  }
0x74: {  	[sflag:s0] =	ssyncadd.s32 @!p1 $0xFFFFFC00  }
0x75: {  	_ =	swait.ge @!p1 [sflag:s0], $0x400  }
0x76: {  	[sflag:s0] =	ssyncset.done @!p1 $0x0  }
0x77: {  	[sflag:s0] =	ssyncadd.s32 @!p1 $0xFFFFFC00  }
.LBB2_6:
0x78: {  	p1 =	seq.s32 s29, $0x4F  }
.Ltmp8:
0x79: {  	_ = 	snop;
	(pc) =	sbr.rel @p1 .LBB2_11-.Ltmp8, $4  }
0x7a: {  	_ = 	snop  }
0x7b: {  	_ =	swait.ge [sflag:s26], $0x4000  }
0x7c: {  	[sflag:s26] =	ssyncset.done $0x0  }
0x7d: {  	s0 =	simm.s32 $0x50;
	[sflag:s26] =	ssyncadd.s32 $0xFFFFC000  }
.Ltmp9:
0x7e: {  	(pc) =	sbr.rel .LBB2_10-.Ltmp9, $2  }
0x7f: {  	_ =	sdelay $0x2  }
0x80: {  	s0 =	sadd.s32 $0x1, s29  }
.LBB2_13:
0x81: {  	_ =	sfence.sel $0x180000  }
0x82: {  	[bflag:$0x0] =	sbarrier.arrive $0xFFFF  }
0x83: {  	_ =	strace $0x9000004A  }
0x84: {  	s0 =	stileid.u32;
	[bflag:$0x2] =	sbarrier.arrive $0xFFFF  }
0x85: {  	p0 =	sne.s32 s0, $0x0;
	s0 =	rddreg [dreg:$0x3]  }
0x86: {  	s0 =	sadd.s32 @!p0 $0x100000, s0  }
0x87: {  	[sflag:s0] =	ssyncadd.tile.s32 @!p0 $0x1;
	_ =	shalt  }
.Lfunc_end2:
_tile_overlayer_lowered:
.L_overlay_start_2:
0x88: {  	(tag) =	ssettag $0x2  }
0x89: {  	s0 =	rddreg [dreg:$0x0];
	s2 =	stileid.u32  }
0x8a: {  	s1 =	rddreg [dreg:$0x1];
	p0 =	sne.s32 s2, $0x0  }
0x8b: {  	s3 =	rddreg [dreg:$0x2];
	[bflag:$0x3] =	sbarrier.arrive $0xFFFF;
	s2 =	simm.s32 @!p0 $0x1C04  }
0x8c: {  	[timem:s3], [sflag:s2] =	dma.local @!p0 [hbm:s0], s1  }
0x8d: {  	s0 =	simm.s32 @!p0 $0x4  }
0x8e: {  	_ =	swait.ge @!p0 [sflag:s0], s1  }
0x8f: {  	s1 =	ssub.s32 @!p0 $0x0, s1;
	[sflag:s0] =	ssyncset.done @!p0 $0x0  }
0x90: {  	[sflag:s0] =	ssyncadd.s32 @!p0 s1  }
0x91: {  	[bflag:$0x3] =	sbarrier.arrive $0xFFFF  }
0x92: {  	_ =	shalt  }

// kernel: kernel.9.cloned.1.call-start
scs
__scs_entry_jumppad:
0x0: {  	(pc) =	sbr.rel $0x88, $3  }
0x1: {  	(tag) =	ssettag $0x0;
	lr =	simm.s32 $0x1  }
0x2: {  	[smem:$0x3F99] =	sst lr;
	_ =	strace $0xD0000000  }
0x3: {  	_ = 	snop  }
0x4: {  	_ = 	snop  }
0x5: {  	_ = 	snop  }
0x6: {  	_ = 	snop  }
0x7: {  	_ = 	snop  }
__scs_overlays_trampoline_lowered:
0x8: {  	[smem:$0x3FA8] =	sst s0  }
0x9: {  	[smem:$0x3FA9] =	sst s1  }
0xa: {  	[smem:$0x3FAA] =	sst s2  }
0xb: {  	[smem:$0x3FAB] =	sst s3  }
0xc: {  	[smem:$0x3FAC] =	sst s4  }
0xd: {  	[smem:$0x3FAD] =	sst s5  }
0xe: {  	[smem:$0x3FAE] =	sst s6  }
0xf: {  	[smem:$0x3FAF] =	sst s7  }
0x10: {  	[smem:$0x3FB0] =	sst s8  }
0x11: {  	[smem:$0x3FB1] =	sst s9;
	s0 =	simm.s32 @!p0 $0x0  }
0x12: {  	s1 =	sld [smem:$0x3F97];
	s0 =	simm.s32 @p0 $0x1  }
0x13: {  	[smem:$0x3FB2] =	sst s0;
	s0 =	simm.s32 @!p1 $0x0  }
0x14: {  	s2 =	sld [smem:$0x3F96];
	s0 =	simm.s32 @p1 $0x1  }
0x15: {  	[smem:$0x3FB3] =	sst s0;
	s0 =	simm.s32 @!p2 $0x0  }
0x16: {  	s3 =	sld [smem:$0x3FDB];
	s0 =	simm.s32 @p2 $0x1  }
0x17: {  	s4 =	simm.s32 $0x1BF5;
	[smem:$0x3FB5] =	sst s0  }
0x18: {  	s0 =	sld [smem:$0x3F98];
	_ =	swait.ge [sflag:s4], $0x0  }
0x19: {  	s7 =	sld [smem:$0x3F99]  }
0x1a: {  	s8 =	sadd.s32 $0xFFFFE003, lr  }
0x1b: {  	s9 =	sadd.s32 $0xFFFFFEF7, lr;
	s5 =	simm.s32 $0xFFFFFFFF;
	p2 =	slt.u32 s8, $0xFFFFF086  }
0x1c: {  	p1 =	slt.u32 s9, $0xF7A;
	s5 =	simm.s32 @!p2 $0x0  }
0x1d: {  	s5 =	simm.s32 @p1 $0x1;
	p0 =	seq.s32 s7, s2  }
0x1e: {  	s7 =	smul.u32 @!p0 $0xF7A, s2;
	p2 =	seq.s32 @!p0 s5, $0x0  }
0x1f: {  	s9 =	smul.u32 $0xF7A, s1;
	s8 =	simm.s32 @!p0 $0x1BF5;
	p2 =	por !p2, p0  }
0x20: {  	[sflag:s8] =	ssyncset.s32 @!p0 $0xFFFFF086;
	s6 =	sadd.s32 @!p0 s3, s7;
	s7 =	simm.s32 @!p0 $0x108  }
0x21: {  	s3 =	sadd.s32 s3, s9;
	s6 =	sadd.s32 @!p0 $0x88, s6;
	s7 =	simm.s32 @p2 $0x1082  }
0x22: {  	[simem:s7], [sflag:s8] =	dma.local @!p0 [hbm:s6], $0xF7A  }
0x23: {  	s9 =	sor.u32 $0xD0000000, s2;
	s6 =	simm.s32 $0x108;
	_ =	swait.ge @!p0 [sflag:s8], $0x0  }
0x24: {  	s3 =	sadd.s32 $0x88, s3;
	s6 =	simm.s32 @!p1 $0x1082;
	[sflag:s4] =	ssyncset.s32 $0xFFFFF086  }
0x25: {  	[simem:s6], [sflag:s4] =	dma.local [hbm:s3], $0xF7A  }
0x26: {  	[smem:$0x3F99] =	sst s1;
	(tag) =	ssettag s2;
	_ =	strace s9  }
0x27: {  	s1 =	sld [smem:$0x3FA9]  }
0x28: {  	s2 =	sld [smem:$0x3FAA]  }
0x29: {  	s4 =	sld [smem:$0x3FAC]  }
0x2a: {  	p0 =	seq.s32 s5, $0x0;
	s5 =	sld [smem:$0x3FAD]  }
0x2b: {  	s6 =	sld [smem:$0x3FAE]  }
0x2c: {  	s7 =	sld [smem:$0x3FAF]  }
0x2d: {  	s3 =	simm.s32 $0x108;
	s8 =	sld [smem:$0x3FB0]  }
0x2e: {  	s3 =	simm.s32 @!p0 $0x1082;
	s9 =	sld [smem:$0x3FB1]  }
0x2f: {  	lr =	sadd.s32 s0, s3;
	s0 =	sld [smem:$0x3FA8]  }
0x30: {  	s3 =	sld [smem:$0x3FAB]  }
0x31: {  	[smem:$0x3FB4] =	sst s10  }
0x32: {  	s10 =	sld [smem:$0x3FB2];
	_ =	sdelay $0x3  }
0x33: {  	p0 =	seq.s32 s10, $0x1;
	s10 =	sld [smem:$0x3FB4];
	_ =	sdelay $0x3  }
0x34: {  	[smem:$0x3FB4] =	sst s10  }
0x35: {  	s10 =	sld [smem:$0x3FB3];
	_ =	sdelay $0x3  }
0x36: {  	p1 =	seq.s32 s10, $0x1;
	s10 =	sld [smem:$0x3FB4];
	_ =	sdelay $0x3  }
0x37: {  	[smem:$0x3FB4] =	sst s10  }
0x38: {  	s10 =	sld [smem:$0x3FB5]  }
0x39: {  	_ = 	snop;
	(pc) =	sbr.ind lr, $3  }
0x3a: {  	_ = 	snop  }
0x3b: {  	_ = 	snop  }
0x3c: {  	p2 =	seq.s32 s10, $0x1;
	s10 =	sld [smem:$0x3FB4]  }
0x3d: {  	_ =	shalt  }
0x3e: {  	_ =	shalt  }
0x3f: {  	_ =	shalt  }
0x40: {  	_ =	shalt  }
0x41: {  	_ =	shalt  }
0x42: {  	_ =	shalt  }
0x43: {  	_ =	shalt  }
0x44: {  	_ =	shalt  }
0x45: {  	_ =	shalt  }
0x46: {  	_ =	shalt  }
0x47: {  	_ =	shalt  }
0x48: {  	_ =	shalt  }
0x49: {  	_ =	shalt  }
0x4a: {  	_ =	shalt  }
0x4b: {  	_ =	shalt  }
0x4c: {  	_ =	shalt  }
0x4d: {  	_ =	shalt  }
0x4e: {  	_ =	shalt  }
0x4f: {  	_ =	shalt  }
0x50: {  	_ =	shalt  }
0x51: {  	_ =	shalt  }
0x52: {  	_ =	shalt  }
0x53: {  	_ =	shalt  }
0x54: {  	_ =	shalt  }
0x55: {  	_ =	shalt  }
0x56: {  	_ =	shalt  }
0x57: {  	_ =	shalt  }
0x58: {  	_ =	shalt  }
0x59: {  	_ =	shalt  }
0x5a: {  	_ =	shalt  }
0x5b: {  	_ =	shalt  }
0x5c: {  	_ =	shalt  }
0x5d: {  	_ =	shalt  }
0x5e: {  	_ =	shalt  }
0x5f: {  	_ =	shalt  }
0x60: {  	_ =	shalt  }
0x61: {  	_ =	shalt  }
0x62: {  	_ =	shalt  }
0x63: {  	_ =	shalt  }
0x64: {  	_ =	shalt  }
0x65: {  	_ =	shalt  }
0x66: {  	_ =	shalt  }
0x67: {  	_ =	shalt  }
0x68: {  	_ =	shalt  }
0x69: {  	_ =	shalt  }
0x6a: {  	_ =	shalt  }
0x6b: {  	_ =	shalt  }
0x6c: {  	_ =	shalt  }
0x6d: {  	_ =	shalt  }
0x6e: {  	_ =	shalt  }
0x6f: {  	_ =	shalt  }
0x70: {  	_ =	shalt  }
0x71: {  	_ =	shalt  }
0x72: {  	_ =	shalt  }
0x73: {  	_ =	shalt  }
0x74: {  	_ =	shalt  }
0x75: {  	_ =	shalt  }
0x76: {  	_ =	shalt  }
0x77: {  	_ =	shalt  }
0x78: {  	_ =	shalt  }
0x79: {  	_ =	shalt  }
0x7a: {  	_ =	shalt  }
0x7b: {  	_ =	shalt  }
0x7c: {  	_ =	shalt  }
0x7d: {  	_ =	shalt  }
0x7e: {  	_ =	shalt  }
0x7f: {  	_ =	shalt  }
0x80: {  	_ =	shalt  }
0x81: {  	_ =	shalt  }
0x82: {  	_ =	shalt  }
0x83: {  	_ =	shalt  }
0x84: {  	_ =	shalt  }
0x85: {  	_ =	shalt  }
0x86: {  	_ =	shalt  }
0x87: {  	_ =	shalt  }
.Lfunc_end0:
.L_simem_size_0:
called_computation_lowered:
.L_overlay_start_0:
0x88: {  	s2 =	sld [smem:$0x3FD9]  }
0x89: {  	s3 =	sld [smem:$0x3FFE];
	_ =	sdelay $0x1  }
0x8a: {  	s1 =	srdreg.scid  }
0x8b: {  	s0 =	sand.u32 $0x1, s1  }
0x8c: {  	s17 =	sshll.u32 s0, $0xA;
	s2 =	sadd.s32 s3, s2  }
0x8d: {  	s2 =	sadd.s32 s2, s17  }
0x8e: {  	[smem:$0x3FC0] =	sst s2  }
0x8f: {  	_ = 	snop  }
0x90: {  	s2 =	sld [smem:$0x3FD0];
	(tm) =	ssettm $0x1  }
0x91: {  	s18 =	sld [smem:$0x3FFB];
	_ =	sdelay $0x3  }
0x92: {  	_ =	strace s18  }
0x93: {  	s3 =	sld [smem:$0x3FFC];
	_ =	sdelay $0x3  }
0x94: {  	_ =	strace s3  }
0x95: {  	s3 =	sld [smem:$0x3FFD];
	_ =	sdelay $0x3  }
0x96: {  	_ =	strace s3  }
0x97: {  	_ =	strace $0x8FFFFFFF  }
0x98: {  	s19 =	sld [smem:$0x3FDB];
	_ =	sdelay $0x1  }
0x99: {  	s4 =	simm.s32 $_scs_section_size  }
0x9a: {  	s5 =	simm.s32 $_size__tile_overlayer_lowered;
	s6 =	simm.s32 $_tile_overlayer_lowered  }
0x9b: {  	s22 =	simm.s32 $0x1BFF;
	s21 =	sshll.u32 s6, $0x1;
	s3 =	sadd.s32 s4, s19  }
0x9c: {  	s7 =	simm.s32 $0x0;
	s20 =	sshll.u32 s5, $0x1;
	s5 =	sadd.s32 s21, s3  }
0x9d: {  	[timem:s7], [sflag:s22] =	dma.local [hbm:s5], s20  }
0x9e: {  	_ =	swait.ge [sflag:s22], s20  }
0x9f: {  	s4 =	ssub.s32 $0x0, s20;
	[sflag:s22] =	ssyncset.done $0x0  }
0xa0: {  	[sflag:s22] =	ssyncadd.s32 s4;
	_ =	sdelay $0x1  }
0xa1: {  	s23 =	simm.s32 $0x1B8B  }
0xa2: {  	_ =	swait.ge [sflag:s23], $0x1  }
0xa3: {  	[sflag:s23] =	ssyncset.done $0x0  }
0xa4: {  	s25 =	simm.s32 $0x1B8E;
	s24 =	sld [smem:$0x3FFE];
	[sflag:s23] =	ssyncadd.s32 $0xFFFFFFFF  }
0xa5: {  	s26 =	simm.s32 $execute0_lowered;
	[smem:$0x3FD2] =	sst s25  }
0xa6: {  	s5 =	sshll.u32 s26, $0x1;
	_ =	strace $0x80000046;
	[dreg:$0x1] =	wrdreg $0xFFFFFFFF  }
0xa7: {  	s28 =	simm.s32 $_size_execute0_lowered;
	s3 =	sadd.s32 s3, s5;
	[dreg:$0x0] =	wrdreg $0x0  }
0xa8: {  	s5 =	sshll.u32 s28, $0x1;
	[dreg:$0x2] =	wrdreg s3  }
0xa9: {  	[dreg:$0x3] =	wrdreg s5  }
0xaa: {  	[dreg:$0x4] =	wrdreg $0xC0  }
0xab: {  	_ =	task [dreg:s7], $0x5FFFF  }
0xac: {  	[dreg:$0x1] =	wrdreg $0xFFFFFFFF  }
0xad: {  	[dreg:$0x0] =	wrdreg $0x60  }
0xae: {  	[dreg:$0x2] =	wrdreg s2  }
0xaf: {  	[dreg:$0x3] =	wrdreg s24  }
0xb0: {  	[dreg:$0x4] =	wrdreg $0x0  }
0xb1: {  	[dreg:$0x5] =	wrdreg $0x140000  }
0xb2: {  	[dreg:$0x6] =	wrdreg $0x9  }
0xb3: {  	_ =	task.clear_ibuf [dreg:s7], $0x7FFFF;
	_ =	strace $0x90000046  }
0xb4: {  	s29 =	simm.s32 $0x9;
	_ =	strace $0x80000048  }
0xb5: {  	_ =	swait.ge [sflag:s29], $0x1  }
0xb6: {  	[sflag:s29] =	ssyncadd.s32 $0xFFFFFFFF  }
0xb7: {  	_ =	strace $0x90000048  }
0xb8: {  	_ =	sfence  }
0xb9: {  	s30 =	sld [smem:$0x0];
	_ =	sdelay $0x2  }
0xba: {  	s31 =	sshll.u32 s1, $0xD;
	s1 =	sshrl.u32 s1, $0x2  }
0xbb: {  	s3 =	sand.u32 $0x4000, s31;
	s1 =	sadd.s32 s1, s30  }
0xbc: {  	s0 =	sor.u32 s3, s0;
	s1 =	sshll.u32 s1, $0x11  }
0xbd: {  	s0 =	sor.u32 s1, s0  }
0xbe: {  	s0 =	sadd.s32 $0x8F2B, s0  }
0xbf: {  	[sflag:s0] =	ssyncadd.remote.s32 $0x1  }
0xc0: {  	_ =	sfence.sel $0xFFFF  }
0xc1: {  	[dreg:$0x0] =	wrdreg $0xFFFFFFFF;
	(pc) =	sbr.abs _section_cstart, $3  }
0xc2: {  	[dreg:$0x1] =	wrdreg $0xFFFFFFFF  }
0xc3: {  	_ =	task.clear_ibuf [dreg:s7], $0x2FFFF;
	_ =	strace $0x9FFFFFFF  }
0xc4: {  	(tm) =	ssettm $0x7FFFFFFF  }
0xc5: {  	_ =	shalt  }
tec
execute0_lowered:
.L_overlay_start_1:
0x0: {  	(tag) =	ssettag $0x1  }
0x1: {  	s1 =	rddreg [dreg:$0x0]  }
0x2: {  	s0 =	rddreg [dreg:$0x1]  }
0x3: {  	s2 =	rddreg [dreg:$0x2]  }
0x4: {  	s3 =	rddreg [dreg:$0x3];
	s4 =	simm.s32 $0x0;
	s5 =	srdreg.scid  }
0x5: {  	s13 =	stileid.u32;
	s29 =	simm.s32 $0x80;
	s30 =	simm.s32 $0x1  }
0x6: {  	s31 =	simm.s32 $0x1D280;
	[smem:$0x7FF] =	sst s4;
	s9 =	smul.u32 $0x4E000, s13  }
0x7: {  	s5 =	sand.u32 $0x1, s5;
	s6 =	sadd.s32 $0x1A00, s0;
	s12 =	smul.u32 $0xA00, s13  }
0x8: {  	s7 =	sadd.s32 $0xBA00, s0;
	s15 =	sadd.s32 $0x138000, s2;
	s26 =	smul.u32 $0x2700, s13  }
0x9: {  	s25 =	sadd.s32 $0x13C000, s2;
	s28 =	smul.u32 $0xA0, s13;
	p0 =	sne.s32 s13, $0xF  }
0xa: {  	s8 =	smul.u32 $0x27100, s5;
	_ =	strace $0x80000047;
	s11 =	sshll.u32 s5, $0x4  }
0xb: {  	s5 =	ssub.s32 $0x2, s5;
	[dreg:$0x9] =	wrdreg s25;
	s18 =	sshrl.u32 s9, $0x2  }
0xc: {  	s19 =	sshrl.u32 s5, $0x1;
	s20 =	sor.u32 s13, s11;
	s14 =	sshrl.u32 s12, $0x2  }
0xd: {  	s10 =	sadd.s32 s8, s0;
	s0 =	sadd.s32 s11, s0;
	s8 =	sadd.s32 s18, s2  }
0xe: {  	s5 =	ssub.s32 s5, s19;
	s11 =	smul.u32 $0x500, s20;
	s21 =	sadd.s32 $0x4000, s8  }
0xf: {  	s14 =	sadd.s32 s14, s3;
	s22 =	sadd.s32 $0x8000, s8;
	[dreg:$0x5] =	wrdreg s21  }
0x10: {  	s23 =	sadd.s32 $0xC000, s8;
	s24 =	sadd.s32 $0x10000, s8;
	[dreg:$0x6] =	wrdreg s22  }
.Ltmp0:
0x11: {  	s19 =	sadd.s32 $0x16400, s10;
	[dreg:$0x7] =	wrdreg s23;
	(pc) =	sbr.rel .LBB2_1-.Ltmp0, $4  }
0x12: {  	s0 =	sadd.s32 $0x15A00, s0;
	s20 =	smax.u32 s5, $0x1;
	[dreg:$0x8] =	wrdreg s24  }
0x13: {  	s17 =	sadd.s32 s6, s11;
	s18 =	sadd.s32 s7, s11;
	s21 =	simm.s32 $0x15280  }
0x14: {  	s22 =	simm.s32 $0x4;
	s23 =	sadd.s32 s28, s0;
	s25 =	sadd.s32 s26, s19  }
0x15: {  	v0 =	vimm.f32 $0.0e+00;
	v1 =	vimm.f32 $1.000000000e+00;
	s26 =	simm.s32 $0x14280;
	s0 =	simm.s32 $0x3;
	s24 =	simm.s32 $0x0  }
.LBB2_12:
0x16: {  	_ =	swait.ge [sflag:s0], $0x4000  }
0x17: {  	s5 =	stileid.u32;
	[sflag:s0] =	ssyncset.done $0x0  }
0x18: {  	s5 =	sshll.u32 s5, $0x6;
	[sflag:s0] =	ssyncadd.s32 $0xFFFFC000  }
0x19: {  	s9 =	sshrl.u32 s8, $0x3;
	s5 =	sor.u32 $0x1C04, s5;
	[bflag:$0x0] =	sbarrier.arrive $0xFFFF  }
0x1a: {  	[hbm:s25], [sflag:s5] =	dma.local [spmem:s9], $0x2700  }
0x1b: {  	_ =	swait.ge [sflag:s22], $0x2700  }
0x1c: {  	s28 =	sshrl.u32 s14, $0x3;
	[sflag:s22] =	ssyncset.done $0x0  }
0x1d: {  	s10 =	simm.s32 $0x20;
	s12 =	simm.s32 $0x10;
	[sflag:s22] =	ssyncadd.s32 $0xFFFFD900  }
0x1e: {  	[hbm:s23@s10], [sflag:s5] =	dma.strided [spmem:s28@s12], $0x50, s30, $0x10   }
0x1f: {  	s24 =	sadd.s32 $0x1, s24;
	_ =	swait.ge [sflag:s22], $0x50  }
0x20: {  	p1 =	sne.s32 s24, s20;
	[sflag:s22] =	ssyncset.done $0x0  }
0x21: {  	s9 =	sadd.s32 @!p0 $0x27000, s19;
	s10 =	sshrl.u32 @!p0 s15, $0x3;
	[sflag:s22] =	ssyncadd.s32 $0xFFFFFFB0  }
0x22: {  	[hbm:s9], [sflag:s5] =	dma.local @!p0 [spmem:s10], $0x100  }
.Ltmp1:
0x23: {  	_ = 	snop;
	(pc) =	sbr.rel @!p1 .LBB2_13-.Ltmp1, $4  }
0x24: {  	s5 =	simm.s32 @!p0 $0x4  }
0x25: {  	_ =	swait.ge @!p0 [sflag:s5], $0x100  }
0x26: {  	[sflag:s5] =	ssyncset.done @!p0 $0x0  }
0x27: {  	[sflag:s5] =	ssyncadd.s32 @!p0 $0xFFFFFF00  }
.LBB2_1:
0x28: {  	s5 =	simm.s32 $0x0;
	s9 =	simm.s32 $0x200  }
.LBB2_2:
0x29: {  	p1 =	sne.s32 s9, $0xFE00;
	[tilespmem:s5+$0x152F0] =	vst v0  }
0x2a: {  	[tilespmem:s5+$0x15280] =	vst v0  }
0x2b: {  	[tilespmem:s5+$0x15290] =	vst v0  }
.Ltmp2:
0x2c: {  	[tilespmem:s5+$0x152A0] =	vst v0;
	(pc) =	sbr.rel @p1 .LBB2_2-.Ltmp2, $4  }
0x2d: {  	[tilespmem:s5+$0x152B0] =	vst v0  }
0x2e: {  	[tilespmem:s5+$0x152C0] =	vst v0  }
0x2f: {  	[tilespmem:s5+$0x152D0] =	vst v0  }
0x30: {  	[tilespmem:s5+$0x152E0] =	vst v0;
	s5 =	sshra.s32 s9, $0x2;
	s9 =	sadd.s32 $0x200, s9  }
0x31: {  	[tilespmem:s5+$0x152F0] =	vst v0  }
0x32: {  	[tilespmem:s5+$0x15280] =	vst v0  }
0x33: {  	[tilespmem:s5+$0x15290] =	vst v0  }
0x34: {  	[tilespmem:s5+$0x152A0] =	vst v0  }
0x35: {  	[tilespmem:s5+$0x152B0] =	vst v0  }
0x36: {  	[tilespmem:s5+$0x152C0] =	vst v0  }
0x37: {  	[tilespmem:s5+$0x152D0] =	vst v0  }
0x38: {  	[tilespmem:s5+$0x152E0] =	vst v0  }
0x39: {  	[spmem:s8] =	stream.linear.scatter [tilespmem:s21], [sflag:$0x4], $0x4000, $0x38;
	[tilespmem:$0x1D580] =	vst v63  }
0x3a: {  	_ =	swait.ge [sflag:s22], $0x4000  }
0x3b: {  	[sflag:s22] =	ssyncset.done $0x0  }
0x3c: {  	s16 =	rddreg [dreg:$0x5];
	[sflag:s22] =	ssyncadd.s32 $0xFFFFC000  }
0x3d: {  	[spmem:s16] =	stream.linear.scatter [tilespmem:s21], [sflag:$0x4], $0x4000, $0x38;
	[tilespmem:$0x1D580] =	vst v63  }
0x3e: {  	_ =	swait.ge [sflag:s22], $0x4000  }
0x3f: {  	[sflag:s22] =	ssyncset.done $0x0  }
0x40: {  	s9 =	rddreg [dreg:$0x6];
	[sflag:s22] =	ssyncadd.s32 $0xFFFFC000  }
0x41: {  	[spmem:s9] =	stream.linear.scatter [tilespmem:s21], [sflag:$0x4], $0x4000, $0x38;
	[tilespmem:$0x1D580] =	vst v63  }
0x42: {  	_ =	swait.ge [sflag:s22], $0x4000  }
0x43: {  	[sflag:s22] =	ssyncset.done $0x0  }
0x44: {  	s10 =	rddreg [dreg:$0x7];
	[sflag:s22] =	ssyncadd.s32 $0xFFFFC000  }
0x45: {  	[spmem:s10] =	stream.linear.scatter [tilespmem:s21], [sflag:$0x4], $0x4000, $0x38;
	[tilespmem:$0x1D580] =	vst v63  }
0x46: {  	_ =	swait.ge [sflag:s22], $0x4000  }
0x47: {  	[sflag:s22] =	ssyncset.done $0x0  }
0x48: {  	s12 =	rddreg [dreg:$0x8];
	[sflag:s22] =	ssyncadd.s32 $0xFFFFC000  }
0x49: {  	[spmem:s12] =	stream.linear.scatter [tilespmem:s21], [sflag:$0x4], $0x3800, $0x38;
	[tilespmem:$0x1D580] =	vst v63  }
0x4a: {  	_ =	swait.ge [sflag:s22], $0x3800  }
0x4b: {  	[sflag:s22] =	ssyncset.done $0x0  }
0x4c: {  	[sflag:s22] =	ssyncadd.s32 $0xFFFFC800  }
0x4d: {  	[tilespmem:$0x1D300] =	vst v0  }
0x4e: {  	[tilespmem:$0x1D310] =	vst v0  }
0x4f: {  	[tilespmem:$0x1D320] =	vst v0  }
0x50: {  	[tilespmem:$0x1D330] =	vst v0  }
0x51: {  	[tilespmem:$0x1D340] =	vst v0  }
0x52: {  	[tilespmem:$0x1D350] =	vst v0  }
0x53: {  	[tilespmem:$0x1D360] =	vst v0  }
0x54: {  	[tilespmem:$0x1D370] =	vst v0  }
0x55: {  	[tilespmem:$0x1D380] =	vst v0  }
0x56: {  	[tilespmem:$0x1D390] =	vst v0  }
0x57: {  	[tilespmem:$0x1D3A0] =	vst v0  }
0x58: {  	[tilespmem:$0x1D3B0] =	vst v0  }
0x59: {  	[tilespmem:$0x1D3C0] =	vst v0  }
0x5a: {  	[tilespmem:$0x1D3D0] =	vst v0  }
0x5b: {  	[tilespmem:$0x1D3E0] =	vst v0  }
0x5c: {  	[tilespmem:$0x1D3F0] =	vst v0  }
0x5d: {  	[tilespmem:$0x1D400] =	vst v0  }
0x5e: {  	[tilespmem:$0x1D410] =	vst v0  }
0x5f: {  	[tilespmem:$0x1D420] =	vst v0  }
0x60: {  	[tilespmem:$0x1D430] =	vst v0  }
0x61: {  	[tilespmem:$0x1D440] =	vst v0  }
0x62: {  	[tilespmem:$0x1D450] =	vst v0  }
0x63: {  	[tilespmem:$0x1D460] =	vst v0  }
0x64: {  	[tilespmem:$0x1D470] =	vst v0  }
0x65: {  	[tilespmem:$0x1D480] =	vst v0  }
0x66: {  	[tilespmem:$0x1D490] =	vst v0  }
0x67: {  	[tilespmem:$0x1D4A0] =	vst v0  }
0x68: {  	[tilespmem:$0x1D4B0] =	vst v0  }
0x69: {  	[tilespmem:$0x1D4C0] =	vst v0  }
0x6a: {  	[tilespmem:$0x1D4D0] =	vst v0  }
0x6b: {  	[tilespmem:$0x1D4E0] =	vst v0  }
0x6c: {  	[tilespmem:$0x1D4F0] =	vst v0  }
0x6d: {  	[tilespmem:$0x1D500] =	vst v0  }
0x6e: {  	[tilespmem:$0x1D510] =	vst v0  }
0x6f: {  	[tilespmem:$0x1D520] =	vst v0  }
0x70: {  	[tilespmem:$0x1D530] =	vst v0  }
0x71: {  	[tilespmem:$0x1D540] =	vst v0  }
0x72: {  	[tilespmem:$0x1D550] =	vst v0  }
0x73: {  	[tilespmem:$0x1D560] =	vst v0  }
0x74: {  	s13 =	simm.s32 $0x1D300;
	[tilespmem:$0x1D570] =	vst v0  }
0x75: {  	[spmem:s14] =	stream.linear.scatter [tilespmem:s13], [sflag:$0x4], $0x280, $0x38;
	[tilespmem:$0x1D580] =	vst v63  }
0x76: {  	_ =	swait.ge [sflag:s22], $0x280  }
0x77: {  	[sflag:s22] =	ssyncset.done $0x0  }
0x78: {  	[sflag:s22] =	ssyncadd.s32 $0xFFFFFD80  }
0x79: {  	[tilespmem:$0x1D280] =	vst v1  }
0x7a: {  	[tilespmem:$0x1D290] =	vst v1  }
0x7b: {  	[tilespmem:$0x1D2A0] =	vst v1  }
0x7c: {  	[tilespmem:$0x1D2B0] =	vst v1  }
0x7d: {  	[tilespmem:$0x1D2C0] =	vst v1  }
0x7e: {  	[tilespmem:$0x1D2D0] =	vst v1  }
0x7f: {  	[tilespmem:$0x1D2E0] =	vst v1  }
0x80: {  	s5 =	simm.s32 @!p0 $0x15280;
	s9 =	simm.s32 @!p0 $0x4;
	[tilespmem:$0x1D2F0] =	vst v1  }
0x81: {  	[spmem:s15] =	stream.linear.scatter @!p0 [tilespmem:s5], [sflag:$0x4], $0x4000, $0x38;
	[tilespmem:$0x1D580] =	vst v63  }
0x82: {  	_ =	swait.ge @!p0 [sflag:s9], $0x4000  }
0x83: {  	[sflag:s9] =	ssyncset.done @!p0 $0x0  }
0x84: {  	s10 =	rddreg [dreg:$0x9];
	[sflag:s9] =	ssyncadd.s32 @!p0 $0xFFFFC000  }
0x85: {  	[spmem:s10] =	stream.linear.scatter @!p0 [tilespmem:s5], [sflag:$0x4], $0x4000, $0x38;
	[tilespmem:$0x1D580] =	vst v63  }
0x86: {  	_ =	swait.ge @!p0 [sflag:s9], $0x4000  }
0x87: {  	[sflag:s9] =	ssyncset.done @!p0 $0x0  }
0x88: {  	s28 =	simm.s32 $0x0;
	[sflag:s9] =	ssyncadd.s32 @!p0 $0xFFFFC000  }
0x89: {  	[tilespmem:s26], [sflag:$0x4] =	stream.linear.gather [hbm4b:s17+s28], $0x400, $0x38;
	[tilespmem:$0x1D580] =	vst v63  }
0x8a: {  	_ =	swait.ge [sflag:s22], $0x400  }
0x8b: {  	[sflag:s22] =	ssyncset.done $0x0  }
0x8c: {  	s16 =	simm.s32 $0x14A80;
	[sflag:s22] =	ssyncadd.s32 $0xFFFFFC00  }
0x8d: {  	[tilespmem:s16], [sflag:$0x4] =	stream.linear.gather [hbm4b:s18+s28], $0x400, $0x38;
	[tilespmem:$0x1D580] =	vst v63  }
.Ltmp3:
0x8e: {  	_ =	swait.ge [sflag:s22], $0x400;
	(pc) =	sbr.rel .LBB2_4-.Ltmp3, $4  }
0x8f: {  	[sflag:s22] =	ssyncset.done $0x0  }
0x90: {  	[sflag:s22] =	ssyncadd.s32 $0xFFFFFC00  }
0x91: {  	[bflag:$0x0] =	sbarrier.arrive $0xFFFF  }
0x92: {  	[tilespmem:s21], [sflag:$0x1] =	stream.indirect.gather [hbm4b:s1+s29], $0x80, s26, s29, $0xb8;
	[tilespmem:$0x1D580] =	vst v63  }
.LBB2_9:
0x93: {  	s10 =	simm.s32 $0x1  }
.LBB2_10:
0x94: {  	s12 =	sshll.u32 s10, $0xE;
	s13 =	sshll.u32 s10, $0x7  }
0x95: {  	s12 =	sand.u32 $0x4000, s12;
	s13 =	sand.u32 $0x780, s13  }
0x96: {  	s12 =	sadd.s32 $0x15280, s12;
	s13 =	sadd.s32 $0x14280, s13  }
0x97: {  	[tilespmem:s12], [sflag:$0x1] =	stream.indirect.gather [hbm4b:s1+s29], $0x80, s13, s29, $0xb8;
	[tilespmem:$0x1D580] =	vst v63  }
.LBB2_11:
0x98: {  	s12 =	sshll.u32 s28, $0xE;
	s9 =	sshll.u32 s9, $0xA;
	_ =	swait.ge [sflag:s30], $0x4000  }
0x99: {  	s5 =	sshll.u32 s5, $0x7;
	p1 =	slt.u32 s10, $0x50;
	s9 =	sand.u32 $0x400, s9  }
0x9a: {  	s12 =	sand.u32 $0x4000, s12;
	[sflag:s30] =	ssyncset.done $0x0;
	s5 =	sor.u32 s5, s9  }
0x9b: {  	s16 =	sadd.s32 $0x15280, s12;
	[sflag:s30] =	ssyncadd.s32 $0xFFFFC000;
	s5 =	sadd.s32 $0x14A80, s5  }
0x9c: {  	[spmem:s2] =	stream.indirect.scatter.add.f32 [tilespmem:s16], [sflag:$0x3], $0x80, s5, s29, $0xb8;
	[tilespmem:$0x1D580] =	vst v63  }
.Ltmp4:
0x9d: {  	_ = 	snop;
	(pc) =	sbr.rel @!p1 .LBB2_12-.Ltmp4, $4  }
0x9e: {  	[spmem:s3] =	stream.indirect.scatter.add.f32 [tilespmem:s31], [sflag:$0x4], $0x1, s5, s29, $0xb8;
	[tilespmem:$0x1D580] =	vst v63  }
0x9f: {  	_ =	swait.ge [sflag:s22], $0x80  }
0xa0: {  	[sflag:s22] =	ssyncset.done $0x0  }
0xa1: {  	s28 =	smov.u32 s10;
	[sflag:s22] =	ssyncadd.s32 $0xFFFFFF80  }
.LBB2_4:
0xa2: {  	s5 =	sand.u32 $0x7, s28;
	p1 =	sgt.u32 s28, $0x47  }
0xa3: {  	p2 =	seq.s32 @!p1 s5, $0x0  }
0xa4: {  	p2 =	por p1, !p2  }
.Ltmp5:
0xa5: {  	_ = 	snop;
	(pc) =	sbr.rel @p2 .LBB2_5-.Ltmp5, $2  }
0xa6: {  	_ =	sdelay $0x2  }
0xa7: {  	s9 =	sshrl.u32 s28, $0x3  }
0xa8: {  	s10 =	sadd.s32 $0x1, s9  }
0xa9: {  	p1 =	seq.s32 s28, $0x0;
	s12 =	sshll.u32 s10, $0xA;
	s10 =	sshll.u32 s10, $0x7  }
.Ltmp6:
0xaa: {  	s12 =	sand.u32 $0x400, s12;
	s10 =	sadd.s32 s11, s10;
	(pc) =	sbr.rel @!p1 .LBB2_6-.Ltmp6, $4  }
.Ltmp7:
0xab: {  	s13 =	sor.u32 $0x14280, s12;
	s16 =	sadd.s32 s6, s10;
	(pc) =	sbr.rel @p1 .LBB2_9-.Ltmp7, $4  }
0xac: {  	[tilespmem:s13], [sflag:$0x2] =	stream.linear.gather [hbm4b:s16+s4], $0x400, $0x38;
	[tilespmem:$0x1D580] =	vst v63  }
0xad: {  	s12 =	sor.u32 $0x14A80, s12;
	s10 =	sadd.s32 s7, s10  }
0xae: {  	[tilespmem:s12], [sflag:$0x2] =	stream.linear.gather [hbm4b:s10+s4], $0x400, $0x38;
	[tilespmem:$0x1D580] =	vst v63  }
0xaf: {  	_ = 	snop  }
.LBB2_5:
0xb0: {  	p2 =	sne.s32 @!p1 s5, $0x7  }
0xb1: {  	p1 =	por p2, p1  }
0xb2: {  	s10 =	simm.s32 @!p1 $0x2  }
0xb3: {  	_ =	swait.ge @!p1 [sflag:s10], $0x400  }
0xb4: {  	[sflag:s10] =	ssyncset.done @!p1 $0x0  }
0xb5: {  	[sflag:s10] =	ssyncadd.s32 @!p1 $0xFFFFFC00  }
0xb6: {  	_ =	swait.ge @!p1 [sflag:s10], $0x400  }
0xb7: {  	[sflag:s10] =	ssyncset.done @!p1 $0x0  }
0xb8: {  	[sflag:s10] =	ssyncadd.s32 @!p1 $0xFFFFFC00  }
.LBB2_6:
0xb9: {  	p1 =	seq.s32 s28, $0x4F  }
.Ltmp8:
0xba: {  	_ = 	snop;
	(pc) =	sbr.rel @p1 .LBB2_11-.Ltmp8, $4  }
0xbb: {  	_ = 	snop  }
0xbc: {  	_ =	swait.ge [sflag:s0], $0x4000  }
0xbd: {  	[sflag:s0] =	ssyncset.done $0x0  }
0xbe: {  	s10 =	simm.s32 $0x50;
	[sflag:s0] =	ssyncadd.s32 $0xFFFFC000  }
.Ltmp9:
0xbf: {  	(pc) =	sbr.rel .LBB2_10-.Ltmp9, $2  }
0xc0: {  	_ =	sdelay $0x2  }
0xc1: {  	s10 =	sadd.s32 $0x1, s28  }
.LBB2_13:
0xc2: {  	_ =	sfence.sel $0x180000  }
0xc3: {  	[bflag:$0x0] =	sbarrier.arrive $0xFFFF  }
0xc4: {  	_ =	strace $0x90000047  }
0xc5: {  	s0 =	stileid.u32;
	[bflag:$0x2] =	sbarrier.arrive $0xFFFF  }
0xc6: {  	p0 =	sne.s32 s0, $0x0;
	s0 =	rddreg [dreg:$0x4]  }
0xc7: {  	s0 =	sadd.s32 @!p0 $0x100000, s0  }
0xc8: {  	[sflag:s0] =	ssyncadd.tile.s32 @!p0 $0x1;
	_ =	shalt  }
.Lfunc_end2:
_tile_overlayer_lowered:
.L_overlay_start_2:
0xc9: {  	(tag) =	ssettag $0x2  }
0xca: {  	s0 =	rddreg [dreg:$0x0];
	s2 =	stileid.u32  }
0xcb: {  	s1 =	rddreg [dreg:$0x1];
	p0 =	sne.s32 s2, $0x0  }
0xcc: {  	s3 =	rddreg [dreg:$0x2];
	[bflag:$0x3] =	sbarrier.arrive $0xFFFF;
	s2 =	simm.s32 @!p0 $0x1C04  }
0xcd: {  	[timem:s3], [sflag:s2] =	dma.local @!p0 [hbm:s0], s1  }
0xce: {  	s0 =	simm.s32 @!p0 $0x4  }
0xcf: {  	_ =	swait.ge @!p0 [sflag:s0], s1  }
0xd0: {  	s1 =	ssub.s32 @!p0 $0x0, s1;
	[sflag:s0] =	ssyncset.done @!p0 $0x0  }
0xd1: {  	[sflag:s0] =	ssyncadd.s32 @!p0 s1  }
0xd2: {  	[bflag:$0x3] =	sbarrier.arrive $0xFFFF  }
0xd3: {  	_ =	shalt  }

</sc_bundles>
